<compile_context>
chip_gen: v7x
topology: tpu7x:2x2x1
jax: 0.10.2.dev20260603
libtpu: 0.0.44.dev20260713+nightly
codegen_flags: <defaults>
</compile_context>

<pallas_src>
import functools

import jax
import jax.numpy as jnp
from jax import lax
from jax.experimental import pallas as pl
from jax.experimental.pallas import tpu as pltpu
from jax.experimental.pallas import tpu_sc as plsc

NUM_USERS = 100000
D = 64
B = 16384
DEG = 32
TOT = B * DEG + B
TOT2 = TOT // 2
NW = 32
PER_W2 = TOT2 // NW
CH2 = 768
NCH = PER_W2 // CH2

BB2 = 512


def _sc_gather(idx_even, idx_odd, table_f, tot2, ch2, nch):
    mesh = plsc.VectorSubcoreMesh(core_axis_name="c", subcore_axis_name="s")
    per_w2 = tot2 // NW

    @functools.partial(
        pl.kernel,
        mesh=mesh,
        out_type=jax.ShapeDtypeStruct((tot2, 2 * D), jnp.float32),
        scratch_types=[
            pltpu.VMEM((ch2,), jnp.int32),
            pltpu.VMEM((ch2,), jnp.int32),
            pltpu.VMEM((ch2, D), jnp.float32),
            pltpu.VMEM((ch2, D), jnp.float32),
            pltpu.SemaphoreType.DMA,
        ],
        compiler_params=pltpu.CompilerParams(use_tc_tiling_on_sc=False),
    )
    def gather_k(ie_hbm, io_hbm, tab_hbm, out_hbm, ie_v, io_v, re_v, ro_v,
                 sem):
        wid = lax.axis_index("s") * 2 + lax.axis_index("c")
        base = wid * per_w2

        def body(i, carry):
            off = base + i * ch2
            pltpu.sync_copy(ie_hbm.at[pl.ds(off, ch2)], ie_v)
            pltpu.sync_copy(io_hbm.at[pl.ds(off, ch2)], io_v)
            c1 = pltpu.async_copy(tab_hbm.at[ie_v], re_v, sem)
            c2 = pltpu.async_copy(tab_hbm.at[io_v], ro_v, sem)
            c1.wait()
            c2.wait()
            pltpu.sync_copy(re_v, out_hbm.at[pl.ds(off, ch2), pl.ds(0, D)])
            pltpu.sync_copy(ro_v, out_hbm.at[pl.ds(off, ch2), pl.ds(D, D)])
            return carry

        lax.fori_loop(0, nch, body, 0)

    return gather_k(idx_even, idx_odd, table_f)


def _mlp_body(e_ref, u_ref, w1a_ref, w1b_ref, b1_ref, w2_ref, b2_ref,
              w3_ref, o_ref):
    uw = jnp.dot(u_ref[...].astype(jnp.bfloat16), w1b_ref[...],
                 preferred_element_type=jnp.float32) + b1_ref[...]
    E = e_ref[...]
    X = E.reshape(DEG * BB2, 2 * D).astype(jnp.bfloat16)
    UW = jnp.broadcast_to(uw[None], (DEG, BB2, 2 * D)).reshape(DEG * BB2, 2 * D)
    H = jnp.maximum(jnp.dot(X, w1a_ref[...],
                            preferred_element_type=jnp.float32) + UW, 0.0)
    H = jnp.maximum(jnp.dot(H.astype(jnp.bfloat16), w2_ref[...],
                            preferred_element_type=jnp.float32) + b2_ref[...], 0.0)
    S = jnp.dot(H.astype(jnp.bfloat16), w3_ref[...],
                preferred_element_type=jnp.float32)
    S3 = S.reshape(DEG, BB2, 2)
    m = S3[0]
    for n in range(1, DEG):
        m = jnp.maximum(m, S3[n])
    es = [jnp.exp(S3[n] - m) for n in range(DEG)]
    den = es[0]
    for n in range(1, DEG):
        den = den + es[n]
    inv = 1.0 / den
    wide = lambda v: jnp.concatenate(
        [jnp.broadcast_to(v[:, 0:1], (BB2, D)),
         jnp.broadcast_to(v[:, 1:2], (BB2, D))], axis=1)
    acc = wide(es[0]) * E[0]
    for n in range(1, DEG):
        acc = acc + wide(es[n]) * E[n]
    o_ref[...] = acc * wide(inv)


def _tc_mlp(e2, u2, w1a_bd, w1b_bd, b1_2, w2_bd, b2_2, w3_2):
    rows = e2.shape[1]
    grid = (rows // BB2,)
    full = lambda shape: pl.BlockSpec(shape, lambda i: (0,) * len(shape))
    return pl.pallas_call(
        _mlp_body,
        grid=grid,
        in_specs=[
            pl.BlockSpec((DEG, BB2, 2 * D), lambda i: (0, i, 0)),
            pl.BlockSpec((BB2, 2 * D), lambda i: (i, 0)),
            full((2 * D, 2 * D)), full((2 * D, 2 * D)), full((1, 2 * D)),
            full((2 * D, 2 * D)), full((1, 2 * D)),
            full((2 * D, 2)),
        ],
        out_specs=pl.BlockSpec((BB2, 2 * D), lambda i: (i, 0)),
        out_shape=jax.ShapeDtypeStruct((rows, 2 * D), jnp.float32),
    )(e2, u2, w1a_bd, w1b_bd, b1_2, w2_bd, b2_2, w3_2)


NC = 4


def kernel(nodes, to_neighs, table, W1, b1, W2, b2, W3, b3):
    tT = to_neighs.T.astype(jnp.int32)
    nodes32 = nodes.astype(jnp.int32)
    bf = jnp.bfloat16
    zz = jnp.zeros((D, D), bf)
    bd = lambda w: jnp.block([[w.astype(bf), zz], [zz, w.astype(bf)]])
    zcol = jnp.zeros((D, 1), bf)
    w3t = W3.T.astype(bf)
    w3_2 = jnp.concatenate(
        [jnp.concatenate([w3t, zcol], axis=0),
         jnp.concatenate([zcol, w3t], axis=0)], axis=1)
    w1a_bd = bd(W1[:, :D].T)
    w1b_bd = bd(W1[:, D:].T)
    w2_bd = bd(W2.T)
    b1_2 = jnp.tile(b1, 2).reshape(1, 2 * D)
    b2_2 = jnp.tile(b2, 2).reshape(1, 2 * D)

    bc = B // NC
    totc2 = (bc * DEG + bc) // 2
    ch2 = totc2 // NW // 3
    outs = []
    for c in range(NC):
        idx_c = jnp.concatenate(
            [tT[:, c * bc:(c + 1) * bc].reshape(-1),
             nodes32[c * bc:(c + 1) * bc]])
        g = _sc_gather(idx_c[0::2], idx_c[1::2], table, totc2, ch2, 3)
        e2 = g[: bc * DEG // 2].reshape(DEG, bc // 2, 2 * D)
        u2 = g[bc * DEG // 2:]
        outs.append(_tc_mlp(e2, u2, w1a_bd, w1b_bd, b1_2, w2_bd, b2_2,
                            w3_2))
    return jnp.concatenate(outs, axis=0).reshape(B, D)

# --- scband reference (transcript-rebuilt; emitter-appended) ---
"""Pipeline reference for scband-social-aggregator-62612033241850 (READ-ONLY COPY).

The authoritative reference and input builder live on the scoring server;
editing this copy changes nothing except your own understanding.
"""

import jax, jax.numpy as jnp
import numpy as np

NUM_USERS = 100000
EMBED_DIM = 64
B = 16384
DEG = 32


def setup_inputs(seed: int = 0) -> dict:
    key = jax.random.key(seed)
    ks = jax.random.split(key, 9)
    nodes = jax.random.randint(ks[0], (B,), 0, NUM_USERS)
    to_neighs = jax.random.randint(ks[1], (B, DEG), 0, NUM_USERS)
    # learned parameters: u2e embedding table + GraphRec-style Attention MLP
    table = jax.random.normal(ks[2], (NUM_USERS, EMBED_DIM), dtype=jnp.float32) * 0.05
    W1 = jax.random.normal(ks[3], (EMBED_DIM, 2 * EMBED_DIM), dtype=jnp.float32) * 0.05
    b1 = jnp.zeros((EMBED_DIM,), dtype=jnp.float32)
    W2 = jax.random.normal(ks[4], (EMBED_DIM, EMBED_DIM), dtype=jnp.float32) * 0.05
    b2 = jnp.zeros((EMBED_DIM,), dtype=jnp.float32)
    W3 = jax.random.normal(ks[5], (1, EMBED_DIM), dtype=jnp.float32) * 0.05
    b3 = jnp.zeros((1,), dtype=jnp.float32)
    return {"nodes": nodes, "to_neighs": to_neighs, "table": table,
            "W1": W1, "b1": b1, "W2": W2, "b2": b2, "W3": W3, "b3": b3}


def reference(nodes, to_neighs, table, W1, b1, W2, b2, W3, b3):
    # e_u = u2e.weight[list(tmp_adj)] for every node in the batch (fixed-degree DEG)
    e_u = jnp.take(table, to_neighs, axis=0)              # [B, DEG, D]
    # u_rep = u2e.weight[nodes[i]]
    u_rep = jnp.take(table, nodes, axis=0)                # [B, D]
    # Attention: uv_reps = u_rep.repeat(num_neighs, 1); x = cat((e_u, uv_reps), 1)
    u_tiled = jnp.broadcast_to(u_rep[:, None, :], e_u.shape)
    x = jnp.concatenate([e_u, u_tiled], axis=-1)          # [B, DEG, 2D]
    h = jax.nn.relu(jnp.einsum('bnd,kd->bnk', x, W1) + b1)
    # dropout is identity in eval mode
    h = jax.nn.relu(jnp.einsum('bnd,kd->bnk', h, W2) + b2)
    scores = jnp.einsum('bnd,kd->bnk', h, W3) + b3        # [B, DEG, 1]
    att = jax.nn.softmax(scores, axis=1)                  # softmax over neighbors
    # att_history = mm(e_u.t(), att_w).t() == weighted sum over neighbors
    out = jnp.sum(e_u * att, axis=1)                      # [B, D]
    return out

if __name__ == "__main__":
    import jax
    _d = setup_inputs()
    print(jax.jit(kernel)(*tuple(_d.values())))

</pallas_src>

<mosaic_0001>
#map = affine_map<(d0, d1) -> (0)>
#map1 = affine_map<(d0, d1) -> (0, 0)>
module attributes {stable_mosaic.version = 14 : i64} {
  func.func @gather_k(%arg0: i32, %arg1: i32, %arg2: memref<67584xi32, #tpu.memory_space<hbm>>, %arg3: memref<67584xi32, #tpu.memory_space<hbm>>, %arg4: memref<100000x64xf32, #tpu.memory_space<hbm>>, %arg5: memref<67584x128xf32, #tpu.memory_space<hbm>>, %arg6: memref<704xi32, #tpu.memory_space<vmem>>, %arg7: memref<704xi32, #tpu.memory_space<vmem>>, %arg8: memref<704x64xf32, #tpu.memory_space<vmem>>, %arg9: memref<704x64xf32, #tpu.memory_space<vmem>>, %arg10: memref<!tpu.dma_semaphore, #tpu.memory_space<semaphore_mem>>) attributes {dimension_semantics = [#tpu.dimension_semantics<core_parallel>, #tpu.dimension_semantics<subcore_parallel>], iteration_bounds = array<i64: 2, 16>, scalar_prefetch = 0 : i64, scratch_operands = 5 : i64, tpu.core_type = #tpu.core_type<sc_vector_subcore>, window_params = [{transform_indices = #map}, {transform_indices = #map}, {transform_indices = #map1}, {transform_indices = #map1}]} {
    %mul3A = arith.constant 2 : i32
    %mul3A_0 = arith.muli %arg1, %mul3A : i32
    %add3A = arith.addi %mul3A_0, %arg0 : i32
    %mul3A_1 = arith.constant 2112 : i32
    %mul3A_2 = arith.muli %add3A, %mul3A_1 : i32
    %scan3A = arith.constant 0 : i32
    %scan3A_3 = arith.constant 0 : i32
    %scan3A_4 = arith.constant 3 : i32
    %scan3A_5 = arith.addi %scan3A_3, %scan3A_4 : i32
    %scan3A_6 = arith.constant 1 : i32
    scf.for %scan3A_8 = %scan3A_3 to %scan3A_5 step %scan3A_6  : i32 {
      %mul3A_9 = arith.constant 704 : i32
      %mul3A_10 = arith.muli %scan3A_8, %mul3A_9 : i32
      %add3A_11 = arith.addi %mul3A_2, %mul3A_10 : i32
      "tpu.region"() ({
        %run_scoped3A = tpu.sem_alloc : memref<!tpu.dma_semaphore, #tpu.memory_space<semaphore_mem>>
        %dma_start3A_22 = tpu.memref_slice %arg2[%add3A_11] : memref<67584xi32, #tpu.memory_space<hbm>> -> memref<704xi32, #tpu.memory_space<hbm>>
        %dma_start3A_23 = tpu.memref_slice %arg2[%add3A_11] : memref<67584xi32, #tpu.memory_space<hbm>> -> memref<704xi32, #tpu.memory_space<hbm>>
        tpu.enqueue_dma source(%dma_start3A_23 : memref<704xi32, #tpu.memory_space<hbm>>) target(%arg6 : memref<704xi32, #tpu.memory_space<vmem>>) target_semaphore(%run_scoped3A : memref<!tpu.dma_semaphore, #tpu.memory_space<semaphore_mem>>)
        %dma_wait3A_24 = tpu.memref_slice %arg2[%add3A_11] : memref<67584xi32, #tpu.memory_space<hbm>> -> memref<704xi32, #tpu.memory_space<hbm>>
        %dma_wait3A_25 = tpu.memref_slice %arg2[%add3A_11] : memref<67584xi32, #tpu.memory_space<hbm>> -> memref<704xi32, #tpu.memory_space<hbm>>
        tpu.wait_dma2 semaphore(%run_scoped3A : memref<!tpu.dma_semaphore, #tpu.memory_space<semaphore_mem>>) src(%dma_wait3A_25 : memref<704xi32, #tpu.memory_space<hbm>>) dst(%arg6 : memref<704xi32, #tpu.memory_space<vmem>>)
        tpu.yield
      }) : () -> ()
      "tpu.region"() ({
        %run_scoped3A = tpu.sem_alloc : memref<!tpu.dma_semaphore, #tpu.memory_space<semaphore_mem>>
        %dma_start3A_22 = tpu.memref_slice %arg3[%add3A_11] : memref<67584xi32, #tpu.memory_space<hbm>> -> memref<704xi32, #tpu.memory_space<hbm>>
        %dma_start3A_23 = tpu.memref_slice %arg3[%add3A_11] : memref<67584xi32, #tpu.memory_space<hbm>> -> memref<704xi32, #tpu.memory_space<hbm>>
        tpu.enqueue_dma source(%dma_start3A_23 : memref<704xi32, #tpu.memory_space<hbm>>) target(%arg7 : memref<704xi32, #tpu.memory_space<vmem>>) target_semaphore(%run_scoped3A : memref<!tpu.dma_semaphore, #tpu.memory_space<semaphore_mem>>)
        %dma_wait3A_24 = tpu.memref_slice %arg3[%add3A_11] : memref<67584xi32, #tpu.memory_space<hbm>> -> memref<704xi32, #tpu.memory_space<hbm>>
        %dma_wait3A_25 = tpu.memref_slice %arg3[%add3A_11] : memref<67584xi32, #tpu.memory_space<hbm>> -> memref<704xi32, #tpu.memory_space<hbm>>
        tpu.wait_dma2 semaphore(%run_scoped3A : memref<!tpu.dma_semaphore, #tpu.memory_space<semaphore_mem>>) src(%dma_wait3A_25 : memref<704xi32, #tpu.memory_space<hbm>>) dst(%arg7 : memref<704xi32, #tpu.memory_space<vmem>>)
        tpu.yield
      }) : () -> ()
      %dma_start3A = arith.constant 0 : i32
      %dma_start3A_12 = arith.constant 0 : i32
      %dma_start3A_13 = tpu.memref_slice %arg4[%dma_start3A, %dma_start3A_12] : memref<100000x64xf32, #tpu.memory_space<hbm>> -> memref<100000x64xf32, #tpu.memory_space<hbm>>
      tpu.enqueue_indirect_dma source(%dma_start3A_13 : memref<100000x64xf32, #tpu.memory_space<hbm>>) target(%arg8 : memref<704x64xf32, #tpu.memory_space<vmem>>) offsets(%arg6 : memref<704xi32, #tpu.memory_space<vmem>>) semaphore(%arg10 : memref<!tpu.dma_semaphore, #tpu.memory_space<semaphore_mem>>)
      %dma_start3A_14 = arith.constant 0 : i32
      %dma_start3A_15 = arith.constant 0 : i32
      %dma_start3A_16 = tpu.memref_slice %arg4[%dma_start3A_14, %dma_start3A_15] : memref<100000x64xf32, #tpu.memory_space<hbm>> -> memref<100000x64xf32, #tpu.memory_space<hbm>>
      tpu.enqueue_indirect_dma source(%dma_start3A_16 : memref<100000x64xf32, #tpu.memory_space<hbm>>) target(%arg9 : memref<704x64xf32, #tpu.memory_space<vmem>>) offsets(%arg7 : memref<704xi32, #tpu.memory_space<vmem>>) semaphore(%arg10 : memref<!tpu.dma_semaphore, #tpu.memory_space<semaphore_mem>>)
      %dma_wait3A = arith.constant 0 : i32
      %dma_wait3A_17 = arith.constant 0 : i32
      %dma_wait3A_18 = tpu.memref_slice %arg4[%dma_wait3A, %dma_wait3A_17] : memref<100000x64xf32, #tpu.memory_space<hbm>> -> memref<100000x64xf32, #tpu.memory_space<hbm>>
      tpu.wait_indirect_dma semaphore(%arg10 : memref<!tpu.dma_semaphore, #tpu.memory_space<semaphore_mem>>) src(%dma_wait3A_18 : memref<100000x64xf32, #tpu.memory_space<hbm>>) dst(%arg8 : memref<704x64xf32, #tpu.memory_space<vmem>>)
      %dma_wait3A_19 = arith.constant 0 : i32
      %dma_wait3A_20 = arith.constant 0 : i32
      %dma_wait3A_21 = tpu.memref_slice %arg4[%dma_wait3A_19, %dma_wait3A_20] : memref<100000x64xf32, #tpu.memory_space<hbm>> -> memref<100000x64xf32, #tpu.memory_space<hbm>>
      tpu.wait_indirect_dma semaphore(%arg10 : memref<!tpu.dma_semaphore, #tpu.memory_space<semaphore_mem>>) src(%dma_wait3A_21 : memref<100000x64xf32, #tpu.memory_space<hbm>>) dst(%arg9 : memref<704x64xf32, #tpu.memory_space<vmem>>)
      "tpu.region"() ({
        %run_scoped3A = tpu.sem_alloc : memref<!tpu.dma_semaphore, #tpu.memory_space<semaphore_mem>>
        %dma_start3A_22 = arith.constant 0 : i32
        %dma_start3A_23 = tpu.memref_slice %arg5[%add3A_11, %dma_start3A_22] : memref<67584x128xf32, #tpu.memory_space<hbm>> -> memref<704x64xf32, #tpu.memory_space<hbm>>
        %dma_start3A_24 = arith.constant 0 : i32
        %dma_start3A_25 = tpu.memref_slice %arg5[%add3A_11, %dma_start3A_24] : memref<67584x128xf32, #tpu.memory_space<hbm>> -> memref<704x64xf32, #tpu.memory_space<hbm>>
        tpu.enqueue_dma source(%arg8 : memref<704x64xf32, #tpu.memory_space<vmem>>) target(%dma_start3A_25 : memref<704x64xf32, #tpu.memory_space<hbm>>) target_semaphore(%run_scoped3A : memref<!tpu.dma_semaphore, #tpu.memory_space<semaphore_mem>>)
        %dma_wait3A_26 = arith.constant 0 : i32
        %dma_wait3A_27 = tpu.memref_slice %arg5[%add3A_11, %dma_wait3A_26] : memref<67584x128xf32, #tpu.memory_space<hbm>> -> memref<704x64xf32, #tpu.memory_space<hbm>>
        %dma_wait3A_28 = arith.constant 0 : i32
        %dma_wait3A_29 = tpu.memref_slice %arg5[%add3A_11, %dma_wait3A_28] : memref<67584x128xf32, #tpu.memory_space<hbm>> -> memref<704x64xf32, #tpu.memory_space<hbm>>
        tpu.wait_dma2 semaphore(%run_scoped3A : memref<!tpu.dma_semaphore, #tpu.memory_space<semaphore_mem>>) src(%arg8 : memref<704x64xf32, #tpu.memory_space<vmem>>) dst(%dma_wait3A_29 : memref<704x64xf32, #tpu.memory_space<hbm>>)
        tpu.yield
      }) : () -> ()
      "tpu.region"() ({
        %run_scoped3A = tpu.sem_alloc : memref<!tpu.dma_semaphore, #tpu.memory_space<semaphore_mem>>
        %dma_start3A_22 = arith.constant 64 : i32
        %dma_start3A_23 = tpu.memref_slice %arg5[%add3A_11, %dma_start3A_22] : memref<67584x128xf32, #tpu.memory_space<hbm>> -> memref<704x64xf32, #tpu.memory_space<hbm>>
        %dma_start3A_24 = arith.constant 64 : i32
        %dma_start3A_25 = tpu.memref_slice %arg5[%add3A_11, %dma_start3A_24] : memref<67584x128xf32, #tpu.memory_space<hbm>> -> memref<704x64xf32, #tpu.memory_space<hbm>>
        tpu.enqueue_dma source(%arg9 : memref<704x64xf32, #tpu.memory_space<vmem>>) target(%dma_start3A_25 : memref<704x64xf32, #tpu.memory_space<hbm>>) target_semaphore(%run_scoped3A : memref<!tpu.dma_semaphore, #tpu.memory_space<semaphore_mem>>)
        %dma_wait3A_26 = arith.constant 64 : i32
        %dma_wait3A_27 = tpu.memref_slice %arg5[%add3A_11, %dma_wait3A_26] : memref<67584x128xf32, #tpu.memory_space<hbm>> -> memref<704x64xf32, #tpu.memory_space<hbm>>
        %dma_wait3A_28 = arith.constant 64 : i32
        %dma_wait3A_29 = tpu.memref_slice %arg5[%add3A_11, %dma_wait3A_28] : memref<67584x128xf32, #tpu.memory_space<hbm>> -> memref<704x64xf32, #tpu.memory_space<hbm>>
        tpu.wait_dma2 semaphore(%run_scoped3A : memref<!tpu.dma_semaphore, #tpu.memory_space<semaphore_mem>>) src(%arg9 : memref<704x64xf32, #tpu.memory_space<vmem>>) dst(%dma_wait3A_29 : memref<704x64xf32, #tpu.memory_space<hbm>>)
        tpu.yield
      }) : () -> ()
    }
    %scan3A_7 = arith.constant 3 : i32
    return
  }
}

#map = affine_map<(d0, d1) -> (0)>
#map1 = affine_map<(d0, d1) -> (0, 0)>
module attributes {stable_mosaic.version = 14 : i64} {
  func.func @gather_k(%arg0: i32, %arg1: i32, %arg2: memref<67584xi32, #tpu.memory_space<hbm>>, %arg3: memref<67584xi32, #tpu.memory_space<hbm>>, %arg4: memref<100000x64xf32, #tpu.memory_space<hbm>>, %arg5: memref<67584x128xf32, #tpu.memory_space<hbm>>, %arg6: memref<704xi32, #tpu.memory_space<vmem>>, %arg7: memref<704xi32, #tpu.memory_space<vmem>>, %arg8: memref<704x64xf32, #tpu.memory_space<vmem>>, %arg9: memref<704x64xf32, #tpu.memory_space<vmem>>, %arg10: memref<!tpu.dma_semaphore, #tpu.memory_space<semaphore_mem>>) attributes {dimension_semantics = [#tpu.dimension_semantics<core_parallel>, #tpu.dimension_semantics<subcore_parallel>], iteration_bounds = array<i64: 2, 16>, scalar_prefetch = 0 : i64, scratch_operands = 5 : i64, tpu.core_type = #tpu.core_type<sc_vector_subcore>, window_params = [{transform_indices = #map}, {transform_indices = #map}, {transform_indices = #map1}, {transform_indices = #map1}]} {
    %mul3A = arith.constant 2 : i32
    %mul3A_0 = arith.muli %arg1, %mul3A : i32
    %add3A = arith.addi %mul3A_0, %arg0 : i32
    %mul3A_1 = arith.constant 2112 : i32
    %mul3A_2 = arith.muli %add3A, %mul3A_1 : i32
    %scan3A = arith.constant 0 : i32
    %scan3A_3 = arith.constant 0 : i32
    %scan3A_4 = arith.constant 3 : i32
    %scan3A_5 = arith.addi %scan3A_3, %scan3A_4 : i32
    %scan3A_6 = arith.constant 1 : i32
    scf.for %scan3A_8 = %scan3A_3 to %scan3A_5 step %scan3A_6  : i32 {
      %mul3A_9 = arith.constant 704 : i32
      %mul3A_10 = arith.muli %scan3A_8, %mul3A_9 : i32
      %add3A_11 = arith.addi %mul3A_2, %mul3A_10 : i32
      "tpu.region"() ({
        %run_scoped3A = tpu.sem_alloc : memref<!tpu.dma_semaphore, #tpu.memory_space<semaphore_mem>>
        %dma_start3A_22 = tpu.memref_slice %arg2[%add3A_11] : memref<67584xi32, #tpu.memory_space<hbm>> -> memref<704xi32, #tpu.memory_space<hbm>>
        %dma_start3A_23 = tpu.memref_slice %arg2[%add3A_11] : memref<67584xi32, #tpu.memory_space<hbm>> -> memref<704xi32, #tpu.memory_space<hbm>>
        tpu.enqueue_dma source(%dma_start3A_23 : memref<704xi32, #tpu.memory_space<hbm>>) target(%arg6 : memref<704xi32, #tpu.memory_space<vmem>>) target_semaphore(%run_scoped3A : memref<!tpu.dma_semaphore, #tpu.memory_space<semaphore_mem>>)
        %dma_wait3A_24 = tpu.memref_slice %arg2[%add3A_11] : memref<67584xi32, #tpu.memory_space<hbm>> -> memref<704xi32, #tpu.memory_space<hbm>>
        %dma_wait3A_25 = tpu.memref_slice %arg2[%add3A_11] : memref<67584xi32, #tpu.memory_space<hbm>> -> memref<704xi32, #tpu.memory_space<hbm>>
        tpu.wait_dma2 semaphore(%run_scoped3A : memref<!tpu.dma_semaphore, #tpu.memory_space<semaphore_mem>>) src(%dma_wait3A_25 : memref<704xi32, #tpu.memory_space<hbm>>) dst(%arg6 : memref<704xi32, #tpu.memory_space<vmem>>)
        tpu.yield
      }) : () -> ()
      "tpu.region"() ({
        %run_scoped3A = tpu.sem_alloc : memref<!tpu.dma_semaphore, #tpu.memory_space<semaphore_mem>>
        %dma_start3A_22 = tpu.memref_slice %arg3[%add3A_11] : memref<67584xi32, #tpu.memory_space<hbm>> -> memref<704xi32, #tpu.memory_space<hbm>>
        %dma_start3A_23 = tpu.memref_slice %arg3[%add3A_11] : memref<67584xi32, #tpu.memory_space<hbm>> -> memref<704xi32, #tpu.memory_space<hbm>>
        tpu.enqueue_dma source(%dma_start3A_23 : memref<704xi32, #tpu.memory_space<hbm>>) target(%arg7 : memref<704xi32, #tpu.memory_space<vmem>>) target_semaphore(%run_scoped3A : memref<!tpu.dma_semaphore, #tpu.memory_space<semaphore_mem>>)
        %dma_wait3A_24 = tpu.memref_slice %arg3[%add3A_11] : memref<67584xi32, #tpu.memory_space<hbm>> -> memref<704xi32, #tpu.memory_space<hbm>>
        %dma_wait3A_25 = tpu.memref_slice %arg3[%add3A_11] : memref<67584xi32, #tpu.memory_space<hbm>> -> memref<704xi32, #tpu.memory_space<hbm>>
        tpu.wait_dma2 semaphore(%run_scoped3A : memref<!tpu.dma_semaphore, #tpu.memory_space<semaphore_mem>>) src(%dma_wait3A_25 : memref<704xi32, #tpu.memory_space<hbm>>) dst(%arg7 : memref<704xi32, #tpu.memory_space<vmem>>)
        tpu.yield
      }) : () -> ()
      %dma_start3A = arith.constant 0 : i32
      %dma_start3A_12 = arith.constant 0 : i32
      %dma_start3A_13 = tpu.memref_slice %arg4[%dma_start3A, %dma_start3A_12] : memref<100000x64xf32, #tpu.memory_space<hbm>> -> memref<100000x64xf32, #tpu.memory_space<hbm>>
      tpu.enqueue_indirect_dma source(%dma_start3A_13 : memref<100000x64xf32, #tpu.memory_space<hbm>>) target(%arg8 : memref<704x64xf32, #tpu.memory_space<vmem>>) offsets(%arg6 : memref<704xi32, #tpu.memory_space<vmem>>) semaphore(%arg10 : memref<!tpu.dma_semaphore, #tpu.memory_space<semaphore_mem>>)
      %dma_start3A_14 = arith.constant 0 : i32
      %dma_start3A_15 = arith.constant 0 : i32
      %dma_start3A_16 = tpu.memref_slice %arg4[%dma_start3A_14, %dma_start3A_15] : memref<100000x64xf32, #tpu.memory_space<hbm>> -> memref<100000x64xf32, #tpu.memory_space<hbm>>
      tpu.enqueue_indirect_dma source(%dma_start3A_16 : memref<100000x64xf32, #tpu.memory_space<hbm>>) target(%arg9 : memref<704x64xf32, #tpu.memory_space<vmem>>) offsets(%arg7 : memref<704xi32, #tpu.memory_space<vmem>>) semaphore(%arg10 : memref<!tpu.dma_semaphore, #tpu.memory_space<semaphore_mem>>)
      %dma_wait3A = arith.constant 0 : i32
      %dma_wait3A_17 = arith.constant 0 : i32
      %dma_wait3A_18 = tpu.memref_slice %arg4[%dma_wait3A, %dma_wait3A_17] : memref<100000x64xf32, #tpu.memory_space<hbm>> -> memref<100000x64xf32, #tpu.memory_space<hbm>>
      tpu.wait_indirect_dma semaphore(%arg10 : memref<!tpu.dma_semaphore, #tpu.memory_space<semaphore_mem>>) src(%dma_wait3A_18 : memref<100000x64xf32, #tpu.memory_space<hbm>>) dst(%arg8 : memref<704x64xf32, #tpu.memory_space<vmem>>)
      %dma_wait3A_19 = arith.constant 0 : i32
      %dma_wait3A_20 = arith.constant 0 : i32
      %dma_wait3A_21 = tpu.memref_slice %arg4[%dma_wait3A_19, %dma_wait3A_20] : memref<100000x64xf32, #tpu.memory_space<hbm>> -> memref<100000x64xf32, #tpu.memory_space<hbm>>
      tpu.wait_indirect_dma semaphore(%arg10 : memref<!tpu.dma_semaphore, #tpu.memory_space<semaphore_mem>>) src(%dma_wait3A_21 : memref<100000x64xf32, #tpu.memory_space<hbm>>) dst(%arg9 : memref<704x64xf32, #tpu.memory_space<vmem>>)
      "tpu.region"() ({
        %run_scoped3A = tpu.sem_alloc : memref<!tpu.dma_semaphore, #tpu.memory_space<semaphore_mem>>
        %dma_start3A_22 = arith.constant 0 : i32
        %dma_start3A_23 = tpu.memref_slice %arg5[%add3A_11, %dma_start3A_22] : memref<67584x128xf32, #tpu.memory_space<hbm>> -> memref<704x64xf32, #tpu.memory_space<hbm>>
        %dma_start3A_24 = arith.constant 0 : i32
        %dma_start3A_25 = tpu.memref_slice %arg5[%add3A_11, %dma_start3A_24] : memref<67584x128xf32, #tpu.memory_space<hbm>> -> memref<704x64xf32, #tpu.memory_space<hbm>>
        tpu.enqueue_dma source(%arg8 : memref<704x64xf32, #tpu.memory_space<vmem>>) target(%dma_start3A_25 : memref<704x64xf32, #tpu.memory_space<hbm>>) target_semaphore(%run_scoped3A : memref<!tpu.dma_semaphore, #tpu.memory_space<semaphore_mem>>)
        %dma_wait3A_26 = arith.constant 0 : i32
        %dma_wait3A_27 = tpu.memref_slice %arg5[%add3A_11, %dma_wait3A_26] : memref<67584x128xf32, #tpu.memory_space<hbm>> -> memref<704x64xf32, #tpu.memory_space<hbm>>
        %dma_wait3A_28 = arith.constant 0 : i32
        %dma_wait3A_29 = tpu.memref_slice %arg5[%add3A_11, %dma_wait3A_28] : memref<67584x128xf32, #tpu.memory_space<hbm>> -> memref<704x64xf32, #tpu.memory_space<hbm>>
        tpu.wait_dma2 semaphore(%run_scoped3A : memref<!tpu.dma_semaphore, #tpu.memory_space<semaphore_mem>>) src(%arg8 : memref<704x64xf32, #tpu.memory_space<vmem>>) dst(%dma_wait3A_29 : memref<704x64xf32, #tpu.memory_space<hbm>>)
        tpu.yield
      }) : () -> ()
      "tpu.region"() ({
        %run_scoped3A = tpu.sem_alloc : memref<!tpu.dma_semaphore, #tpu.memory_space<semaphore_mem>>
        %dma_start3A_22 = arith.constant 64 : i32
        %dma_start3A_23 = tpu.memref_slice %arg5[%add3A_11, %dma_start3A_22] : memref<67584x128xf32, #tpu.memory_space<hbm>> -> memref<704x64xf32, #tpu.memory_space<hbm>>
        %dma_start3A_24 = arith.constant 64 : i32
        %dma_start3A_25 = tpu.memref_slice %arg5[%add3A_11, %dma_start3A_24] : memref<67584x128xf32, #tpu.memory_space<hbm>> -> memref<704x64xf32, #tpu.memory_space<hbm>>
        tpu.enqueue_dma source(%arg9 : memref<704x64xf32, #tpu.memory_space<vmem>>) target(%dma_start3A_25 : memref<704x64xf32, #tpu.memory_space<hbm>>) target_semaphore(%run_scoped3A : memref<!tpu.dma_semaphore, #tpu.memory_space<semaphore_mem>>)
        %dma_wait3A_26 = arith.constant 64 : i32
        %dma_wait3A_27 = tpu.memref_slice %arg5[%add3A_11, %dma_wait3A_26] : memref<67584x128xf32, #tpu.memory_space<hbm>> -> memref<704x64xf32, #tpu.memory_space<hbm>>
        %dma_wait3A_28 = arith.constant 64 : i32
        %dma_wait3A_29 = tpu.memref_slice %arg5[%add3A_11, %dma_wait3A_28] : memref<67584x128xf32, #tpu.memory_space<hbm>> -> memref<704x64xf32, #tpu.memory_space<hbm>>
        tpu.wait_dma2 semaphore(%run_scoped3A : memref<!tpu.dma_semaphore, #tpu.memory_space<semaphore_mem>>) src(%arg9 : memref<704x64xf32, #tpu.memory_space<vmem>>) dst(%dma_wait3A_29 : memref<704x64xf32, #tpu.memory_space<hbm>>)
        tpu.yield
      }) : () -> ()
    }
    %scan3A_7 = arith.constant 3 : i32
    return
  }
}

#map = affine_map<(d0, d1) -> (0)>
#map1 = affine_map<(d0, d1) -> (0, 0)>
module attributes {stable_mosaic.version = 14 : i64} {
  func.func @gather_k(%arg0: i32, %arg1: i32, %arg2: memref<67584xi32, #tpu.memory_space<hbm>>, %arg3: memref<67584xi32, #tpu.memory_space<hbm>>, %arg4: memref<100000x64xf32, #tpu.memory_space<hbm>>, %arg5: memref<67584x128xf32, #tpu.memory_space<hbm>>, %arg6: memref<704xi32, #tpu.memory_space<vmem>>, %arg7: memref<704xi32, #tpu.memory_space<vmem>>, %arg8: memref<704x64xf32, #tpu.memory_space<vmem>>, %arg9: memref<704x64xf32, #tpu.memory_space<vmem>>, %arg10: memref<!tpu.dma_semaphore, #tpu.memory_space<semaphore_mem>>) attributes {dimension_semantics = [#tpu.dimension_semantics<core_parallel>, #tpu.dimension_semantics<subcore_parallel>], iteration_bounds = array<i64: 2, 16>, scalar_prefetch = 0 : i64, scratch_operands = 5 : i64, tpu.core_type = #tpu.core_type<sc_vector_subcore>, window_params = [{transform_indices = #map}, {transform_indices = #map}, {transform_indices = #map1}, {transform_indices = #map1}]} {
    %mul3A = arith.constant 2 : i32
    %mul3A_0 = arith.muli %arg1, %mul3A : i32
    %add3A = arith.addi %mul3A_0, %arg0 : i32
    %mul3A_1 = arith.constant 2112 : i32
    %mul3A_2 = arith.muli %add3A, %mul3A_1 : i32
    %scan3A = arith.constant 0 : i32
    %scan3A_3 = arith.constant 0 : i32
    %scan3A_4 = arith.constant 3 : i32
    %scan3A_5 = arith.addi %scan3A_3, %scan3A_4 : i32
    %scan3A_6 = arith.constant 1 : i32
    scf.for %scan3A_8 = %scan3A_3 to %scan3A_5 step %scan3A_6  : i32 {
      %mul3A_9 = arith.constant 704 : i32
      %mul3A_10 = arith.muli %scan3A_8, %mul3A_9 : i32
      %add3A_11 = arith.addi %mul3A_2, %mul3A_10 : i32
      "tpu.region"() ({
        %run_scoped3A = tpu.sem_alloc : memref<!tpu.dma_semaphore, #tpu.memory_space<semaphore_mem>>
        %dma_start3A_22 = tpu.memref_slice %arg2[%add3A_11] : memref<67584xi32, #tpu.memory_space<hbm>> -> memref<704xi32, #tpu.memory_space<hbm>>
        %dma_start3A_23 = tpu.memref_slice %arg2[%add3A_11] : memref<67584xi32, #tpu.memory_space<hbm>> -> memref<704xi32, #tpu.memory_space<hbm>>
        tpu.enqueue_dma source(%dma_start3A_23 : memref<704xi32, #tpu.memory_space<hbm>>) target(%arg6 : memref<704xi32, #tpu.memory_space<vmem>>) target_semaphore(%run_scoped3A : memref<!tpu.dma_semaphore, #tpu.memory_space<semaphore_mem>>)
        %dma_wait3A_24 = tpu.memref_slice %arg2[%add3A_11] : memref<67584xi32, #tpu.memory_space<hbm>> -> memref<704xi32, #tpu.memory_space<hbm>>
        %dma_wait3A_25 = tpu.memref_slice %arg2[%add3A_11] : memref<67584xi32, #tpu.memory_space<hbm>> -> memref<704xi32, #tpu.memory_space<hbm>>
        tpu.wait_dma2 semaphore(%run_scoped3A : memref<!tpu.dma_semaphore, #tpu.memory_space<semaphore_mem>>) src(%dma_wait3A_25 : memref<704xi32, #tpu.memory_space<hbm>>) dst(%arg6 : memref<704xi32, #tpu.memory_space<vmem>>)
        tpu.yield
      }) : () -> ()
      "tpu.region"() ({
        %run_scoped3A = tpu.sem_alloc : memref<!tpu.dma_semaphore, #tpu.memory_space<semaphore_mem>>
        %dma_start3A_22 = tpu.memref_slice %arg3[%add3A_11] : memref<67584xi32, #tpu.memory_space<hbm>> -> memref<704xi32, #tpu.memory_space<hbm>>
        %dma_start3A_23 = tpu.memref_slice %arg3[%add3A_11] : memref<67584xi32, #tpu.memory_space<hbm>> -> memref<704xi32, #tpu.memory_space<hbm>>
        tpu.enqueue_dma source(%dma_start3A_23 : memref<704xi32, #tpu.memory_space<hbm>>) target(%arg7 : memref<704xi32, #tpu.memory_space<vmem>>) target_semaphore(%run_scoped3A : memref<!tpu.dma_semaphore, #tpu.memory_space<semaphore_mem>>)
        %dma_wait3A_24 = tpu.memref_slice %arg3[%add3A_11] : memref<67584xi32, #tpu.memory_space<hbm>> -> memref<704xi32, #tpu.memory_space<hbm>>
        %dma_wait3A_25 = tpu.memref_slice %arg3[%add3A_11] : memref<67584xi32, #tpu.memory_space<hbm>> -> memref<704xi32, #tpu.memory_space<hbm>>
        tpu.wait_dma2 semaphore(%run_scoped3A : memref<!tpu.dma_semaphore, #tpu.memory_space<semaphore_mem>>) src(%dma_wait3A_25 : memref<704xi32, #tpu.memory_space<hbm>>) dst(%arg7 : memref<704xi32, #tpu.memory_space<vmem>>)
        tpu.yield
      }) : () -> ()
      %dma_start3A = arith.constant 0 : i32
      %dma_start3A_12 = arith.constant 0 : i32
      %dma_start3A_13 = tpu.memref_slice %arg4[%dma_start3A, %dma_start3A_12] : memref<100000x64xf32, #tpu.memory_space<hbm>> -> memref<100000x64xf32, #tpu.memory_space<hbm>>
      tpu.enqueue_indirect_dma source(%dma_start3A_13 : memref<100000x64xf32, #tpu.memory_space<hbm>>) target(%arg8 : memref<704x64xf32, #tpu.memory_space<vmem>>) offsets(%arg6 : memref<704xi32, #tpu.memory_space<vmem>>) semaphore(%arg10 : memref<!tpu.dma_semaphore, #tpu.memory_space<semaphore_mem>>)
      %dma_start3A_14 = arith.constant 0 : i32
      %dma_start3A_15 = arith.constant 0 : i32
      %dma_start3A_16 = tpu.memref_slice %arg4[%dma_start3A_14, %dma_start3A_15] : memref<100000x64xf32, #tpu.memory_space<hbm>> -> memref<100000x64xf32, #tpu.memory_space<hbm>>
      tpu.enqueue_indirect_dma source(%dma_start3A_16 : memref<100000x64xf32, #tpu.memory_space<hbm>>) target(%arg9 : memref<704x64xf32, #tpu.memory_space<vmem>>) offsets(%arg7 : memref<704xi32, #tpu.memory_space<vmem>>) semaphore(%arg10 : memref<!tpu.dma_semaphore, #tpu.memory_space<semaphore_mem>>)
      %dma_wait3A = arith.constant 0 : i32
      %dma_wait3A_17 = arith.constant 0 : i32
      %dma_wait3A_18 = tpu.memref_slice %arg4[%dma_wait3A, %dma_wait3A_17] : memref<100000x64xf32, #tpu.memory_space<hbm>> -> memref<100000x64xf32, #tpu.memory_space<hbm>>
      tpu.wait_indirect_dma semaphore(%arg10 : memref<!tpu.dma_semaphore, #tpu.memory_space<semaphore_mem>>) src(%dma_wait3A_18 : memref<100000x64xf32, #tpu.memory_space<hbm>>) dst(%arg8 : memref<704x64xf32, #tpu.memory_space<vmem>>)
      %dma_wait3A_19 = arith.constant 0 : i32
      %dma_wait3A_20 = arith.constant 0 : i32
      %dma_wait3A_21 = tpu.memref_slice %arg4[%dma_wait3A_19, %dma_wait3A_20] : memref<100000x64xf32, #tpu.memory_space<hbm>> -> memref<100000x64xf32, #tpu.memory_space<hbm>>
      tpu.wait_indirect_dma semaphore(%arg10 : memref<!tpu.dma_semaphore, #tpu.memory_space<semaphore_mem>>) src(%dma_wait3A_21 : memref<100000x64xf32, #tpu.memory_space<hbm>>) dst(%arg9 : memref<704x64xf32, #tpu.memory_space<vmem>>)
      "tpu.region"() ({
        %run_scoped3A = tpu.sem_alloc : memref<!tpu.dma_semaphore, #tpu.memory_space<semaphore_mem>>
        %dma_start3A_22 = arith.constant 0 : i32
        %dma_start3A_23 = tpu.memref_slice %arg5[%add3A_11, %dma_start3A_22] : memref<67584x128xf32, #tpu.memory_space<hbm>> -> memref<704x64xf32, #tpu.memory_space<hbm>>
        %dma_start3A_24 = arith.constant 0 : i32
        %dma_start3A_25 = tpu.memref_slice %arg5[%add3A_11, %dma_start3A_24] : memref<67584x128xf32, #tpu.memory_space<hbm>> -> memref<704x64xf32, #tpu.memory_space<hbm>>
        tpu.enqueue_dma source(%arg8 : memref<704x64xf32, #tpu.memory_space<vmem>>) target(%dma_start3A_25 : memref<704x64xf32, #tpu.memory_space<hbm>>) target_semaphore(%run_scoped3A : memref<!tpu.dma_semaphore, #tpu.memory_space<semaphore_mem>>)
        %dma_wait3A_26 = arith.constant 0 : i32
        %dma_wait3A_27 = tpu.memref_slice %arg5[%add3A_11, %dma_wait3A_26] : memref<67584x128xf32, #tpu.memory_space<hbm>> -> memref<704x64xf32, #tpu.memory_space<hbm>>
        %dma_wait3A_28 = arith.constant 0 : i32
        %dma_wait3A_29 = tpu.memref_slice %arg5[%add3A_11, %dma_wait3A_28] : memref<67584x128xf32, #tpu.memory_space<hbm>> -> memref<704x64xf32, #tpu.memory_space<hbm>>
        tpu.wait_dma2 semaphore(%run_scoped3A : memref<!tpu.dma_semaphore, #tpu.memory_space<semaphore_mem>>) src(%arg8 : memref<704x64xf32, #tpu.memory_space<vmem>>) dst(%dma_wait3A_29 : memref<704x64xf32, #tpu.memory_space<hbm>>)
        tpu.yield
      }) : () -> ()
      "tpu.region"() ({
        %run_scoped3A = tpu.sem_alloc : memref<!tpu.dma_semaphore, #tpu.memory_space<semaphore_mem>>
        %dma_start3A_22 = arith.constant 64 : i32
        %dma_start3A_23 = tpu.memref_slice %arg5[%add3A_11, %dma_start3A_22] : memref<67584x128xf32, #tpu.memory_space<hbm>> -> memref<704x64xf32, #tpu.memory_space<hbm>>
        %dma_start3A_24 = arith.constant 64 : i32
        %dma_start3A_25 = tpu.memref_slice %arg5[%add3A_11, %dma_start3A_24] : memref<67584x128xf32, #tpu.memory_space<hbm>> -> memref<704x64xf32, #tpu.memory_space<hbm>>
        tpu.enqueue_dma source(%arg9 : memref<704x64xf32, #tpu.memory_space<vmem>>) target(%dma_start3A_25 : memref<704x64xf32, #tpu.memory_space<hbm>>) target_semaphore(%run_scoped3A : memref<!tpu.dma_semaphore, #tpu.memory_space<semaphore_mem>>)
        %dma_wait3A_26 = arith.constant 64 : i32
        %dma_wait3A_27 = tpu.memref_slice %arg5[%add3A_11, %dma_wait3A_26] : memref<67584x128xf32, #tpu.memory_space<hbm>> -> memref<704x64xf32, #tpu.memory_space<hbm>>
        %dma_wait3A_28 = arith.constant 64 : i32
        %dma_wait3A_29 = tpu.memref_slice %arg5[%add3A_11, %dma_wait3A_28] : memref<67584x128xf32, #tpu.memory_space<hbm>> -> memref<704x64xf32, #tpu.memory_space<hbm>>
        tpu.wait_dma2 semaphore(%run_scoped3A : memref<!tpu.dma_semaphore, #tpu.memory_space<semaphore_mem>>) src(%arg9 : memref<704x64xf32, #tpu.memory_space<vmem>>) dst(%dma_wait3A_29 : memref<704x64xf32, #tpu.memory_space<hbm>>)
        tpu.yield
      }) : () -> ()
    }
    %scan3A_7 = arith.constant 3 : i32
    return
  }
}

#map = affine_map<(d0, d1) -> (0)>
#map1 = affine_map<(d0, d1) -> (0, 0)>
module attributes {stable_mosaic.version = 14 : i64} {
  func.func @gather_k(%arg0: i32, %arg1: i32, %arg2: memref<67584xi32, #tpu.memory_space<hbm>>, %arg3: memref<67584xi32, #tpu.memory_space<hbm>>, %arg4: memref<100000x64xf32, #tpu.memory_space<hbm>>, %arg5: memref<67584x128xf32, #tpu.memory_space<hbm>>, %arg6: memref<704xi32, #tpu.memory_space<vmem>>, %arg7: memref<704xi32, #tpu.memory_space<vmem>>, %arg8: memref<704x64xf32, #tpu.memory_space<vmem>>, %arg9: memref<704x64xf32, #tpu.memory_space<vmem>>, %arg10: memref<!tpu.dma_semaphore, #tpu.memory_space<semaphore_mem>>) attributes {dimension_semantics = [#tpu.dimension_semantics<core_parallel>, #tpu.dimension_semantics<subcore_parallel>], iteration_bounds = array<i64: 2, 16>, scalar_prefetch = 0 : i64, scratch_operands = 5 : i64, tpu.core_type = #tpu.core_type<sc_vector_subcore>, window_params = [{transform_indices = #map}, {transform_indices = #map}, {transform_indices = #map1}, {transform_indices = #map1}]} {
    %mul3A = arith.constant 2 : i32
    %mul3A_0 = arith.muli %arg1, %mul3A : i32
    %add3A = arith.addi %mul3A_0, %arg0 : i32
    %mul3A_1 = arith.constant 2112 : i32
    %mul3A_2 = arith.muli %add3A, %mul3A_1 : i32
    %scan3A = arith.constant 0 : i32
    %scan3A_3 = arith.constant 0 : i32
    %scan3A_4 = arith.constant 3 : i32
    %scan3A_5 = arith.addi %scan3A_3, %scan3A_4 : i32
    %scan3A_6 = arith.constant 1 : i32
    scf.for %scan3A_8 = %scan3A_3 to %scan3A_5 step %scan3A_6  : i32 {
      %mul3A_9 = arith.constant 704 : i32
      %mul3A_10 = arith.muli %scan3A_8, %mul3A_9 : i32
      %add3A_11 = arith.addi %mul3A_2, %mul3A_10 : i32
      "tpu.region"() ({
        %run_scoped3A = tpu.sem_alloc : memref<!tpu.dma_semaphore, #tpu.memory_space<semaphore_mem>>
        %dma_start3A_22 = tpu.memref_slice %arg2[%add3A_11] : memref<67584xi32, #tpu.memory_space<hbm>> -> memref<704xi32, #tpu.memory_space<hbm>>
        %dma_start3A_23 = tpu.memref_slice %arg2[%add3A_11] : memref<67584xi32, #tpu.memory_space<hbm>> -> memref<704xi32, #tpu.memory_space<hbm>>
        tpu.enqueue_dma source(%dma_start3A_23 : memref<704xi32, #tpu.memory_space<hbm>>) target(%arg6 : memref<704xi32, #tpu.memory_space<vmem>>) target_semaphore(%run_scoped3A : memref<!tpu.dma_semaphore, #tpu.memory_space<semaphore_mem>>)
        %dma_wait3A_24 = tpu.memref_slice %arg2[%add3A_11] : memref<67584xi32, #tpu.memory_space<hbm>> -> memref<704xi32, #tpu.memory_space<hbm>>
        %dma_wait3A_25 = tpu.memref_slice %arg2[%add3A_11] : memref<67584xi32, #tpu.memory_space<hbm>> -> memref<704xi32, #tpu.memory_space<hbm>>
        tpu.wait_dma2 semaphore(%run_scoped3A : memref<!tpu.dma_semaphore, #tpu.memory_space<semaphore_mem>>) src(%dma_wait3A_25 : memref<704xi32, #tpu.memory_space<hbm>>) dst(%arg6 : memref<704xi32, #tpu.memory_space<vmem>>)
        tpu.yield
      }) : () -> ()
      "tpu.region"() ({
        %run_scoped3A = tpu.sem_alloc : memref<!tpu.dma_semaphore, #tpu.memory_space<semaphore_mem>>
        %dma_start3A_22 = tpu.memref_slice %arg3[%add3A_11] : memref<67584xi32, #tpu.memory_space<hbm>> -> memref<704xi32, #tpu.memory_space<hbm>>
        %dma_start3A_23 = tpu.memref_slice %arg3[%add3A_11] : memref<67584xi32, #tpu.memory_space<hbm>> -> memref<704xi32, #tpu.memory_space<hbm>>
        tpu.enqueue_dma source(%dma_start3A_23 : memref<704xi32, #tpu.memory_space<hbm>>) target(%arg7 : memref<704xi32, #tpu.memory_space<vmem>>) target_semaphore(%run_scoped3A : memref<!tpu.dma_semaphore, #tpu.memory_space<semaphore_mem>>)
        %dma_wait3A_24 = tpu.memref_slice %arg3[%add3A_11] : memref<67584xi32, #tpu.memory_space<hbm>> -> memref<704xi32, #tpu.memory_space<hbm>>
        %dma_wait3A_25 = tpu.memref_slice %arg3[%add3A_11] : memref<67584xi32, #tpu.memory_space<hbm>> -> memref<704xi32, #tpu.memory_space<hbm>>
        tpu.wait_dma2 semaphore(%run_scoped3A : memref<!tpu.dma_semaphore, #tpu.memory_space<semaphore_mem>>) src(%dma_wait3A_25 : memref<704xi32, #tpu.memory_space<hbm>>) dst(%arg7 : memref<704xi32, #tpu.memory_space<vmem>>)
        tpu.yield
      }) : () -> ()
      %dma_start3A = arith.constant 0 : i32
      %dma_start3A_12 = arith.constant 0 : i32
      %dma_start3A_13 = tpu.memref_slice %arg4[%dma_start3A, %dma_start3A_12] : memref<100000x64xf32, #tpu.memory_space<hbm>> -> memref<100000x64xf32, #tpu.memory_space<hbm>>
      tpu.enqueue_indirect_dma source(%dma_start3A_13 : memref<100000x64xf32, #tpu.memory_space<hbm>>) target(%arg8 : memref<704x64xf32, #tpu.memory_space<vmem>>) offsets(%arg6 : memref<704xi32, #tpu.memory_space<vmem>>) semaphore(%arg10 : memref<!tpu.dma_semaphore, #tpu.memory_space<semaphore_mem>>)
      %dma_start3A_14 = arith.constant 0 : i32
      %dma_start3A_15 = arith.constant 0 : i32
      %dma_start3A_16 = tpu.memref_slice %arg4[%dma_start3A_14, %dma_start3A_15] : memref<100000x64xf32, #tpu.memory_space<hbm>> -> memref<100000x64xf32, #tpu.memory_space<hbm>>
      tpu.enqueue_indirect_dma source(%dma_start3A_16 : memref<100000x64xf32, #tpu.memory_space<hbm>>) target(%arg9 : memref<704x64xf32, #tpu.memory_space<vmem>>) offsets(%arg7 : memref<704xi32, #tpu.memory_space<vmem>>) semaphore(%arg10 : memref<!tpu.dma_semaphore, #tpu.memory_space<semaphore_mem>>)
      %dma_wait3A = arith.constant 0 : i32
      %dma_wait3A_17 = arith.constant 0 : i32
      %dma_wait3A_18 = tpu.memref_slice %arg4[%dma_wait3A, %dma_wait3A_17] : memref<100000x64xf32, #tpu.memory_space<hbm>> -> memref<100000x64xf32, #tpu.memory_space<hbm>>
      tpu.wait_indirect_dma semaphore(%arg10 : memref<!tpu.dma_semaphore, #tpu.memory_space<semaphore_mem>>) src(%dma_wait3A_18 : memref<100000x64xf32, #tpu.memory_space<hbm>>) dst(%arg8 : memref<704x64xf32, #tpu.memory_space<vmem>>)
      %dma_wait3A_19 = arith.constant 0 : i32
      %dma_wait3A_20 = arith.constant 0 : i32
      %dma_wait3A_21 = tpu.memref_slice %arg4[%dma_wait3A_19, %dma_wait3A_20] : memref<100000x64xf32, #tpu.memory_space<hbm>> -> memref<100000x64xf32, #tpu.memory_space<hbm>>
      tpu.wait_indirect_dma semaphore(%arg10 : memref<!tpu.dma_semaphore, #tpu.memory_space<semaphore_mem>>) src(%dma_wait3A_21 : memref<100000x64xf32, #tpu.memory_space<hbm>>) dst(%arg9 : memref<704x64xf32, #tpu.memory_space<vmem>>)
      "tpu.region"() ({
        %run_scoped3A = tpu.sem_alloc : memref<!tpu.dma_semaphore, #tpu.memory_space<semaphore_mem>>
        %dma_start3A_22 = arith.constant 0 : i32
        %dma_start3A_23 = tpu.memref_slice %arg5[%add3A_11, %dma_start3A_22] : memref<67584x128xf32, #tpu.memory_space<hbm>> -> memref<704x64xf32, #tpu.memory_space<hbm>>
        %dma_start3A_24 = arith.constant 0 : i32
        %dma_start3A_25 = tpu.memref_slice %arg5[%add3A_11, %dma_start3A_24] : memref<67584x128xf32, #tpu.memory_space<hbm>> -> memref<704x64xf32, #tpu.memory_space<hbm>>
        tpu.enqueue_dma source(%arg8 : memref<704x64xf32, #tpu.memory_space<vmem>>) target(%dma_start3A_25 : memref<704x64xf32, #tpu.memory_space<hbm>>) target_semaphore(%run_scoped3A : memref<!tpu.dma_semaphore, #tpu.memory_space<semaphore_mem>>)
        %dma_wait3A_26 = arith.constant 0 : i32
        %dma_wait3A_27 = tpu.memref_slice %arg5[%add3A_11, %dma_wait3A_26] : memref<67584x128xf32, #tpu.memory_space<hbm>> -> memref<704x64xf32, #tpu.memory_space<hbm>>
        %dma_wait3A_28 = arith.constant 0 : i32
        %dma_wait3A_29 = tpu.memref_slice %arg5[%add3A_11, %dma_wait3A_28] : memref<67584x128xf32, #tpu.memory_space<hbm>> -> memref<704x64xf32, #tpu.memory_space<hbm>>
        tpu.wait_dma2 semaphore(%run_scoped3A : memref<!tpu.dma_semaphore, #tpu.memory_space<semaphore_mem>>) src(%arg8 : memref<704x64xf32, #tpu.memory_space<vmem>>) dst(%dma_wait3A_29 : memref<704x64xf32, #tpu.memory_space<hbm>>)
        tpu.yield
      }) : () -> ()
      "tpu.region"() ({
        %run_scoped3A = tpu.sem_alloc : memref<!tpu.dma_semaphore, #tpu.memory_space<semaphore_mem>>
        %dma_start3A_22 = arith.constant 64 : i32
        %dma_start3A_23 = tpu.memref_slice %arg5[%add3A_11, %dma_start3A_22] : memref<67584x128xf32, #tpu.memory_space<hbm>> -> memref<704x64xf32, #tpu.memory_space<hbm>>
        %dma_start3A_24 = arith.constant 64 : i32
        %dma_start3A_25 = tpu.memref_slice %arg5[%add3A_11, %dma_start3A_24] : memref<67584x128xf32, #tpu.memory_space<hbm>> -> memref<704x64xf32, #tpu.memory_space<hbm>>
        tpu.enqueue_dma source(%arg9 : memref<704x64xf32, #tpu.memory_space<vmem>>) target(%dma_start3A_25 : memref<704x64xf32, #tpu.memory_space<hbm>>) target_semaphore(%run_scoped3A : memref<!tpu.dma_semaphore, #tpu.memory_space<semaphore_mem>>)
        %dma_wait3A_26 = arith.constant 64 : i32
        %dma_wait3A_27 = tpu.memref_slice %arg5[%add3A_11, %dma_wait3A_26] : memref<67584x128xf32, #tpu.memory_space<hbm>> -> memref<704x64xf32, #tpu.memory_space<hbm>>
        %dma_wait3A_28 = arith.constant 64 : i32
        %dma_wait3A_29 = tpu.memref_slice %arg5[%add3A_11, %dma_wait3A_28] : memref<67584x128xf32, #tpu.memory_space<hbm>> -> memref<704x64xf32, #tpu.memory_space<hbm>>
        tpu.wait_dma2 semaphore(%run_scoped3A : memref<!tpu.dma_semaphore, #tpu.memory_space<semaphore_mem>>) src(%arg9 : memref<704x64xf32, #tpu.memory_space<vmem>>) dst(%dma_wait3A_29 : memref<704x64xf32, #tpu.memory_space<hbm>>)
        tpu.yield
      }) : () -> ()
    }
    %scan3A_7 = arith.constant 3 : i32
    return
  }
}

module attributes {stable_mosaic.version = 14 : i64} {
  func.func @_mlp_body(%arg0: i32, %arg1: memref<32x512x128xf32, #tpu.memory_space<vmem>>, %arg2: memref<512x128xf32, #tpu.memory_space<vmem>>, %arg3: memref<128x128xbf16, #tpu.memory_space<vmem>>, %arg4: memref<128x128xbf16, #tpu.memory_space<vmem>>, %arg5: memref<1x128xf32, #tpu.memory_space<vmem>>, %arg6: memref<128x128xbf16, #tpu.memory_space<vmem>>, %arg7: memref<1x128xf32, #tpu.memory_space<vmem>>, %arg8: memref<128x2xbf16, #tpu.memory_space<vmem>>, %arg9: memref<512x128xf32, #tpu.memory_space<vmem>>) attributes {dimension_semantics = [#tpu.dimension_semantics<arbitrary>], iteration_bounds = array<i64: 4>, scalar_prefetch = 0 : i64, scratch_operands = 0 : i64, tpu.core_type = #tpu.core_type<tc>, window_params = [{transform_indices = @transform_0, window_bounds = array<i64: 32, 512, 128>}, {transform_indices = @transform_1, window_bounds = array<i64: 512, 128>}, {pipeline_mode = #tpu.pipeline_mode<synchronous>, transform_indices = @transform_2, window_bounds = array<i64: 128, 128>}, {pipeline_mode = #tpu.pipeline_mode<synchronous>, transform_indices = @transform_3, window_bounds = array<i64: 128, 128>}, {pipeline_mode = #tpu.pipeline_mode<synchronous>, transform_indices = @transform_4, window_bounds = array<i64: 1, 128>}, {pipeline_mode = #tpu.pipeline_mode<synchronous>, transform_indices = @transform_5, window_bounds = array<i64: 128, 128>}, {pipeline_mode = #tpu.pipeline_mode<synchronous>, transform_indices = @transform_6, window_bounds = array<i64: 1, 128>}, {pipeline_mode = #tpu.pipeline_mode<synchronous>, transform_indices = @transform_7, window_bounds = array<i64: 128, 2>}, {transform_indices = @transform_8, window_bounds = array<i64: 512, 128>}]} {
    %get3A = arith.constant 0 : index
    %get3A_0 = arith.constant 0 : index
    %get3A_1 = vector.load %arg2[%get3A, %get3A_0] : memref<512x128xf32, #tpu.memory_space<vmem>>, vector<512x128xf32>
    %convert_element_type3A = arith.truncf %get3A_1 : vector<512x128xf32> to vector<512x128xbf16>
    %get3A_2 = arith.constant 0 : index
    %get3A_3 = arith.constant 0 : index
    %get3A_4 = vector.load %arg4[%get3A_2, %get3A_3] : memref<128x128xbf16, #tpu.memory_space<vmem>>, vector<128x128xbf16>
    %dot_general3A = arith.constant dense<0.000000e+00> : vector<512x128xf32>
    %dot_general3A_5 = tpu.matmul %convert_element_type3A, %get3A_4, %dot_general3A {dimension_numbers = #tpu.dot_dimension_numbers<[1], [0], [0], [1], [0, 0, 1, 1], [], []>, transpose_lhs_hint = false} : vector<512x128xbf16>, vector<128x128xbf16>, vector<512x128xf32> -> vector<512x128xf32>
    %get3A_6 = arith.constant 0 : index
    %get3A_7 = arith.constant 0 : index
    %get3A_8 = vector.load %arg5[%get3A_6, %get3A_7] : memref<1x128xf32, #tpu.memory_space<vmem>>, vector<1x128xf32>
    %add3A = vector.broadcast %get3A_8 : vector<1x128xf32> to vector<512x128xf32>
    %add3A_9 = arith.addf %dot_general3A_5, %add3A : vector<512x128xf32>
    %get3A_10 = arith.constant 0 : index
    %get3A_11 = arith.constant 0 : index
    %get3A_12 = arith.constant 0 : index
    %get3A_13 = vector.load %arg1[%get3A_10, %get3A_11, %get3A_12] : memref<32x512x128xf32, #tpu.memory_space<vmem>>, vector<32x512x128xf32>
    %reshape3A = vector.shape_cast %get3A_13 : vector<32x512x128xf32> to vector<16384x128xf32>
    %convert_element_type3A_14 = arith.truncf %reshape3A : vector<16384x128xf32> to vector<16384x128xbf16>
    %broadcast_in_dim3A = vector.shape_cast %add3A_9 : vector<512x128xf32> to vector<1x512x128xf32>
    %broadcast_in_dim3A_15 = vector.shape_cast %broadcast_in_dim3A : vector<1x512x128xf32> to vector<1x512x128xf32>
    %broadcast_in_dim3A_16 = vector.broadcast %broadcast_in_dim3A_15 : vector<1x512x128xf32> to vector<32x512x128xf32>
    %reshape3A_17 = vector.shape_cast %broadcast_in_dim3A_16 : vector<32x512x128xf32> to vector<16384x128xf32>
    %get3A_18 = arith.constant 0 : index
    %get3A_19 = arith.constant 0 : index
    %get3A_20 = vector.load %arg3[%get3A_18, %get3A_19] : memref<128x128xbf16, #tpu.memory_space<vmem>>, vector<128x128xbf16>
    %dot_general3A_21 = arith.constant dense<0.000000e+00> : vector<16384x128xf32>
    %dot_general3A_22 = tpu.matmul %convert_element_type3A_14, %get3A_20, %dot_general3A_21 {dimension_numbers = #tpu.dot_dimension_numbers<[1], [0], [0], [1], [0, 0, 1, 1], [], []>, transpose_lhs_hint = false} : vector<16384x128xbf16>, vector<128x128xbf16>, vector<16384x128xf32> -> vector<16384x128xf32>
    %add3A_23 = arith.addf %dot_general3A_22, %reshape3A_17 : vector<16384x128xf32>
    %max3A = arith.constant 0.000000e+00 : f32
    %max3A_24 = vector.broadcast %max3A : f32 to vector<16384x128xf32>
    %max3A_25 = arith.maximumf %add3A_23, %max3A_24 : vector<16384x128xf32>
    %convert_element_type3A_26 = arith.truncf %max3A_25 : vector<16384x128xf32> to vector<16384x128xbf16>
    %get3A_27 = arith.constant 0 : index
    %get3A_28 = arith.constant 0 : index
    %get3A_29 = vector.load %arg6[%get3A_27, %get3A_28] : memref<128x128xbf16, #tpu.memory_space<vmem>>, vector<128x128xbf16>
    %dot_general3A_30 = arith.constant dense<0.000000e+00> : vector<16384x128xf32>
    %dot_general3A_31 = tpu.matmul %convert_element_type3A_26, %get3A_29, %dot_general3A_30 {dimension_numbers = #tpu.dot_dimension_numbers<[1], [0], [0], [1], [0, 0, 1, 1], [], []>, transpose_lhs_hint = false} : vector<16384x128xbf16>, vector<128x128xbf16>, vector<16384x128xf32> -> vector<16384x128xf32>
    %get3A_32 = arith.constant 0 : index
    %get3A_33 = arith.constant 0 : index
    %get3A_34 = vector.load %arg7[%get3A_32, %get3A_33] : memref<1x128xf32, #tpu.memory_space<vmem>>, vector<1x128xf32>
    %add3A_35 = vector.broadcast %get3A_34 : vector<1x128xf32> to vector<16384x128xf32>
    %add3A_36 = arith.addf %dot_general3A_31, %add3A_35 : vector<16384x128xf32>
    %max3A_37 = arith.constant 0.000000e+00 : f32
    %max3A_38 = vector.broadcast %max3A_37 : f32 to vector<16384x128xf32>
    %max3A_39 = arith.maximumf %add3A_36, %max3A_38 : vector<16384x128xf32>
    %convert_element_type3A_40 = arith.truncf %max3A_39 : vector<16384x128xf32> to vector<16384x128xbf16>
    %get3A_41 = arith.constant 0 : index
    %get3A_42 = arith.constant 0 : index
    %get3A_43 = vector.load %arg8[%get3A_41, %get3A_42] : memref<128x2xbf16, #tpu.memory_space<vmem>>, vector<128x2xbf16>
    %dot_general3A_44 = arith.constant dense<0.000000e+00> : vector<16384x2xf32>
    %dot_general3A_45 = tpu.matmul %convert_element_type3A_40, %get3A_43, %dot_general3A_44 {dimension_numbers = #tpu.dot_dimension_numbers<[1], [0], [0], [1], [0, 0, 1, 1], [], []>, transpose_lhs_hint = false} : vector<16384x128xbf16>, vector<128x2xbf16>, vector<16384x2xf32> -> vector<16384x2xf32>
    %reshape3A_46 = vector.shape_cast %dot_general3A_45 : vector<16384x2xf32> to vector<32x512x2xf32>
    %slice3A = vector.extract_strided_slice %reshape3A_46 {offsets = [0, 0, 0], sizes = [1, 512, 2], strides = [1, 1, 1]} : vector<32x512x2xf32> to vector<1x512x2xf32>
    %squeeze3A = vector.shape_cast %slice3A : vector<1x512x2xf32> to vector<512x2xf32>
    %slice3A_47 = vector.extract_strided_slice %reshape3A_46 {offsets = [1, 0, 0], sizes = [1, 512, 2], strides = [1, 1, 1]} : vector<32x512x2xf32> to vector<1x512x2xf32>
    %squeeze3A_48 = vector.shape_cast %slice3A_47 : vector<1x512x2xf32> to vector<512x2xf32>
    %max3A_49 = arith.maximumf %squeeze3A, %squeeze3A_48 : vector<512x2xf32>
    %slice3A_50 = vector.extract_strided_slice %reshape3A_46 {offsets = [2, 0, 0], sizes = [1, 512, 2], strides = [1, 1, 1]} : vector<32x512x2xf32> to vector<1x512x2xf32>
    %squeeze3A_51 = vector.shape_cast %slice3A_50 : vector<1x512x2xf32> to vector<512x2xf32>
    %max3A_52 = arith.maximumf %max3A_49, %squeeze3A_51 : vector<512x2xf32>
    %slice3A_53 = vector.extract_strided_slice %reshape3A_46 {offsets = [3, 0, 0], sizes = [1, 512, 2], strides = [1, 1, 1]} : vector<32x512x2xf32> to vector<1x512x2xf32>
    %squeeze3A_54 = vector.shape_cast %slice3A_53 : vector<1x512x2xf32> to vector<512x2xf32>
    %max3A_55 = arith.maximumf %max3A_52, %squeeze3A_54 : vector<512x2xf32>
    %slice3A_56 = vector.extract_strided_slice %reshape3A_46 {offsets = [4, 0, 0], sizes = [1, 512, 2], strides = [1, 1, 1]} : vector<32x512x2xf32> to vector<1x512x2xf32>
    %squeeze3A_57 = vector.shape_cast %slice3A_56 : vector<1x512x2xf32> to vector<512x2xf32>
    %max3A_58 = arith.maximumf %max3A_55, %squeeze3A_57 : vector<512x2xf32>
    %slice3A_59 = vector.extract_strided_slice %reshape3A_46 {offsets = [5, 0, 0], sizes = [1, 512, 2], strides = [1, 1, 1]} : vector<32x512x2xf32> to vector<1x512x2xf32>
    %squeeze3A_60 = vector.shape_cast %slice3A_59 : vector<1x512x2xf32> to vector<512x2xf32>
    %max3A_61 = arith.maximumf %max3A_58, %squeeze3A_60 : vector<512x2xf32>
    %slice3A_62 = vector.extract_strided_slice %reshape3A_46 {offsets = [6, 0, 0], sizes = [1, 512, 2], strides = [1, 1, 1]} : vector<32x512x2xf32> to vector<1x512x2xf32>
    %squeeze3A_63 = vector.shape_cast %slice3A_62 : vector<1x512x2xf32> to vector<512x2xf32>
    %max3A_64 = arith.maximumf %max3A_61, %squeeze3A_63 : vector<512x2xf32>
    %slice3A_65 = vector.extract_strided_slice %reshape3A_46 {offsets = [7, 0, 0], sizes = [1, 512, 2], strides = [1, 1, 1]} : vector<32x512x2xf32> to vector<1x512x2xf32>
    %squeeze3A_66 = vector.shape_cast %slice3A_65 : vector<1x512x2xf32> to vector<512x2xf32>
    %max3A_67 = arith.maximumf %max3A_64, %squeeze3A_66 : vector<512x2xf32>
    %slice3A_68 = vector.extract_strided_slice %reshape3A_46 {offsets = [8, 0, 0], sizes = [1, 512, 2], strides = [1, 1, 1]} : vector<32x512x2xf32> to vector<1x512x2xf32>
    %squeeze3A_69 = vector.shape_cast %slice3A_68 : vector<1x512x2xf32> to vector<512x2xf32>
    %max3A_70 = arith.maximumf %max3A_67, %squeeze3A_69 : vector<512x2xf32>
    %slice3A_71 = vector.extract_strided_slice %reshape3A_46 {offsets = [9, 0, 0], sizes = [1, 512, 2], strides = [1, 1, 1]} : vector<32x512x2xf32> to vector<1x512x2xf32>
    %squeeze3A_72 = vector.shape_cast %slice3A_71 : vector<1x512x2xf32> to vector<512x2xf32>
    %max3A_73 = arith.maximumf %max3A_70, %squeeze3A_72 : vector<512x2xf32>
    %slice3A_74 = vector.extract_strided_slice %reshape3A_46 {offsets = [10, 0, 0], sizes = [1, 512, 2], strides = [1, 1, 1]} : vector<32x512x2xf32> to vector<1x512x2xf32>
    %squeeze3A_75 = vector.shape_cast %slice3A_74 : vector<1x512x2xf32> to vector<512x2xf32>
    %max3A_76 = arith.maximumf %max3A_73, %squeeze3A_75 : vector<512x2xf32>
    %slice3A_77 = vector.extract_strided_slice %reshape3A_46 {offsets = [11, 0, 0], sizes = [1, 512, 2], strides = [1, 1, 1]} : vector<32x512x2xf32> to vector<1x512x2xf32>
    %squeeze3A_78 = vector.shape_cast %slice3A_77 : vector<1x512x2xf32> to vector<512x2xf32>
    %max3A_79 = arith.maximumf %max3A_76, %squeeze3A_78 : vector<512x2xf32>
    %slice3A_80 = vector.extract_strided_slice %reshape3A_46 {offsets = [12, 0, 0], sizes = [1, 512, 2], strides = [1, 1, 1]} : vector<32x512x2xf32> to vector<1x512x2xf32>
    %squeeze3A_81 = vector.shape_cast %slice3A_80 : vector<1x512x2xf32> to vector<512x2xf32>
    %max3A_82 = arith.maximumf %max3A_79, %squeeze3A_81 : vector<512x2xf32>
    %slice3A_83 = vector.extract_strided_slice %reshape3A_46 {offsets = [13, 0, 0], sizes = [1, 512, 2], strides = [1, 1, 1]} : vector<32x512x2xf32> to vector<1x512x2xf32>
    %squeeze3A_84 = vector.shape_cast %slice3A_83 : vector<1x512x2xf32> to vector<512x2xf32>
    %max3A_85 = arith.maximumf %max3A_82, %squeeze3A_84 : vector<512x2xf32>
    %slice3A_86 = vector.extract_strided_slice %reshape3A_46 {offsets = [14, 0, 0], sizes = [1, 512, 2], strides = [1, 1, 1]} : vector<32x512x2xf32> to vector<1x512x2xf32>
    %squeeze3A_87 = vector.shape_cast %slice3A_86 : vector<1x512x2xf32> to vector<512x2xf32>
    %max3A_88 = arith.maximumf %max3A_85, %squeeze3A_87 : vector<512x2xf32>
    %slice3A_89 = vector.extract_strided_slice %reshape3A_46 {offsets = [15, 0, 0], sizes = [1, 512, 2], strides = [1, 1, 1]} : vector<32x512x2xf32> to vector<1x512x2xf32>
    %squeeze3A_90 = vector.shape_cast %slice3A_89 : vector<1x512x2xf32> to vector<512x2xf32>
    %max3A_91 = arith.maximumf %max3A_88, %squeeze3A_90 : vector<512x2xf32>
    %slice3A_92 = vector.extract_strided_slice %reshape3A_46 {offsets = [16, 0, 0], sizes = [1, 512, 2], strides = [1, 1, 1]} : vector<32x512x2xf32> to vector<1x512x2xf32>
    %squeeze3A_93 = vector.shape_cast %slice3A_92 : vector<1x512x2xf32> to vector<512x2xf32>
    %max3A_94 = arith.maximumf %max3A_91, %squeeze3A_93 : vector<512x2xf32>
    %slice3A_95 = vector.extract_strided_slice %reshape3A_46 {offsets = [17, 0, 0], sizes = [1, 512, 2], strides = [1, 1, 1]} : vector<32x512x2xf32> to vector<1x512x2xf32>
    %squeeze3A_96 = vector.shape_cast %slice3A_95 : vector<1x512x2xf32> to vector<512x2xf32>
    %max3A_97 = arith.maximumf %max3A_94, %squeeze3A_96 : vector<512x2xf32>
    %slice3A_98 = vector.extract_strided_slice %reshape3A_46 {offsets = [18, 0, 0], sizes = [1, 512, 2], strides = [1, 1, 1]} : vector<32x512x2xf32> to vector<1x512x2xf32>
    %squeeze3A_99 = vector.shape_cast %slice3A_98 : vector<1x512x2xf32> to vector<512x2xf32>
    %max3A_100 = arith.maximumf %max3A_97, %squeeze3A_99 : vector<512x2xf32>
    %slice3A_101 = vector.extract_strided_slice %reshape3A_46 {offsets = [19, 0, 0], sizes = [1, 512, 2], strides = [1, 1, 1]} : vector<32x512x2xf32> to vector<1x512x2xf32>
    %squeeze3A_102 = vector.shape_cast %slice3A_101 : vector<1x512x2xf32> to vector<512x2xf32>
    %max3A_103 = arith.maximumf %max3A_100, %squeeze3A_102 : vector<512x2xf32>
    %slice3A_104 = vector.extract_strided_slice %reshape3A_46 {offsets = [20, 0, 0], sizes = [1, 512, 2], strides = [1, 1, 1]} : vector<32x512x2xf32> to vector<1x512x2xf32>
    %squeeze3A_105 = vector.shape_cast %slice3A_104 : vector<1x512x2xf32> to vector<512x2xf32>
    %max3A_106 = arith.maximumf %max3A_103, %squeeze3A_105 : vector<512x2xf32>
    %slice3A_107 = vector.extract_strided_slice %reshape3A_46 {offsets = [21, 0, 0], sizes = [1, 512, 2], strides = [1, 1, 1]} : vector<32x512x2xf32> to vector<1x512x2xf32>
    %squeeze3A_108 = vector.shape_cast %slice3A_107 : vector<1x512x2xf32> to vector<512x2xf32>
    %max3A_109 = arith.maximumf %max3A_106, %squeeze3A_108 : vector<512x2xf32>
    %slice3A_110 = vector.extract_strided_slice %reshape3A_46 {offsets = [22, 0, 0], sizes = [1, 512, 2], strides = [1, 1, 1]} : vector<32x512x2xf32> to vector<1x512x2xf32>
    %squeeze3A_111 = vector.shape_cast %slice3A_110 : vector<1x512x2xf32> to vector<512x2xf32>
    %max3A_112 = arith.maximumf %max3A_109, %squeeze3A_111 : vector<512x2xf32>
    %slice3A_113 = vector.extract_strided_slice %reshape3A_46 {offsets = [23, 0, 0], sizes = [1, 512, 2], strides = [1, 1, 1]} : vector<32x512x2xf32> to vector<1x512x2xf32>
    %squeeze3A_114 = vector.shape_cast %slice3A_113 : vector<1x512x2xf32> to vector<512x2xf32>
    %max3A_115 = arith.maximumf %max3A_112, %squeeze3A_114 : vector<512x2xf32>
    %slice3A_116 = vector.extract_strided_slice %reshape3A_46 {offsets = [24, 0, 0], sizes = [1, 512, 2], strides = [1, 1, 1]} : vector<32x512x2xf32> to vector<1x512x2xf32>
    %squeeze3A_117 = vector.shape_cast %slice3A_116 : vector<1x512x2xf32> to vector<512x2xf32>
    %max3A_118 = arith.maximumf %max3A_115, %squeeze3A_117 : vector<512x2xf32>
    %slice3A_119 = vector.extract_strided_slice %reshape3A_46 {offsets = [25, 0, 0], sizes = [1, 512, 2], strides = [1, 1, 1]} : vector<32x512x2xf32> to vector<1x512x2xf32>
    %squeeze3A_120 = vector.shape_cast %slice3A_119 : vector<1x512x2xf32> to vector<512x2xf32>
    %max3A_121 = arith.maximumf %max3A_118, %squeeze3A_120 : vector<512x2xf32>
    %slice3A_122 = vector.extract_strided_slice %reshape3A_46 {offsets = [26, 0, 0], sizes = [1, 512, 2], strides = [1, 1, 1]} : vector<32x512x2xf32> to vector<1x512x2xf32>
    %squeeze3A_123 = vector.shape_cast %slice3A_122 : vector<1x512x2xf32> to vector<512x2xf32>
    %max3A_124 = arith.maximumf %max3A_121, %squeeze3A_123 : vector<512x2xf32>
    %slice3A_125 = vector.extract_strided_slice %reshape3A_46 {offsets = [27, 0, 0], sizes = [1, 512, 2], strides = [1, 1, 1]} : vector<32x512x2xf32> to vector<1x512x2xf32>
    %squeeze3A_126 = vector.shape_cast %slice3A_125 : vector<1x512x2xf32> to vector<512x2xf32>
    %max3A_127 = arith.maximumf %max3A_124, %squeeze3A_126 : vector<512x2xf32>
    %slice3A_128 = vector.extract_strided_slice %reshape3A_46 {offsets = [28, 0, 0], sizes = [1, 512, 2], strides = [1, 1, 1]} : vector<32x512x2xf32> to vector<1x512x2xf32>
    %squeeze3A_129 = vector.shape_cast %slice3A_128 : vector<1x512x2xf32> to vector<512x2xf32>
    %max3A_130 = arith.maximumf %max3A_127, %squeeze3A_129 : vector<512x2xf32>
    %slice3A_131 = vector.extract_strided_slice %reshape3A_46 {offsets = [29, 0, 0], sizes = [1, 512, 2], strides = [1, 1, 1]} : vector<32x512x2xf32> to vector<1x512x2xf32>
    %squeeze3A_132 = vector.shape_cast %slice3A_131 : vector<1x512x2xf32> to vector<512x2xf32>
    %max3A_133 = arith.maximumf %max3A_130, %squeeze3A_132 : vector<512x2xf32>
    %slice3A_134 = vector.extract_strided_slice %reshape3A_46 {offsets = [30, 0, 0], sizes = [1, 512, 2], strides = [1, 1, 1]} : vector<32x512x2xf32> to vector<1x512x2xf32>
    %squeeze3A_135 = vector.shape_cast %slice3A_134 : vector<1x512x2xf32> to vector<512x2xf32>
    %max3A_136 = arith.maximumf %max3A_133, %squeeze3A_135 : vector<512x2xf32>
    %slice3A_137 = vector.extract_strided_slice %reshape3A_46 {offsets = [31, 0, 0], sizes = [1, 512, 2], strides = [1, 1, 1]} : vector<32x512x2xf32> to vector<1x512x2xf32>
    %squeeze3A_138 = vector.shape_cast %slice3A_137 : vector<1x512x2xf32> to vector<512x2xf32>
    %max3A_139 = arith.maximumf %max3A_136, %squeeze3A_138 : vector<512x2xf32>
    %slice3A_140 = vector.extract_strided_slice %reshape3A_46 {offsets = [0, 0, 0], sizes = [1, 512, 2], strides = [1, 1, 1]} : vector<32x512x2xf32> to vector<1x512x2xf32>
    %squeeze3A_141 = vector.shape_cast %slice3A_140 : vector<1x512x2xf32> to vector<512x2xf32>
    %sub3A = arith.subf %squeeze3A_141, %max3A_139 : vector<512x2xf32>
    %exp3A = math.exp %sub3A : vector<512x2xf32>
    %slice3A_142 = vector.extract_strided_slice %reshape3A_46 {offsets = [1, 0, 0], sizes = [1, 512, 2], strides = [1, 1, 1]} : vector<32x512x2xf32> to vector<1x512x2xf32>
    %squeeze3A_143 = vector.shape_cast %slice3A_142 : vector<1x512x2xf32> to vector<512x2xf32>
    %sub3A_144 = arith.subf %squeeze3A_143, %max3A_139 : vector<512x2xf32>
    %exp3A_145 = math.exp %sub3A_144 : vector<512x2xf32>
    %slice3A_146 = vector.extract_strided_slice %reshape3A_46 {offsets = [2, 0, 0], sizes = [1, 512, 2], strides = [1, 1, 1]} : vector<32x512x2xf32> to vector<1x512x2xf32>
    %squeeze3A_147 = vector.shape_cast %slice3A_146 : vector<1x512x2xf32> to vector<512x2xf32>
    %sub3A_148 = arith.subf %squeeze3A_147, %max3A_139 : vector<512x2xf32>
    %exp3A_149 = math.exp %sub3A_148 : vector<512x2xf32>
    %slice3A_150 = vector.extract_strided_slice %reshape3A_46 {offsets = [3, 0, 0], sizes = [1, 512, 2], strides = [1, 1, 1]} : vector<32x512x2xf32> to vector<1x512x2xf32>
    %squeeze3A_151 = vector.shape_cast %slice3A_150 : vector<1x512x2xf32> to vector<512x2xf32>
    %sub3A_152 = arith.subf %squeeze3A_151, %max3A_139 : vector<512x2xf32>
    %exp3A_153 = math.exp %sub3A_152 : vector<512x2xf32>
    %slice3A_154 = vector.extract_strided_slice %reshape3A_46 {offsets = [4, 0, 0], sizes = [1, 512, 2], strides = [1, 1, 1]} : vector<32x512x2xf32> to vector<1x512x2xf32>
    %squeeze3A_155 = vector.shape_cast %slice3A_154 : vector<1x512x2xf32> to vector<512x2xf32>
    %sub3A_156 = arith.subf %squeeze3A_155, %max3A_139 : vector<512x2xf32>
    %exp3A_157 = math.exp %sub3A_156 : vector<512x2xf32>
    %slice3A_158 = vector.extract_strided_slice %reshape3A_46 {offsets = [5, 0, 0], sizes = [1, 512, 2], strides = [1, 1, 1]} : vector<32x512x2xf32> to vector<1x512x2xf32>
    %squeeze3A_159 = vector.shape_cast %slice3A_158 : vector<1x512x2xf32> to vector<512x2xf32>
    %sub3A_160 = arith.subf %squeeze3A_159, %max3A_139 : vector<512x2xf32>
    %exp3A_161 = math.exp %sub3A_160 : vector<512x2xf32>
    %slice3A_162 = vector.extract_strided_slice %reshape3A_46 {offsets = [6, 0, 0], sizes = [1, 512, 2], strides = [1, 1, 1]} : vector<32x512x2xf32> to vector<1x512x2xf32>
    %squeeze3A_163 = vector.shape_cast %slice3A_162 : vector<1x512x2xf32> to vector<512x2xf32>
    %sub3A_164 = arith.subf %squeeze3A_163, %max3A_139 : vector<512x2xf32>
    %exp3A_165 = math.exp %sub3A_164 : vector<512x2xf32>
    %slice3A_166 = vector.extract_strided_slice %reshape3A_46 {offsets = [7, 0, 0], sizes = [1, 512, 2], strides = [1, 1, 1]} : vector<32x512x2xf32> to vector<1x512x2xf32>
    %squeeze3A_167 = vector.shape_cast %slice3A_166 : vector<1x512x2xf32> to vector<512x2xf32>
    %sub3A_168 = arith.subf %squeeze3A_167, %max3A_139 : vector<512x2xf32>
    %exp3A_169 = math.exp %sub3A_168 : vector<512x2xf32>
    %slice3A_170 = vector.extract_strided_slice %reshape3A_46 {offsets = [8, 0, 0], sizes = [1, 512, 2], strides = [1, 1, 1]} : vector<32x512x2xf32> to vector<1x512x2xf32>
    %squeeze3A_171 = vector.shape_cast %slice3A_170 : vector<1x512x2xf32> to vector<512x2xf32>
    %sub3A_172 = arith.subf %squeeze3A_171, %max3A_139 : vector<512x2xf32>
    %exp3A_173 = math.exp %sub3A_172 : vector<512x2xf32>
    %slice3A_174 = vector.extract_strided_slice %reshape3A_46 {offsets = [9, 0, 0], sizes = [1, 512, 2], strides = [1, 1, 1]} : vector<32x512x2xf32> to vector<1x512x2xf32>
    %squeeze3A_175 = vector.shape_cast %slice3A_174 : vector<1x512x2xf32> to vector<512x2xf32>
    %sub3A_176 = arith.subf %squeeze3A_175, %max3A_139 : vector<512x2xf32>
    %exp3A_177 = math.exp %sub3A_176 : vector<512x2xf32>
    %slice3A_178 = vector.extract_strided_slice %reshape3A_46 {offsets = [10, 0, 0], sizes = [1, 512, 2], strides = [1, 1, 1]} : vector<32x512x2xf32> to vector<1x512x2xf32>
    %squeeze3A_179 = vector.shape_cast %slice3A_178 : vector<1x512x2xf32> to vector<512x2xf32>
    %sub3A_180 = arith.subf %squeeze3A_179, %max3A_139 : vector<512x2xf32>
    %exp3A_181 = math.exp %sub3A_180 : vector<512x2xf32>
    %slice3A_182 = vector.extract_strided_slice %reshape3A_46 {offsets = [11, 0, 0], sizes = [1, 512, 2], strides = [1, 1, 1]} : vector<32x512x2xf32> to vector<1x512x2xf32>
    %squeeze3A_183 = vector.shape_cast %slice3A_182 : vector<1x512x2xf32> to vector<512x2xf32>
    %sub3A_184 = arith.subf %squeeze3A_183, %max3A_139 : vector<512x2xf32>
    %exp3A_185 = math.exp %sub3A_184 : vector<512x2xf32>
    %slice3A_186 = vector.extract_strided_slice %reshape3A_46 {offsets = [12, 0, 0], sizes = [1, 512, 2], strides = [1, 1, 1]} : vector<32x512x2xf32> to vector<1x512x2xf32>
    %squeeze3A_187 = vector.shape_cast %slice3A_186 : vector<1x512x2xf32> to vector<512x2xf32>
    %sub3A_188 = arith.subf %squeeze3A_187, %max3A_139 : vector<512x2xf32>
    %exp3A_189 = math.exp %sub3A_188 : vector<512x2xf32>
    %slice3A_190 = vector.extract_strided_slice %reshape3A_46 {offsets = [13, 0, 0], sizes = [1, 512, 2], strides = [1, 1, 1]} : vector<32x512x2xf32> to vector<1x512x2xf32>
    %squeeze3A_191 = vector.shape_cast %slice3A_190 : vector<1x512x2xf32> to vector<512x2xf32>
    %sub3A_192 = arith.subf %squeeze3A_191, %max3A_139 : vector<512x2xf32>
    %exp3A_193 = math.exp %sub3A_192 : vector<512x2xf32>
    %slice3A_194 = vector.extract_strided_slice %reshape3A_46 {offsets = [14, 0, 0], sizes = [1, 512, 2], strides = [1, 1, 1]} : vector<32x512x2xf32> to vector<1x512x2xf32>
    %squeeze3A_195 = vector.shape_cast %slice3A_194 : vector<1x512x2xf32> to vector<512x2xf32>
    %sub3A_196 = arith.subf %squeeze3A_195, %max3A_139 : vector<512x2xf32>
    %exp3A_197 = math.exp %sub3A_196 : vector<512x2xf32>
    %slice3A_198 = vector.extract_strided_slice %reshape3A_46 {offsets = [15, 0, 0], sizes = [1, 512, 2], strides = [1, 1, 1]} : vector<32x512x2xf32> to vector<1x512x2xf32>
    %squeeze3A_199 = vector.shape_cast %slice3A_198 : vector<1x512x2xf32> to vector<512x2xf32>
    %sub3A_200 = arith.subf %squeeze3A_199, %max3A_139 : vector<512x2xf32>
    %exp3A_201 = math.exp %sub3A_200 : vector<512x2xf32>
    %slice3A_202 = vector.extract_strided_slice %reshape3A_46 {offsets = [16, 0, 0], sizes = [1, 512, 2], strides = [1, 1, 1]} : vector<32x512x2xf32> to vector<1x512x2xf32>
    %squeeze3A_203 = vector.shape_cast %slice3A_202 : vector<1x512x2xf32> to vector<512x2xf32>
    %sub3A_204 = arith.subf %squeeze3A_203, %max3A_139 : vector<512x2xf32>
    %exp3A_205 = math.exp %sub3A_204 : vector<512x2xf32>
    %slice3A_206 = vector.extract_strided_slice %reshape3A_46 {offsets = [17, 0, 0], sizes = [1, 512, 2], strides = [1, 1, 1]} : vector<32x512x2xf32> to vector<1x512x2xf32>
    %squeeze3A_207 = vector.shape_cast %slice3A_206 : vector<1x512x2xf32> to vector<512x2xf32>
    %sub3A_208 = arith.subf %squeeze3A_207, %max3A_139 : vector<512x2xf32>
    %exp3A_209 = math.exp %sub3A_208 : vector<512x2xf32>
    %slice3A_210 = vector.extract_strided_slice %reshape3A_46 {offsets = [18, 0, 0], sizes = [1, 512, 2], strides = [1, 1, 1]} : vector<32x512x2xf32> to vector<1x512x2xf32>
    %squeeze3A_211 = vector.shape_cast %slice3A_210 : vector<1x512x2xf32> to vector<512x2xf32>
    %sub3A_212 = arith.subf %squeeze3A_211, %max3A_139 : vector<512x2xf32>
    %exp3A_213 = math.exp %sub3A_212 : vector<512x2xf32>
    %slice3A_214 = vector.extract_strided_slice %reshape3A_46 {offsets = [19, 0, 0], sizes = [1, 512, 2], strides = [1, 1, 1]} : vector<32x512x2xf32> to vector<1x512x2xf32>
    %squeeze3A_215 = vector.shape_cast %slice3A_214 : vector<1x512x2xf32> to vector<512x2xf32>
    %sub3A_216 = arith.subf %squeeze3A_215, %max3A_139 : vector<512x2xf32>
    %exp3A_217 = math.exp %sub3A_216 : vector<512x2xf32>
    %slice3A_218 = vector.extract_strided_slice %reshape3A_46 {offsets = [20, 0, 0], sizes = [1, 512, 2], strides = [1, 1, 1]} : vector<32x512x2xf32> to vector<1x512x2xf32>
    %squeeze3A_219 = vector.shape_cast %slice3A_218 : vector<1x512x2xf32> to vector<512x2xf32>
    %sub3A_220 = arith.subf %squeeze3A_219, %max3A_139 : vector<512x2xf32>
    %exp3A_221 = math.exp %sub3A_220 : vector<512x2xf32>
    %slice3A_222 = vector.extract_strided_slice %reshape3A_46 {offsets = [21, 0, 0], sizes = [1, 512, 2], strides = [1, 1, 1]} : vector<32x512x2xf32> to vector<1x512x2xf32>
    %squeeze3A_223 = vector.shape_cast %slice3A_222 : vector<1x512x2xf32> to vector<512x2xf32>
    %sub3A_224 = arith.subf %squeeze3A_223, %max3A_139 : vector<512x2xf32>
    %exp3A_225 = math.exp %sub3A_224 : vector<512x2xf32>
    %slice3A_226 = vector.extract_strided_slice %reshape3A_46 {offsets = [22, 0, 0], sizes = [1, 512, 2], strides = [1, 1, 1]} : vector<32x512x2xf32> to vector<1x512x2xf32>
    %squeeze3A_227 = vector.shape_cast %slice3A_226 : vector<1x512x2xf32> to vector<512x2xf32>
    %sub3A_228 = arith.subf %squeeze3A_227, %max3A_139 : vector<512x2xf32>
    %exp3A_229 = math.exp %sub3A_228 : vector<512x2xf32>
    %slice3A_230 = vector.extract_strided_slice %reshape3A_46 {offsets = [23, 0, 0], sizes = [1, 512, 2], strides = [1, 1, 1]} : vector<32x512x2xf32> to vector<1x512x2xf32>
    %squeeze3A_231 = vector.shape_cast %slice3A_230 : vector<1x512x2xf32> to vector<512x2xf32>
    %sub3A_232 = arith.subf %squeeze3A_231, %max3A_139 : vector<512x2xf32>
    %exp3A_233 = math.exp %sub3A_232 : vector<512x2xf32>
    %slice3A_234 = vector.extract_strided_slice %reshape3A_46 {offsets = [24, 0, 0], sizes = [1, 512, 2], strides = [1, 1, 1]} : vector<32x512x2xf32> to vector<1x512x2xf32>
    %squeeze3A_235 = vector.shape_cast %slice3A_234 : vector<1x512x2xf32> to vector<512x2xf32>
    %sub3A_236 = arith.subf %squeeze3A_235, %max3A_139 : vector<512x2xf32>
    %exp3A_237 = math.exp %sub3A_236 : vector<512x2xf32>
    %slice3A_238 = vector.extract_strided_slice %reshape3A_46 {offsets = [25, 0, 0], sizes = [1, 512, 2], strides = [1, 1, 1]} : vector<32x512x2xf32> to vector<1x512x2xf32>
    %squeeze3A_239 = vector.shape_cast %slice3A_238 : vector<1x512x2xf32> to vector<512x2xf32>
    %sub3A_240 = arith.subf %squeeze3A_239, %max3A_139 : vector<512x2xf32>
    %exp3A_241 = math.exp %sub3A_240 : vector<512x2xf32>
    %slice3A_242 = vector.extract_strided_slice %reshape3A_46 {offsets = [26, 0, 0], sizes = [1, 512, 2], strides = [1, 1, 1]} : vector<32x512x2xf32> to vector<1x512x2xf32>
    %squeeze3A_243 = vector.shape_cast %slice3A_242 : vector<1x512x2xf32> to vector<512x2xf32>
    %sub3A_244 = arith.subf %squeeze3A_243, %max3A_139 : vector<512x2xf32>
    %exp3A_245 = math.exp %sub3A_244 : vector<512x2xf32>
    %slice3A_246 = vector.extract_strided_slice %reshape3A_46 {offsets = [27, 0, 0], sizes = [1, 512, 2], strides = [1, 1, 1]} : vector<32x512x2xf32> to vector<1x512x2xf32>
    %squeeze3A_247 = vector.shape_cast %slice3A_246 : vector<1x512x2xf32> to vector<512x2xf32>
    %sub3A_248 = arith.subf %squeeze3A_247, %max3A_139 : vector<512x2xf32>
    %exp3A_249 = math.exp %sub3A_248 : vector<512x2xf32>
    %slice3A_250 = vector.extract_strided_slice %reshape3A_46 {offsets = [28, 0, 0], sizes = [1, 512, 2], strides = [1, 1, 1]} : vector<32x512x2xf32> to vector<1x512x2xf32>
    %squeeze3A_251 = vector.shape_cast %slice3A_250 : vector<1x512x2xf32> to vector<512x2xf32>
    %sub3A_252 = arith.subf %squeeze3A_251, %max3A_139 : vector<512x2xf32>
    %exp3A_253 = math.exp %sub3A_252 : vector<512x2xf32>
    %slice3A_254 = vector.extract_strided_slice %reshape3A_46 {offsets = [29, 0, 0], sizes = [1, 512, 2], strides = [1, 1, 1]} : vector<32x512x2xf32> to vector<1x512x2xf32>
    %squeeze3A_255 = vector.shape_cast %slice3A_254 : vector<1x512x2xf32> to vector<512x2xf32>
    %sub3A_256 = arith.subf %squeeze3A_255, %max3A_139 : vector<512x2xf32>
    %exp3A_257 = math.exp %sub3A_256 : vector<512x2xf32>
    %slice3A_258 = vector.extract_strided_slice %reshape3A_46 {offsets = [30, 0, 0], sizes = [1, 512, 2], strides = [1, 1, 1]} : vector<32x512x2xf32> to vector<1x512x2xf32>
    %squeeze3A_259 = vector.shape_cast %slice3A_258 : vector<1x512x2xf32> to vector<512x2xf32>
    %sub3A_260 = arith.subf %squeeze3A_259, %max3A_139 : vector<512x2xf32>
    %exp3A_261 = math.exp %sub3A_260 : vector<512x2xf32>
    %slice3A_262 = vector.extract_strided_slice %reshape3A_46 {offsets = [31, 0, 0], sizes = [1, 512, 2], strides = [1, 1, 1]} : vector<32x512x2xf32> to vector<1x512x2xf32>
    %squeeze3A_263 = vector.shape_cast %slice3A_262 : vector<1x512x2xf32> to vector<512x2xf32>
    %sub3A_264 = arith.subf %squeeze3A_263, %max3A_139 : vector<512x2xf32>
    %exp3A_265 = math.exp %sub3A_264 : vector<512x2xf32>
    %add3A_266 = arith.addf %exp3A, %exp3A_145 : vector<512x2xf32>
    %add3A_267 = arith.addf %add3A_266, %exp3A_149 : vector<512x2xf32>
    %add3A_268 = arith.addf %add3A_267, %exp3A_153 : vector<512x2xf32>
    %add3A_269 = arith.addf %add3A_268, %exp3A_157 : vector<512x2xf32>
    %add3A_270 = arith.addf %add3A_269, %exp3A_161 : vector<512x2xf32>
    %add3A_271 = arith.addf %add3A_270, %exp3A_165 : vector<512x2xf32>
    %add3A_272 = arith.addf %add3A_271, %exp3A_169 : vector<512x2xf32>
    %add3A_273 = arith.addf %add3A_272, %exp3A_173 : vector<512x2xf32>
    %add3A_274 = arith.addf %add3A_273, %exp3A_177 : vector<512x2xf32>
    %add3A_275 = arith.addf %add3A_274, %exp3A_181 : vector<512x2xf32>
    %add3A_276 = arith.addf %add3A_275, %exp3A_185 : vector<512x2xf32>
    %add3A_277 = arith.addf %add3A_276, %exp3A_189 : vector<512x2xf32>
    %add3A_278 = arith.addf %add3A_277, %exp3A_193 : vector<512x2xf32>
    %add3A_279 = arith.addf %add3A_278, %exp3A_197 : vector<512x2xf32>
    %add3A_280 = arith.addf %add3A_279, %exp3A_201 : vector<512x2xf32>
    %add3A_281 = arith.addf %add3A_280, %exp3A_205 : vector<512x2xf32>
    %add3A_282 = arith.addf %add3A_281, %exp3A_209 : vector<512x2xf32>
    %add3A_283 = arith.addf %add3A_282, %exp3A_213 : vector<512x2xf32>
    %add3A_284 = arith.addf %add3A_283, %exp3A_217 : vector<512x2xf32>
    %add3A_285 = arith.addf %add3A_284, %exp3A_221 : vector<512x2xf32>
    %add3A_286 = arith.addf %add3A_285, %exp3A_225 : vector<512x2xf32>
    %add3A_287 = arith.addf %add3A_286, %exp3A_229 : vector<512x2xf32>
    %add3A_288 = arith.addf %add3A_287, %exp3A_233 : vector<512x2xf32>
    %add3A_289 = arith.addf %add3A_288, %exp3A_237 : vector<512x2xf32>
    %add3A_290 = arith.addf %add3A_289, %exp3A_241 : vector<512x2xf32>
    %add3A_291 = arith.addf %add3A_290, %exp3A_245 : vector<512x2xf32>
    %add3A_292 = arith.addf %add3A_291, %exp3A_249 : vector<512x2xf32>
    %add3A_293 = arith.addf %add3A_292, %exp3A_253 : vector<512x2xf32>
    %add3A_294 = arith.addf %add3A_293, %exp3A_257 : vector<512x2xf32>
    %add3A_295 = arith.addf %add3A_294, %exp3A_261 : vector<512x2xf32>
    %add3A_296 = arith.addf %add3A_295, %exp3A_265 : vector<512x2xf32>
    %div3A = arith.constant 1.000000e+00 : f32
    %div3A_297 = vector.broadcast %div3A : f32 to vector<512x2xf32>
    %div3A_298 = arith.divf %div3A_297, %add3A_296 : vector<512x2xf32>
    %slice3A_299 = vector.extract_strided_slice %exp3A {offsets = [0, 0], sizes = [512, 1], strides = [1, 1]} : vector<512x2xf32> to vector<512x1xf32>
    %broadcast_in_dim3A_300 = vector.shape_cast %slice3A_299 : vector<512x1xf32> to vector<512x1xf32>
    %broadcast_in_dim3A_301 = vector.broadcast %broadcast_in_dim3A_300 : vector<512x1xf32> to vector<512x64xf32>
    %slice3A_302 = vector.extract_strided_slice %exp3A {offsets = [0, 1], sizes = [512, 1], strides = [1, 1]} : vector<512x2xf32> to vector<512x1xf32>
    %broadcast_in_dim3A_303 = vector.shape_cast %slice3A_302 : vector<512x1xf32> to vector<512x1xf32>
    %broadcast_in_dim3A_304 = vector.broadcast %broadcast_in_dim3A_303 : vector<512x1xf32> to vector<512x64xf32>
    %concatenate3A = tpu.concatenate %broadcast_in_dim3A_301, %broadcast_in_dim3A_304 in 1 : vector<512x64xf32>, vector<512x64xf32> -> vector<512x128xf32>
    %slice3A_305 = vector.extract_strided_slice %get3A_13 {offsets = [0, 0, 0], sizes = [1, 512, 128], strides = [1, 1, 1]} : vector<32x512x128xf32> to vector<1x512x128xf32>
    %squeeze3A_306 = vector.shape_cast %slice3A_305 : vector<1x512x128xf32> to vector<512x128xf32>
    %mul3A = arith.mulf %concatenate3A, %squeeze3A_306 : vector<512x128xf32>
    %slice3A_307 = vector.extract_strided_slice %exp3A_145 {offsets = [0, 0], sizes = [512, 1], strides = [1, 1]} : vector<512x2xf32> to vector<512x1xf32>
    %broadcast_in_dim3A_308 = vector.shape_cast %slice3A_307 : vector<512x1xf32> to vector<512x1xf32>
    %broadcast_in_dim3A_309 = vector.broadcast %broadcast_in_dim3A_308 : vector<512x1xf32> to vector<512x64xf32>
    %slice3A_310 = vector.extract_strided_slice %exp3A_145 {offsets = [0, 1], sizes = [512, 1], strides = [1, 1]} : vector<512x2xf32> to vector<512x1xf32>
    %broadcast_in_dim3A_311 = vector.shape_cast %slice3A_310 : vector<512x1xf32> to vector<512x1xf32>
    %broadcast_in_dim3A_312 = vector.broadcast %broadcast_in_dim3A_311 : vector<512x1xf32> to vector<512x64xf32>
    %concatenate3A_313 = tpu.concatenate %broadcast_in_dim3A_309, %broadcast_in_dim3A_312 in 1 : vector<512x64xf32>, vector<512x64xf32> -> vector<512x128xf32>
    %slice3A_314 = vector.extract_strided_slice %get3A_13 {offsets = [1, 0, 0], sizes = [1, 512, 128], strides = [1, 1, 1]} : vector<32x512x128xf32> to vector<1x512x128xf32>
    %squeeze3A_315 = vector.shape_cast %slice3A_314 : vector<1x512x128xf32> to vector<512x128xf32>
    %mul3A_316 = arith.mulf %concatenate3A_313, %squeeze3A_315 : vector<512x128xf32>
    %add3A_317 = arith.addf %mul3A, %mul3A_316 : vector<512x128xf32>
    %slice3A_318 = vector.extract_strided_slice %exp3A_149 {offsets = [0, 0], sizes = [512, 1], strides = [1, 1]} : vector<512x2xf32> to vector<512x1xf32>
    %broadcast_in_dim3A_319 = vector.shape_cast %slice3A_318 : vector<512x1xf32> to vector<512x1xf32>
    %broadcast_in_dim3A_320 = vector.broadcast %broadcast_in_dim3A_319 : vector<512x1xf32> to vector<512x64xf32>
    %slice3A_321 = vector.extract_strided_slice %exp3A_149 {offsets = [0, 1], sizes = [512, 1], strides = [1, 1]} : vector<512x2xf32> to vector<512x1xf32>
    %broadcast_in_dim3A_322 = vector.shape_cast %slice3A_321 : vector<512x1xf32> to vector<512x1xf32>
    %broadcast_in_dim3A_323 = vector.broadcast %broadcast_in_dim3A_322 : vector<512x1xf32> to vector<512x64xf32>
    %concatenate3A_324 = tpu.concatenate %broadcast_in_dim3A_320, %broadcast_in_dim3A_323 in 1 : vector<512x64xf32>, vector<512x64xf32> -> vector<512x128xf32>
    %slice3A_325 = vector.extract_strided_slice %get3A_13 {offsets = [2, 0, 0], sizes = [1, 512, 128], strides = [1, 1, 1]} : vector<32x512x128xf32> to vector<1x512x128xf32>
    %squeeze3A_326 = vector.shape_cast %slice3A_325 : vector<1x512x128xf32> to vector<512x128xf32>
    %mul3A_327 = arith.mulf %concatenate3A_324, %squeeze3A_326 : vector<512x128xf32>
    %add3A_328 = arith.addf %add3A_317, %mul3A_327 : vector<512x128xf32>
    %slice3A_329 = vector.extract_strided_slice %exp3A_153 {offsets = [0, 0], sizes = [512, 1], strides = [1, 1]} : vector<512x2xf32> to vector<512x1xf32>
    %broadcast_in_dim3A_330 = vector.shape_cast %slice3A_329 : vector<512x1xf32> to vector<512x1xf32>
    %broadcast_in_dim3A_331 = vector.broadcast %broadcast_in_dim3A_330 : vector<512x1xf32> to vector<512x64xf32>
    %slice3A_332 = vector.extract_strided_slice %exp3A_153 {offsets = [0, 1], sizes = [512, 1], strides = [1, 1]} : vector<512x2xf32> to vector<512x1xf32>
    %broadcast_in_dim3A_333 = vector.shape_cast %slice3A_332 : vector<512x1xf32> to vector<512x1xf32>
    %broadcast_in_dim3A_334 = vector.broadcast %broadcast_in_dim3A_333 : vector<512x1xf32> to vector<512x64xf32>
    %concatenate3A_335 = tpu.concatenate %broadcast_in_dim3A_331, %broadcast_in_dim3A_334 in 1 : vector<512x64xf32>, vector<512x64xf32> -> vector<512x128xf32>
    %slice3A_336 = vector.extract_strided_slice %get3A_13 {offsets = [3, 0, 0], sizes = [1, 512, 128], strides = [1, 1, 1]} : vector<32x512x128xf32> to vector<1x512x128xf32>
    %squeeze3A_337 = vector.shape_cast %slice3A_336 : vector<1x512x128xf32> to vector<512x128xf32>
    %mul3A_338 = arith.mulf %concatenate3A_335, %squeeze3A_337 : vector<512x128xf32>
    %add3A_339 = arith.addf %add3A_328, %mul3A_338 : vector<512x128xf32>
    %slice3A_340 = vector.extract_strided_slice %exp3A_157 {offsets = [0, 0], sizes = [512, 1], strides = [1, 1]} : vector<512x2xf32> to vector<512x1xf32>
    %broadcast_in_dim3A_341 = vector.shape_cast %slice3A_340 : vector<512x1xf32> to vector<512x1xf32>
    %broadcast_in_dim3A_342 = vector.broadcast %broadcast_in_dim3A_341 : vector<512x1xf32> to vector<512x64xf32>
    %slice3A_343 = vector.extract_strided_slice %exp3A_157 {offsets = [0, 1], sizes = [512, 1], strides = [1, 1]} : vector<512x2xf32> to vector<512x1xf32>
    %broadcast_in_dim3A_344 = vector.shape_cast %slice3A_343 : vector<512x1xf32> to vector<512x1xf32>
    %broadcast_in_dim3A_345 = vector.broadcast %broadcast_in_dim3A_344 : vector<512x1xf32> to vector<512x64xf32>
    %concatenate3A_346 = tpu.concatenate %broadcast_in_dim3A_342, %broadcast_in_dim3A_345 in 1 : vector<512x64xf32>, vector<512x64xf32> -> vector<512x128xf32>
    %slice3A_347 = vector.extract_strided_slice %get3A_13 {offsets = [4, 0, 0], sizes = [1, 512, 128], strides = [1, 1, 1]} : vector<32x512x128xf32> to vector<1x512x128xf32>
    %squeeze3A_348 = vector.shape_cast %slice3A_347 : vector<1x512x128xf32> to vector<512x128xf32>
    %mul3A_349 = arith.mulf %concatenate3A_346, %squeeze3A_348 : vector<512x128xf32>
    %add3A_350 = arith.addf %add3A_339, %mul3A_349 : vector<512x128xf32>
    %slice3A_351 = vector.extract_strided_slice %exp3A_161 {offsets = [0, 0], sizes = [512, 1], strides = [1, 1]} : vector<512x2xf32> to vector<512x1xf32>
    %broadcast_in_dim3A_352 = vector.shape_cast %slice3A_351 : vector<512x1xf32> to vector<512x1xf32>
    %broadcast_in_dim3A_353 = vector.broadcast %broadcast_in_dim3A_352 : vector<512x1xf32> to vector<512x64xf32>
    %slice3A_354 = vector.extract_strided_slice %exp3A_161 {offsets = [0, 1], sizes = [512, 1], strides = [1, 1]} : vector<512x2xf32> to vector<512x1xf32>
    %broadcast_in_dim3A_355 = vector.shape_cast %slice3A_354 : vector<512x1xf32> to vector<512x1xf32>
    %broadcast_in_dim3A_356 = vector.broadcast %broadcast_in_dim3A_355 : vector<512x1xf32> to vector<512x64xf32>
    %concatenate3A_357 = tpu.concatenate %broadcast_in_dim3A_353, %broadcast_in_dim3A_356 in 1 : vector<512x64xf32>, vector<512x64xf32> -> vector<512x128xf32>
    %slice3A_358 = vector.extract_strided_slice %get3A_13 {offsets = [5, 0, 0], sizes = [1, 512, 128], strides = [1, 1, 1]} : vector<32x512x128xf32> to vector<1x512x128xf32>
    %squeeze3A_359 = vector.shape_cast %slice3A_358 : vector<1x512x128xf32> to vector<512x128xf32>
    %mul3A_360 = arith.mulf %concatenate3A_357, %squeeze3A_359 : vector<512x128xf32>
    %add3A_361 = arith.addf %add3A_350, %mul3A_360 : vector<512x128xf32>
    %slice3A_362 = vector.extract_strided_slice %exp3A_165 {offsets = [0, 0], sizes = [512, 1], strides = [1, 1]} : vector<512x2xf32> to vector<512x1xf32>
    %broadcast_in_dim3A_363 = vector.shape_cast %slice3A_362 : vector<512x1xf32> to vector<512x1xf32>
    %broadcast_in_dim3A_364 = vector.broadcast %broadcast_in_dim3A_363 : vector<512x1xf32> to vector<512x64xf32>
    %slice3A_365 = vector.extract_strided_slice %exp3A_165 {offsets = [0, 1], sizes = [512, 1], strides = [1, 1]} : vector<512x2xf32> to vector<512x1xf32>
    %broadcast_in_dim3A_366 = vector.shape_cast %slice3A_365 : vector<512x1xf32> to vector<512x1xf32>
    %broadcast_in_dim3A_367 = vector.broadcast %broadcast_in_dim3A_366 : vector<512x1xf32> to vector<512x64xf32>
    %concatenate3A_368 = tpu.concatenate %broadcast_in_dim3A_364, %broadcast_in_dim3A_367 in 1 : vector<512x64xf32>, vector<512x64xf32> -> vector<512x128xf32>
    %slice3A_369 = vector.extract_strided_slice %get3A_13 {offsets = [6, 0, 0], sizes = [1, 512, 128], strides = [1, 1, 1]} : vector<32x512x128xf32> to vector<1x512x128xf32>
    %squeeze3A_370 = vector.shape_cast %slice3A_369 : vector<1x512x128xf32> to vector<512x128xf32>
    %mul3A_371 = arith.mulf %concatenate3A_368, %squeeze3A_370 : vector<512x128xf32>
    %add3A_372 = arith.addf %add3A_361, %mul3A_371 : vector<512x128xf32>
    %slice3A_373 = vector.extract_strided_slice %exp3A_169 {offsets = [0, 0], sizes = [512, 1], strides = [1, 1]} : vector<512x2xf32> to vector<512x1xf32>
    %broadcast_in_dim3A_374 = vector.shape_cast %slice3A_373 : vector<512x1xf32> to vector<512x1xf32>
    %broadcast_in_dim3A_375 = vector.broadcast %broadcast_in_dim3A_374 : vector<512x1xf32> to vector<512x64xf32>
    %slice3A_376 = vector.extract_strided_slice %exp3A_169 {offsets = [0, 1], sizes = [512, 1], strides = [1, 1]} : vector<512x2xf32> to vector<512x1xf32>
    %broadcast_in_dim3A_377 = vector.shape_cast %slice3A_376 : vector<512x1xf32> to vector<512x1xf32>
    %broadcast_in_dim3A_378 = vector.broadcast %broadcast_in_dim3A_377 : vector<512x1xf32> to vector<512x64xf32>
    %concatenate3A_379 = tpu.concatenate %broadcast_in_dim3A_375, %broadcast_in_dim3A_378 in 1 : vector<512x64xf32>, vector<512x64xf32> -> vector<512x128xf32>
    %slice3A_380 = vector.extract_strided_slice %get3A_13 {offsets = [7, 0, 0], sizes = [1, 512, 128], strides = [1, 1, 1]} : vector<32x512x128xf32> to vector<1x512x128xf32>
    %squeeze3A_381 = vector.shape_cast %slice3A_380 : vector<1x512x128xf32> to vector<512x128xf32>
    %mul3A_382 = arith.mulf %concatenate3A_379, %squeeze3A_381 : vector<512x128xf32>
    %add3A_383 = arith.addf %add3A_372, %mul3A_382 : vector<512x128xf32>
    %slice3A_384 = vector.extract_strided_slice %exp3A_173 {offsets = [0, 0], sizes = [512, 1], strides = [1, 1]} : vector<512x2xf32> to vector<512x1xf32>
    %broadcast_in_dim3A_385 = vector.shape_cast %slice3A_384 : vector<512x1xf32> to vector<512x1xf32>
    %broadcast_in_dim3A_386 = vector.broadcast %broadcast_in_dim3A_385 : vector<512x1xf32> to vector<512x64xf32>
    %slice3A_387 = vector.extract_strided_slice %exp3A_173 {offsets = [0, 1], sizes = [512, 1], strides = [1, 1]} : vector<512x2xf32> to vector<512x1xf32>
    %broadcast_in_dim3A_388 = vector.shape_cast %slice3A_387 : vector<512x1xf32> to vector<512x1xf32>
    %broadcast_in_dim3A_389 = vector.broadcast %broadcast_in_dim3A_388 : vector<512x1xf32> to vector<512x64xf32>
    %concatenate3A_390 = tpu.concatenate %broadcast_in_dim3A_386, %broadcast_in_dim3A_389 in 1 : vector<512x64xf32>, vector<512x64xf32> -> vector<512x128xf32>
    %slice3A_391 = vector.extract_strided_slice %get3A_13 {offsets = [8, 0, 0], sizes = [1, 512, 128], strides = [1, 1, 1]} : vector<32x512x128xf32> to vector<1x512x128xf32>
    %squeeze3A_392 = vector.shape_cast %slice3A_391 : vector<1x512x128xf32> to vector<512x128xf32>
    %mul3A_393 = arith.mulf %concatenate3A_390, %squeeze3A_392 : vector<512x128xf32>
    %add3A_394 = arith.addf %add3A_383, %mul3A_393 : vector<512x128xf32>
    %slice3A_395 = vector.extract_strided_slice %exp3A_177 {offsets = [0, 0], sizes = [512, 1], strides = [1, 1]} : vector<512x2xf32> to vector<512x1xf32>
    %broadcast_in_dim3A_396 = vector.shape_cast %slice3A_395 : vector<512x1xf32> to vector<512x1xf32>
    %broadcast_in_dim3A_397 = vector.broadcast %broadcast_in_dim3A_396 : vector<512x1xf32> to vector<512x64xf32>
    %slice3A_398 = vector.extract_strided_slice %exp3A_177 {offsets = [0, 1], sizes = [512, 1], strides = [1, 1]} : vector<512x2xf32> to vector<512x1xf32>
    %broadcast_in_dim3A_399 = vector.shape_cast %slice3A_398 : vector<512x1xf32> to vector<512x1xf32>
    %broadcast_in_dim3A_400 = vector.broadcast %broadcast_in_dim3A_399 : vector<512x1xf32> to vector<512x64xf32>
    %concatenate3A_401 = tpu.concatenate %broadcast_in_dim3A_397, %broadcast_in_dim3A_400 in 1 : vector<512x64xf32>, vector<512x64xf32> -> vector<512x128xf32>
    %slice3A_402 = vector.extract_strided_slice %get3A_13 {offsets = [9, 0, 0], sizes = [1, 512, 128], strides = [1, 1, 1]} : vector<32x512x128xf32> to vector<1x512x128xf32>
    %squeeze3A_403 = vector.shape_cast %slice3A_402 : vector<1x512x128xf32> to vector<512x128xf32>
    %mul3A_404 = arith.mulf %concatenate3A_401, %squeeze3A_403 : vector<512x128xf32>
    %add3A_405 = arith.addf %add3A_394, %mul3A_404 : vector<512x128xf32>
    %slice3A_406 = vector.extract_strided_slice %exp3A_181 {offsets = [0, 0], sizes = [512, 1], strides = [1, 1]} : vector<512x2xf32> to vector<512x1xf32>
    %broadcast_in_dim3A_407 = vector.shape_cast %slice3A_406 : vector<512x1xf32> to vector<512x1xf32>
    %broadcast_in_dim3A_408 = vector.broadcast %broadcast_in_dim3A_407 : vector<512x1xf32> to vector<512x64xf32>
    %slice3A_409 = vector.extract_strided_slice %exp3A_181 {offsets = [0, 1], sizes = [512, 1], strides = [1, 1]} : vector<512x2xf32> to vector<512x1xf32>
    %broadcast_in_dim3A_410 = vector.shape_cast %slice3A_409 : vector<512x1xf32> to vector<512x1xf32>
    %broadcast_in_dim3A_411 = vector.broadcast %broadcast_in_dim3A_410 : vector<512x1xf32> to vector<512x64xf32>
    %concatenate3A_412 = tpu.concatenate %broadcast_in_dim3A_408, %broadcast_in_dim3A_411 in 1 : vector<512x64xf32>, vector<512x64xf32> -> vector<512x128xf32>
    %slice3A_413 = vector.extract_strided_slice %get3A_13 {offsets = [10, 0, 0], sizes = [1, 512, 128], strides = [1, 1, 1]} : vector<32x512x128xf32> to vector<1x512x128xf32>
    %squeeze3A_414 = vector.shape_cast %slice3A_413 : vector<1x512x128xf32> to vector<512x128xf32>
    %mul3A_415 = arith.mulf %concatenate3A_412, %squeeze3A_414 : vector<512x128xf32>
    %add3A_416 = arith.addf %add3A_405, %mul3A_415 : vector<512x128xf32>
    %slice3A_417 = vector.extract_strided_slice %exp3A_185 {offsets = [0, 0], sizes = [512, 1], strides = [1, 1]} : vector<512x2xf32> to vector<512x1xf32>
    %broadcast_in_dim3A_418 = vector.shape_cast %slice3A_417 : vector<512x1xf32> to vector<512x1xf32>
    %broadcast_in_dim3A_419 = vector.broadcast %broadcast_in_dim3A_418 : vector<512x1xf32> to vector<512x64xf32>
    %slice3A_420 = vector.extract_strided_slice %exp3A_185 {offsets = [0, 1], sizes = [512, 1], strides = [1, 1]} : vector<512x2xf32> to vector<512x1xf32>
    %broadcast_in_dim3A_421 = vector.shape_cast %slice3A_420 : vector<512x1xf32> to vector<512x1xf32>
    %broadcast_in_dim3A_422 = vector.broadcast %broadcast_in_dim3A_421 : vector<512x1xf32> to vector<512x64xf32>
    %concatenate3A_423 = tpu.concatenate %broadcast_in_dim3A_419, %broadcast_in_dim3A_422 in 1 : vector<512x64xf32>, vector<512x64xf32> -> vector<512x128xf32>
    %slice3A_424 = vector.extract_strided_slice %get3A_13 {offsets = [11, 0, 0], sizes = [1, 512, 128], strides = [1, 1, 1]} : vector<32x512x128xf32> to vector<1x512x128xf32>
    %squeeze3A_425 = vector.shape_cast %slice3A_424 : vector<1x512x128xf32> to vector<512x128xf32>
    %mul3A_426 = arith.mulf %concatenate3A_423, %squeeze3A_425 : vector<512x128xf32>
    %add3A_427 = arith.addf %add3A_416, %mul3A_426 : vector<512x128xf32>
    %slice3A_428 = vector.extract_strided_slice %exp3A_189 {offsets = [0, 0], sizes = [512, 1], strides = [1, 1]} : vector<512x2xf32> to vector<512x1xf32>
    %broadcast_in_dim3A_429 = vector.shape_cast %slice3A_428 : vector<512x1xf32> to vector<512x1xf32>
    %broadcast_in_dim3A_430 = vector.broadcast %broadcast_in_dim3A_429 : vector<512x1xf32> to vector<512x64xf32>
    %slice3A_431 = vector.extract_strided_slice %exp3A_189 {offsets = [0, 1], sizes = [512, 1], strides = [1, 1]} : vector<512x2xf32> to vector<512x1xf32>
    %broadcast_in_dim3A_432 = vector.shape_cast %slice3A_431 : vector<512x1xf32> to vector<512x1xf32>
    %broadcast_in_dim3A_433 = vector.broadcast %broadcast_in_dim3A_432 : vector<512x1xf32> to vector<512x64xf32>
    %concatenate3A_434 = tpu.concatenate %broadcast_in_dim3A_430, %broadcast_in_dim3A_433 in 1 : vector<512x64xf32>, vector<512x64xf32> -> vector<512x128xf32>
    %slice3A_435 = vector.extract_strided_slice %get3A_13 {offsets = [12, 0, 0], sizes = [1, 512, 128], strides = [1, 1, 1]} : vector<32x512x128xf32> to vector<1x512x128xf32>
    %squeeze3A_436 = vector.shape_cast %slice3A_435 : vector<1x512x128xf32> to vector<512x128xf32>
    %mul3A_437 = arith.mulf %concatenate3A_434, %squeeze3A_436 : vector<512x128xf32>
    %add3A_438 = arith.addf %add3A_427, %mul3A_437 : vector<512x128xf32>
    %slice3A_439 = vector.extract_strided_slice %exp3A_193 {offsets = [0, 0], sizes = [512, 1], strides = [1, 1]} : vector<512x2xf32> to vector<512x1xf32>
    %broadcast_in_dim3A_440 = vector.shape_cast %slice3A_439 : vector<512x1xf32> to vector<512x1xf32>
    %broadcast_in_dim3A_441 = vector.broadcast %broadcast_in_dim3A_440 : vector<512x1xf32> to vector<512x64xf32>
    %slice3A_442 = vector.extract_strided_slice %exp3A_193 {offsets = [0, 1], sizes = [512, 1], strides = [1, 1]} : vector<512x2xf32> to vector<512x1xf32>
    %broadcast_in_dim3A_443 = vector.shape_cast %slice3A_442 : vector<512x1xf32> to vector<512x1xf32>
    %broadcast_in_dim3A_444 = vector.broadcast %broadcast_in_dim3A_443 : vector<512x1xf32> to vector<512x64xf32>
    %concatenate3A_445 = tpu.concatenate %broadcast_in_dim3A_441, %broadcast_in_dim3A_444 in 1 : vector<512x64xf32>, vector<512x64xf32> -> vector<512x128xf32>
    %slice3A_446 = vector.extract_strided_slice %get3A_13 {offsets = [13, 0, 0], sizes = [1, 512, 128], strides = [1, 1, 1]} : vector<32x512x128xf32> to vector<1x512x128xf32>
    %squeeze3A_447 = vector.shape_cast %slice3A_446 : vector<1x512x128xf32> to vector<512x128xf32>
    %mul3A_448 = arith.mulf %concatenate3A_445, %squeeze3A_447 : vector<512x128xf32>
    %add3A_449 = arith.addf %add3A_438, %mul3A_448 : vector<512x128xf32>
    %slice3A_450 = vector.extract_strided_slice %exp3A_197 {offsets = [0, 0], sizes = [512, 1], strides = [1, 1]} : vector<512x2xf32> to vector<512x1xf32>
    %broadcast_in_dim3A_451 = vector.shape_cast %slice3A_450 : vector<512x1xf32> to vector<512x1xf32>
    %broadcast_in_dim3A_452 = vector.broadcast %broadcast_in_dim3A_451 : vector<512x1xf32> to vector<512x64xf32>
    %slice3A_453 = vector.extract_strided_slice %exp3A_197 {offsets = [0, 1], sizes = [512, 1], strides = [1, 1]} : vector<512x2xf32> to vector<512x1xf32>
    %broadcast_in_dim3A_454 = vector.shape_cast %slice3A_453 : vector<512x1xf32> to vector<512x1xf32>
    %broadcast_in_dim3A_455 = vector.broadcast %broadcast_in_dim3A_454 : vector<512x1xf32> to vector<512x64xf32>
    %concatenate3A_456 = tpu.concatenate %broadcast_in_dim3A_452, %broadcast_in_dim3A_455 in 1 : vector<512x64xf32>, vector<512x64xf32> -> vector<512x128xf32>
    %slice3A_457 = vector.extract_strided_slice %get3A_13 {offsets = [14, 0, 0], sizes = [1, 512, 128], strides = [1, 1, 1]} : vector<32x512x128xf32> to vector<1x512x128xf32>
    %squeeze3A_458 = vector.shape_cast %slice3A_457 : vector<1x512x128xf32> to vector<512x128xf32>
    %mul3A_459 = arith.mulf %concatenate3A_456, %squeeze3A_458 : vector<512x128xf32>
    %add3A_460 = arith.addf %add3A_449, %mul3A_459 : vector<512x128xf32>
    %slice3A_461 = vector.extract_strided_slice %exp3A_201 {offsets = [0, 0], sizes = [512, 1], strides = [1, 1]} : vector<512x2xf32> to vector<512x1xf32>
    %broadcast_in_dim3A_462 = vector.shape_cast %slice3A_461 : vector<512x1xf32> to vector<512x1xf32>
    %broadcast_in_dim3A_463 = vector.broadcast %broadcast_in_dim3A_462 : vector<512x1xf32> to vector<512x64xf32>
    %slice3A_464 = vector.extract_strided_slice %exp3A_201 {offsets = [0, 1], sizes = [512, 1], strides = [1, 1]} : vector<512x2xf32> to vector<512x1xf32>
    %broadcast_in_dim3A_465 = vector.shape_cast %slice3A_464 : vector<512x1xf32> to vector<512x1xf32>
    %broadcast_in_dim3A_466 = vector.broadcast %broadcast_in_dim3A_465 : vector<512x1xf32> to vector<512x64xf32>
    %concatenate3A_467 = tpu.concatenate %broadcast_in_dim3A_463, %broadcast_in_dim3A_466 in 1 : vector<512x64xf32>, vector<512x64xf32> -> vector<512x128xf32>
    %slice3A_468 = vector.extract_strided_slice %get3A_13 {offsets = [15, 0, 0], sizes = [1, 512, 128], strides = [1, 1, 1]} : vector<32x512x128xf32> to vector<1x512x128xf32>
    %squeeze3A_469 = vector.shape_cast %slice3A_468 : vector<1x512x128xf32> to vector<512x128xf32>
    %mul3A_470 = arith.mulf %concatenate3A_467, %squeeze3A_469 : vector<512x128xf32>
    %add3A_471 = arith.addf %add3A_460, %mul3A_470 : vector<512x128xf32>
    %slice3A_472 = vector.extract_strided_slice %exp3A_205 {offsets = [0, 0], sizes = [512, 1], strides = [1, 1]} : vector<512x2xf32> to vector<512x1xf32>
    %broadcast_in_dim3A_473 = vector.shape_cast %slice3A_472 : vector<512x1xf32> to vector<512x1xf32>
    %broadcast_in_dim3A_474 = vector.broadcast %broadcast_in_dim3A_473 : vector<512x1xf32> to vector<512x64xf32>
    %slice3A_475 = vector.extract_strided_slice %exp3A_205 {offsets = [0, 1], sizes = [512, 1], strides = [1, 1]} : vector<512x2xf32> to vector<512x1xf32>
    %broadcast_in_dim3A_476 = vector.shape_cast %slice3A_475 : vector<512x1xf32> to vector<512x1xf32>
    %broadcast_in_dim3A_477 = vector.broadcast %broadcast_in_dim3A_476 : vector<512x1xf32> to vector<512x64xf32>
    %concatenate3A_478 = tpu.concatenate %broadcast_in_dim3A_474, %broadcast_in_dim3A_477 in 1 : vector<512x64xf32>, vector<512x64xf32> -> vector<512x128xf32>
    %slice3A_479 = vector.extract_strided_slice %get3A_13 {offsets = [16, 0, 0], sizes = [1, 512, 128], strides = [1, 1, 1]} : vector<32x512x128xf32> to vector<1x512x128xf32>
    %squeeze3A_480 = vector.shape_cast %slice3A_479 : vector<1x512x128xf32> to vector<512x128xf32>
    %mul3A_481 = arith.mulf %concatenate3A_478, %squeeze3A_480 : vector<512x128xf32>
    %add3A_482 = arith.addf %add3A_471, %mul3A_481 : vector<512x128xf32>
    %slice3A_483 = vector.extract_strided_slice %exp3A_209 {offsets = [0, 0], sizes = [512, 1], strides = [1, 1]} : vector<512x2xf32> to vector<512x1xf32>
    %broadcast_in_dim3A_484 = vector.shape_cast %slice3A_483 : vector<512x1xf32> to vector<512x1xf32>
    %broadcast_in_dim3A_485 = vector.broadcast %broadcast_in_dim3A_484 : vector<512x1xf32> to vector<512x64xf32>
    %slice3A_486 = vector.extract_strided_slice %exp3A_209 {offsets = [0, 1], sizes = [512, 1], strides = [1, 1]} : vector<512x2xf32> to vector<512x1xf32>
    %broadcast_in_dim3A_487 = vector.shape_cast %slice3A_486 : vector<512x1xf32> to vector<512x1xf32>
    %broadcast_in_dim3A_488 = vector.broadcast %broadcast_in_dim3A_487 : vector<512x1xf32> to vector<512x64xf32>
    %concatenate3A_489 = tpu.concatenate %broadcast_in_dim3A_485, %broadcast_in_dim3A_488 in 1 : vector<512x64xf32>, vector<512x64xf32> -> vector<512x128xf32>
    %slice3A_490 = vector.extract_strided_slice %get3A_13 {offsets = [17, 0, 0], sizes = [1, 512, 128], strides = [1, 1, 1]} : vector<32x512x128xf32> to vector<1x512x128xf32>
    %squeeze3A_491 = vector.shape_cast %slice3A_490 : vector<1x512x128xf32> to vector<512x128xf32>
    %mul3A_492 = arith.mulf %concatenate3A_489, %squeeze3A_491 : vector<512x128xf32>
    %add3A_493 = arith.addf %add3A_482, %mul3A_492 : vector<512x128xf32>
    %slice3A_494 = vector.extract_strided_slice %exp3A_213 {offsets = [0, 0], sizes = [512, 1], strides = [1, 1]} : vector<512x2xf32> to vector<512x1xf32>
    %broadcast_in_dim3A_495 = vector.shape_cast %slice3A_494 : vector<512x1xf32> to vector<512x1xf32>
    %broadcast_in_dim3A_496 = vector.broadcast %broadcast_in_dim3A_495 : vector<512x1xf32> to vector<512x64xf32>
    %slice3A_497 = vector.extract_strided_slice %exp3A_213 {offsets = [0, 1], sizes = [512, 1], strides = [1, 1]} : vector<512x2xf32> to vector<512x1xf32>
    %broadcast_in_dim3A_498 = vector.shape_cast %slice3A_497 : vector<512x1xf32> to vector<512x1xf32>
    %broadcast_in_dim3A_499 = vector.broadcast %broadcast_in_dim3A_498 : vector<512x1xf32> to vector<512x64xf32>
    %concatenate3A_500 = tpu.concatenate %broadcast_in_dim3A_496, %broadcast_in_dim3A_499 in 1 : vector<512x64xf32>, vector<512x64xf32> -> vector<512x128xf32>
    %slice3A_501 = vector.extract_strided_slice %get3A_13 {offsets = [18, 0, 0], sizes = [1, 512, 128], strides = [1, 1, 1]} : vector<32x512x128xf32> to vector<1x512x128xf32>
    %squeeze3A_502 = vector.shape_cast %slice3A_501 : vector<1x512x128xf32> to vector<512x128xf32>
    %mul3A_503 = arith.mulf %concatenate3A_500, %squeeze3A_502 : vector<512x128xf32>
    %add3A_504 = arith.addf %add3A_493, %mul3A_503 : vector<512x128xf32>
    %slice3A_505 = vector.extract_strided_slice %exp3A_217 {offsets = [0, 0], sizes = [512, 1], strides = [1, 1]} : vector<512x2xf32> to vector<512x1xf32>
    %broadcast_in_dim3A_506 = vector.shape_cast %slice3A_505 : vector<512x1xf32> to vector<512x1xf32>
    %broadcast_in_dim3A_507 = vector.broadcast %broadcast_in_dim3A_506 : vector<512x1xf32> to vector<512x64xf32>
    %slice3A_508 = vector.extract_strided_slice %exp3A_217 {offsets = [0, 1], sizes = [512, 1], strides = [1, 1]} : vector<512x2xf32> to vector<512x1xf32>
    %broadcast_in_dim3A_509 = vector.shape_cast %slice3A_508 : vector<512x1xf32> to vector<512x1xf32>
    %broadcast_in_dim3A_510 = vector.broadcast %broadcast_in_dim3A_509 : vector<512x1xf32> to vector<512x64xf32>
    %concatenate3A_511 = tpu.concatenate %broadcast_in_dim3A_507, %broadcast_in_dim3A_510 in 1 : vector<512x64xf32>, vector<512x64xf32> -> vector<512x128xf32>
    %slice3A_512 = vector.extract_strided_slice %get3A_13 {offsets = [19, 0, 0], sizes = [1, 512, 128], strides = [1, 1, 1]} : vector<32x512x128xf32> to vector<1x512x128xf32>
    %squeeze3A_513 = vector.shape_cast %slice3A_512 : vector<1x512x128xf32> to vector<512x128xf32>
    %mul3A_514 = arith.mulf %concatenate3A_511, %squeeze3A_513 : vector<512x128xf32>
    %add3A_515 = arith.addf %add3A_504, %mul3A_514 : vector<512x128xf32>
    %slice3A_516 = vector.extract_strided_slice %exp3A_221 {offsets = [0, 0], sizes = [512, 1], strides = [1, 1]} : vector<512x2xf32> to vector<512x1xf32>
    %broadcast_in_dim3A_517 = vector.shape_cast %slice3A_516 : vector<512x1xf32> to vector<512x1xf32>
    %broadcast_in_dim3A_518 = vector.broadcast %broadcast_in_dim3A_517 : vector<512x1xf32> to vector<512x64xf32>
    %slice3A_519 = vector.extract_strided_slice %exp3A_221 {offsets = [0, 1], sizes = [512, 1], strides = [1, 1]} : vector<512x2xf32> to vector<512x1xf32>
    %broadcast_in_dim3A_520 = vector.shape_cast %slice3A_519 : vector<512x1xf32> to vector<512x1xf32>
    %broadcast_in_dim3A_521 = vector.broadcast %broadcast_in_dim3A_520 : vector<512x1xf32> to vector<512x64xf32>
    %concatenate3A_522 = tpu.concatenate %broadcast_in_dim3A_518, %broadcast_in_dim3A_521 in 1 : vector<512x64xf32>, vector<512x64xf32> -> vector<512x128xf32>
    %slice3A_523 = vector.extract_strided_slice %get3A_13 {offsets = [20, 0, 0], sizes = [1, 512, 128], strides = [1, 1, 1]} : vector<32x512x128xf32> to vector<1x512x128xf32>
    %squeeze3A_524 = vector.shape_cast %slice3A_523 : vector<1x512x128xf32> to vector<512x128xf32>
    %mul3A_525 = arith.mulf %concatenate3A_522, %squeeze3A_524 : vector<512x128xf32>
    %add3A_526 = arith.addf %add3A_515, %mul3A_525 : vector<512x128xf32>
    %slice3A_527 = vector.extract_strided_slice %exp3A_225 {offsets = [0, 0], sizes = [512, 1], strides = [1, 1]} : vector<512x2xf32> to vector<512x1xf32>
    %broadcast_in_dim3A_528 = vector.shape_cast %slice3A_527 : vector<512x1xf32> to vector<512x1xf32>
    %broadcast_in_dim3A_529 = vector.broadcast %broadcast_in_dim3A_528 : vector<512x1xf32> to vector<512x64xf32>
    %slice3A_530 = vector.extract_strided_slice %exp3A_225 {offsets = [0, 1], sizes = [512, 1], strides = [1, 1]} : vector<512x2xf32> to vector<512x1xf32>
    %broadcast_in_dim3A_531 = vector.shape_cast %slice3A_530 : vector<512x1xf32> to vector<512x1xf32>
    %broadcast_in_dim3A_532 = vector.broadcast %broadcast_in_dim3A_531 : vector<512x1xf32> to vector<512x64xf32>
    %concatenate3A_533 = tpu.concatenate %broadcast_in_dim3A_529, %broadcast_in_dim3A_532 in 1 : vector<512x64xf32>, vector<512x64xf32> -> vector<512x128xf32>
    %slice3A_534 = vector.extract_strided_slice %get3A_13 {offsets = [21, 0, 0], sizes = [1, 512, 128], strides = [1, 1, 1]} : vector<32x512x128xf32> to vector<1x512x128xf32>
    %squeeze3A_535 = vector.shape_cast %slice3A_534 : vector<1x512x128xf32> to vector<512x128xf32>
    %mul3A_536 = arith.mulf %concatenate3A_533, %squeeze3A_535 : vector<512x128xf32>
    %add3A_537 = arith.addf %add3A_526, %mul3A_536 : vector<512x128xf32>
    %slice3A_538 = vector.extract_strided_slice %exp3A_229 {offsets = [0, 0], sizes = [512, 1], strides = [1, 1]} : vector<512x2xf32> to vector<512x1xf32>
    %broadcast_in_dim3A_539 = vector.shape_cast %slice3A_538 : vector<512x1xf32> to vector<512x1xf32>
    %broadcast_in_dim3A_540 = vector.broadcast %broadcast_in_dim3A_539 : vector<512x1xf32> to vector<512x64xf32>
    %slice3A_541 = vector.extract_strided_slice %exp3A_229 {offsets = [0, 1], sizes = [512, 1], strides = [1, 1]} : vector<512x2xf32> to vector<512x1xf32>
    %broadcast_in_dim3A_542 = vector.shape_cast %slice3A_541 : vector<512x1xf32> to vector<512x1xf32>
    %broadcast_in_dim3A_543 = vector.broadcast %broadcast_in_dim3A_542 : vector<512x1xf32> to vector<512x64xf32>
    %concatenate3A_544 = tpu.concatenate %broadcast_in_dim3A_540, %broadcast_in_dim3A_543 in 1 : vector<512x64xf32>, vector<512x64xf32> -> vector<512x128xf32>
    %slice3A_545 = vector.extract_strided_slice %get3A_13 {offsets = [22, 0, 0], sizes = [1, 512, 128], strides = [1, 1, 1]} : vector<32x512x128xf32> to vector<1x512x128xf32>
    %squeeze3A_546 = vector.shape_cast %slice3A_545 : vector<1x512x128xf32> to vector<512x128xf32>
    %mul3A_547 = arith.mulf %concatenate3A_544, %squeeze3A_546 : vector<512x128xf32>
    %add3A_548 = arith.addf %add3A_537, %mul3A_547 : vector<512x128xf32>
    %slice3A_549 = vector.extract_strided_slice %exp3A_233 {offsets = [0, 0], sizes = [512, 1], strides = [1, 1]} : vector<512x2xf32> to vector<512x1xf32>
    %broadcast_in_dim3A_550 = vector.shape_cast %slice3A_549 : vector<512x1xf32> to vector<512x1xf32>
    %broadcast_in_dim3A_551 = vector.broadcast %broadcast_in_dim3A_550 : vector<512x1xf32> to vector<512x64xf32>
    %slice3A_552 = vector.extract_strided_slice %exp3A_233 {offsets = [0, 1], sizes = [512, 1], strides = [1, 1]} : vector<512x2xf32> to vector<512x1xf32>
    %broadcast_in_dim3A_553 = vector.shape_cast %slice3A_552 : vector<512x1xf32> to vector<512x1xf32>
    %broadcast_in_dim3A_554 = vector.broadcast %broadcast_in_dim3A_553 : vector<512x1xf32> to vector<512x64xf32>
    %concatenate3A_555 = tpu.concatenate %broadcast_in_dim3A_551, %broadcast_in_dim3A_554 in 1 : vector<512x64xf32>, vector<512x64xf32> -> vector<512x128xf32>
    %slice3A_556 = vector.extract_strided_slice %get3A_13 {offsets = [23, 0, 0], sizes = [1, 512, 128], strides = [1, 1, 1]} : vector<32x512x128xf32> to vector<1x512x128xf32>
    %squeeze3A_557 = vector.shape_cast %slice3A_556 : vector<1x512x128xf32> to vector<512x128xf32>
    %mul3A_558 = arith.mulf %concatenate3A_555, %squeeze3A_557 : vector<512x128xf32>
    %add3A_559 = arith.addf %add3A_548, %mul3A_558 : vector<512x128xf32>
    %slice3A_560 = vector.extract_strided_slice %exp3A_237 {offsets = [0, 0], sizes = [512, 1], strides = [1, 1]} : vector<512x2xf32> to vector<512x1xf32>
    %broadcast_in_dim3A_561 = vector.shape_cast %slice3A_560 : vector<512x1xf32> to vector<512x1xf32>
    %broadcast_in_dim3A_562 = vector.broadcast %broadcast_in_dim3A_561 : vector<512x1xf32> to vector<512x64xf32>
    %slice3A_563 = vector.extract_strided_slice %exp3A_237 {offsets = [0, 1], sizes = [512, 1], strides = [1, 1]} : vector<512x2xf32> to vector<512x1xf32>
    %broadcast_in_dim3A_564 = vector.shape_cast %slice3A_563 : vector<512x1xf32> to vector<512x1xf32>
    %broadcast_in_dim3A_565 = vector.broadcast %broadcast_in_dim3A_564 : vector<512x1xf32> to vector<512x64xf32>
    %concatenate3A_566 = tpu.concatenate %broadcast_in_dim3A_562, %broadcast_in_dim3A_565 in 1 : vector<512x64xf32>, vector<512x64xf32> -> vector<512x128xf32>
    %slice3A_567 = vector.extract_strided_slice %get3A_13 {offsets = [24, 0, 0], sizes = [1, 512, 128], strides = [1, 1, 1]} : vector<32x512x128xf32> to vector<1x512x128xf32>
    %squeeze3A_568 = vector.shape_cast %slice3A_567 : vector<1x512x128xf32> to vector<512x128xf32>
    %mul3A_569 = arith.mulf %concatenate3A_566, %squeeze3A_568 : vector<512x128xf32>
    %add3A_570 = arith.addf %add3A_559, %mul3A_569 : vector<512x128xf32>
    %slice3A_571 = vector.extract_strided_slice %exp3A_241 {offsets = [0, 0], sizes = [512, 1], strides = [1, 1]} : vector<512x2xf32> to vector<512x1xf32>
    %broadcast_in_dim3A_572 = vector.shape_cast %slice3A_571 : vector<512x1xf32> to vector<512x1xf32>
    %broadcast_in_dim3A_573 = vector.broadcast %broadcast_in_dim3A_572 : vector<512x1xf32> to vector<512x64xf32>
    %slice3A_574 = vector.extract_strided_slice %exp3A_241 {offsets = [0, 1], sizes = [512, 1], strides = [1, 1]} : vector<512x2xf32> to vector<512x1xf32>
    %broadcast_in_dim3A_575 = vector.shape_cast %slice3A_574 : vector<512x1xf32> to vector<512x1xf32>
    %broadcast_in_dim3A_576 = vector.broadcast %broadcast_in_dim3A_575 : vector<512x1xf32> to vector<512x64xf32>
    %concatenate3A_577 = tpu.concatenate %broadcast_in_dim3A_573, %broadcast_in_dim3A_576 in 1 : vector<512x64xf32>, vector<512x64xf32> -> vector<512x128xf32>
    %slice3A_578 = vector.extract_strided_slice %get3A_13 {offsets = [25, 0, 0], sizes = [1, 512, 128], strides = [1, 1, 1]} : vector<32x512x128xf32> to vector<1x512x128xf32>
    %squeeze3A_579 = vector.shape_cast %slice3A_578 : vector<1x512x128xf32> to vector<512x128xf32>
    %mul3A_580 = arith.mulf %concatenate3A_577, %squeeze3A_579 : vector<512x128xf32>
    %add3A_581 = arith.addf %add3A_570, %mul3A_580 : vector<512x128xf32>
    %slice3A_582 = vector.extract_strided_slice %exp3A_245 {offsets = [0, 0], sizes = [512, 1], strides = [1, 1]} : vector<512x2xf32> to vector<512x1xf32>
    %broadcast_in_dim3A_583 = vector.shape_cast %slice3A_582 : vector<512x1xf32> to vector<512x1xf32>
    %broadcast_in_dim3A_584 = vector.broadcast %broadcast_in_dim3A_583 : vector<512x1xf32> to vector<512x64xf32>
    %slice3A_585 = vector.extract_strided_slice %exp3A_245 {offsets = [0, 1], sizes = [512, 1], strides = [1, 1]} : vector<512x2xf32> to vector<512x1xf32>
    %broadcast_in_dim3A_586 = vector.shape_cast %slice3A_585 : vector<512x1xf32> to vector<512x1xf32>
    %broadcast_in_dim3A_587 = vector.broadcast %broadcast_in_dim3A_586 : vector<512x1xf32> to vector<512x64xf32>
    %concatenate3A_588 = tpu.concatenate %broadcast_in_dim3A_584, %broadcast_in_dim3A_587 in 1 : vector<512x64xf32>, vector<512x64xf32> -> vector<512x128xf32>
    %slice3A_589 = vector.extract_strided_slice %get3A_13 {offsets = [26, 0, 0], sizes = [1, 512, 128], strides = [1, 1, 1]} : vector<32x512x128xf32> to vector<1x512x128xf32>
    %squeeze3A_590 = vector.shape_cast %slice3A_589 : vector<1x512x128xf32> to vector<512x128xf32>
    %mul3A_591 = arith.mulf %concatenate3A_588, %squeeze3A_590 : vector<512x128xf32>
    %add3A_592 = arith.addf %add3A_581, %mul3A_591 : vector<512x128xf32>
    %slice3A_593 = vector.extract_strided_slice %exp3A_249 {offsets = [0, 0], sizes = [512, 1], strides = [1, 1]} : vector<512x2xf32> to vector<512x1xf32>
    %broadcast_in_dim3A_594 = vector.shape_cast %slice3A_593 : vector<512x1xf32> to vector<512x1xf32>
    %broadcast_in_dim3A_595 = vector.broadcast %broadcast_in_dim3A_594 : vector<512x1xf32> to vector<512x64xf32>
    %slice3A_596 = vector.extract_strided_slice %exp3A_249 {offsets = [0, 1], sizes = [512, 1], strides = [1, 1]} : vector<512x2xf32> to vector<512x1xf32>
    %broadcast_in_dim3A_597 = vector.shape_cast %slice3A_596 : vector<512x1xf32> to vector<512x1xf32>
    %broadcast_in_dim3A_598 = vector.broadcast %broadcast_in_dim3A_597 : vector<512x1xf32> to vector<512x64xf32>
    %concatenate3A_599 = tpu.concatenate %broadcast_in_dim3A_595, %broadcast_in_dim3A_598 in 1 : vector<512x64xf32>, vector<512x64xf32> -> vector<512x128xf32>
    %slice3A_600 = vector.extract_strided_slice %get3A_13 {offsets = [27, 0, 0], sizes = [1, 512, 128], strides = [1, 1, 1]} : vector<32x512x128xf32> to vector<1x512x128xf32>
    %squeeze3A_601 = vector.shape_cast %slice3A_600 : vector<1x512x128xf32> to vector<512x128xf32>
    %mul3A_602 = arith.mulf %concatenate3A_599, %squeeze3A_601 : vector<512x128xf32>
    %add3A_603 = arith.addf %add3A_592, %mul3A_602 : vector<512x128xf32>
    %slice3A_604 = vector.extract_strided_slice %exp3A_253 {offsets = [0, 0], sizes = [512, 1], strides = [1, 1]} : vector<512x2xf32> to vector<512x1xf32>
    %broadcast_in_dim3A_605 = vector.shape_cast %slice3A_604 : vector<512x1xf32> to vector<512x1xf32>
    %broadcast_in_dim3A_606 = vector.broadcast %broadcast_in_dim3A_605 : vector<512x1xf32> to vector<512x64xf32>
    %slice3A_607 = vector.extract_strided_slice %exp3A_253 {offsets = [0, 1], sizes = [512, 1], strides = [1, 1]} : vector<512x2xf32> to vector<512x1xf32>
    %broadcast_in_dim3A_608 = vector.shape_cast %slice3A_607 : vector<512x1xf32> to vector<512x1xf32>
    %broadcast_in_dim3A_609 = vector.broadcast %broadcast_in_dim3A_608 : vector<512x1xf32> to vector<512x64xf32>
    %concatenate3A_610 = tpu.concatenate %broadcast_in_dim3A_606, %broadcast_in_dim3A_609 in 1 : vector<512x64xf32>, vector<512x64xf32> -> vector<512x128xf32>
    %slice3A_611 = vector.extract_strided_slice %get3A_13 {offsets = [28, 0, 0], sizes = [1, 512, 128], strides = [1, 1, 1]} : vector<32x512x128xf32> to vector<1x512x128xf32>
    %squeeze3A_612 = vector.shape_cast %slice3A_611 : vector<1x512x128xf32> to vector<512x128xf32>
    %mul3A_613 = arith.mulf %concatenate3A_610, %squeeze3A_612 : vector<512x128xf32>
    %add3A_614 = arith.addf %add3A_603, %mul3A_613 : vector<512x128xf32>
    %slice3A_615 = vector.extract_strided_slice %exp3A_257 {offsets = [0, 0], sizes = [512, 1], strides = [1, 1]} : vector<512x2xf32> to vector<512x1xf32>
    %broadcast_in_dim3A_616 = vector.shape_cast %slice3A_615 : vector<512x1xf32> to vector<512x1xf32>
    %broadcast_in_dim3A_617 = vector.broadcast %broadcast_in_dim3A_616 : vector<512x1xf32> to vector<512x64xf32>
    %slice3A_618 = vector.extract_strided_slice %exp3A_257 {offsets = [0, 1], sizes = [512, 1], strides = [1, 1]} : vector<512x2xf32> to vector<512x1xf32>
    %broadcast_in_dim3A_619 = vector.shape_cast %slice3A_618 : vector<512x1xf32> to vector<512x1xf32>
    %broadcast_in_dim3A_620 = vector.broadcast %broadcast_in_dim3A_619 : vector<512x1xf32> to vector<512x64xf32>
    %concatenate3A_621 = tpu.concatenate %broadcast_in_dim3A_617, %broadcast_in_dim3A_620 in 1 : vector<512x64xf32>, vector<512x64xf32> -> vector<512x128xf32>
    %slice3A_622 = vector.extract_strided_slice %get3A_13 {offsets = [29, 0, 0], sizes = [1, 512, 128], strides = [1, 1, 1]} : vector<32x512x128xf32> to vector<1x512x128xf32>
    %squeeze3A_623 = vector.shape_cast %slice3A_622 : vector<1x512x128xf32> to vector<512x128xf32>
    %mul3A_624 = arith.mulf %concatenate3A_621, %squeeze3A_623 : vector<512x128xf32>
    %add3A_625 = arith.addf %add3A_614, %mul3A_624 : vector<512x128xf32>
    %slice3A_626 = vector.extract_strided_slice %exp3A_261 {offsets = [0, 0], sizes = [512, 1], strides = [1, 1]} : vector<512x2xf32> to vector<512x1xf32>
    %broadcast_in_dim3A_627 = vector.shape_cast %slice3A_626 : vector<512x1xf32> to vector<512x1xf32>
    %broadcast_in_dim3A_628 = vector.broadcast %broadcast_in_dim3A_627 : vector<512x1xf32> to vector<512x64xf32>
    %slice3A_629 = vector.extract_strided_slice %exp3A_261 {offsets = [0, 1], sizes = [512, 1], strides = [1, 1]} : vector<512x2xf32> to vector<512x1xf32>
    %broadcast_in_dim3A_630 = vector.shape_cast %slice3A_629 : vector<512x1xf32> to vector<512x1xf32>
    %broadcast_in_dim3A_631 = vector.broadcast %broadcast_in_dim3A_630 : vector<512x1xf32> to vector<512x64xf32>
    %concatenate3A_632 = tpu.concatenate %broadcast_in_dim3A_628, %broadcast_in_dim3A_631 in 1 : vector<512x64xf32>, vector<512x64xf32> -> vector<512x128xf32>
    %slice3A_633 = vector.extract_strided_slice %get3A_13 {offsets = [30, 0, 0], sizes = [1, 512, 128], strides = [1, 1, 1]} : vector<32x512x128xf32> to vector<1x512x128xf32>
    %squeeze3A_634 = vector.shape_cast %slice3A_633 : vector<1x512x128xf32> to vector<512x128xf32>
    %mul3A_635 = arith.mulf %concatenate3A_632, %squeeze3A_634 : vector<512x128xf32>
    %add3A_636 = arith.addf %add3A_625, %mul3A_635 : vector<512x128xf32>
    %slice3A_637 = vector.extract_strided_slice %exp3A_265 {offsets = [0, 0], sizes = [512, 1], strides = [1, 1]} : vector<512x2xf32> to vector<512x1xf32>
    %broadcast_in_dim3A_638 = vector.shape_cast %slice3A_637 : vector<512x1xf32> to vector<512x1xf32>
    %broadcast_in_dim3A_639 = vector.broadcast %broadcast_in_dim3A_638 : vector<512x1xf32> to vector<512x64xf32>
    %slice3A_640 = vector.extract_strided_slice %exp3A_265 {offsets = [0, 1], sizes = [512, 1], strides = [1, 1]} : vector<512x2xf32> to vector<512x1xf32>
    %broadcast_in_dim3A_641 = vector.shape_cast %slice3A_640 : vector<512x1xf32> to vector<512x1xf32>
    %broadcast_in_dim3A_642 = vector.broadcast %broadcast_in_dim3A_641 : vector<512x1xf32> to vector<512x64xf32>
    %concatenate3A_643 = tpu.concatenate %broadcast_in_dim3A_639, %broadcast_in_dim3A_642 in 1 : vector<512x64xf32>, vector<512x64xf32> -> vector<512x128xf32>
    %slice3A_644 = vector.extract_strided_slice %get3A_13 {offsets = [31, 0, 0], sizes = [1, 512, 128], strides = [1, 1, 1]} : vector<32x512x128xf32> to vector<1x512x128xf32>
    %squeeze3A_645 = vector.shape_cast %slice3A_644 : vector<1x512x128xf32> to vector<512x128xf32>
    %mul3A_646 = arith.mulf %concatenate3A_643, %squeeze3A_645 : vector<512x128xf32>
    %add3A_647 = arith.addf %add3A_636, %mul3A_646 : vector<512x128xf32>
    %slice3A_648 = vector.extract_strided_slice %div3A_298 {offsets = [0, 0], sizes = [512, 1], strides = [1, 1]} : vector<512x2xf32> to vector<512x1xf32>
    %broadcast_in_dim3A_649 = vector.shape_cast %slice3A_648 : vector<512x1xf32> to vector<512x1xf32>
    %broadcast_in_dim3A_650 = vector.broadcast %broadcast_in_dim3A_649 : vector<512x1xf32> to vector<512x64xf32>
    %slice3A_651 = vector.extract_strided_slice %div3A_298 {offsets = [0, 1], sizes = [512, 1], strides = [1, 1]} : vector<512x2xf32> to vector<512x1xf32>
    %broadcast_in_dim3A_652 = vector.shape_cast %slice3A_651 : vector<512x1xf32> to vector<512x1xf32>
    %broadcast_in_dim3A_653 = vector.broadcast %broadcast_in_dim3A_652 : vector<512x1xf32> to vector<512x64xf32>
    %concatenate3A_654 = tpu.concatenate %broadcast_in_dim3A_650, %broadcast_in_dim3A_653 in 1 : vector<512x64xf32>, vector<512x64xf32> -> vector<512x128xf32>
    %mul3A_655 = arith.mulf %add3A_647, %concatenate3A_654 : vector<512x128xf32>
    %swap3A = arith.constant 0 : index
    %swap3A_656 = arith.constant 0 : index
    %swap3A_657 = vector.load %arg9[%swap3A, %swap3A_656] : memref<512x128xf32, #tpu.memory_space<vmem>>, vector<512x128xf32>
    tpu.vector_store %arg9[%swap3A, %swap3A_656], %mul3A_655 {strides = array<i32>} : memref<512x128xf32, #tpu.memory_space<vmem>>, vector<512x128xf32>,
    return
  }
  func.func @transform_0(%arg0: i32) -> (i32, i32, i32) {
    %c0_i32 = arith.constant 0 : i32
    %c0_i32_0 = arith.constant 0 : i32
    %c0_i32_1 = arith.constant 0 : i32
    return %c0_i32, %arg0, %c0_i32_0 : i32, i32, i32
  }
  func.func @transform_1(%arg0: i32) -> (i32, i32) {
    %c0_i32 = arith.constant 0 : i32
    %c0_i32_0 = arith.constant 0 : i32
    return %arg0, %c0_i32 : i32, i32
  }
  func.func @transform_2(%arg0: i32) -> (i32, i32) {
    %c0_i32 = arith.constant 0 : i32
    %c0_i32_0 = arith.constant 0 : i32
    %c0_i32_1 = arith.constant 0 : i32
    return %c0_i32, %c0_i32_0 : i32, i32
  }
  func.func @transform_3(%arg0: i32) -> (i32, i32) {
    %c0_i32 = arith.constant 0 : i32
    %c0_i32_0 = arith.constant 0 : i32
    %c0_i32_1 = arith.constant 0 : i32
    return %c0_i32, %c0_i32_0 : i32, i32
  }
  func.func @transform_4(%arg0: i32) -> (i32, i32) {
    %c0_i32 = arith.constant 0 : i32
    %c0_i32_0 = arith.constant 0 : i32
    %c0_i32_1 = arith.constant 0 : i32
    return %c0_i32, %c0_i32_0 : i32, i32
  }
  func.func @transform_5(%arg0: i32) -> (i32, i32) {
    %c0_i32 = arith.constant 0 : i32
    %c0_i32_0 = arith.constant 0 : i32
    %c0_i32_1 = arith.constant 0 : i32
    return %c0_i32, %c0_i32_0 : i32, i32
  }
  func.func @transform_6(%arg0: i32) -> (i32, i32) {
    %c0_i32 = arith.constant 0 : i32
    %c0_i32_0 = arith.constant 0 : i32
    %c0_i32_1 = arith.constant 0 : i32
    return %c0_i32, %c0_i32_0 : i32, i32
  }
  func.func @transform_7(%arg0: i32) -> (i32, i32) {
    %c0_i32 = arith.constant 0 : i32
    %c0_i32_0 = arith.constant 0 : i32
    %c0_i32_1 = arith.constant 0 : i32
    return %c0_i32, %c0_i32_0 : i32, i32
  }
  func.func @transform_8(%arg0: i32) -> (i32, i32) {
    %c0_i32 = arith.constant 0 : i32
    %c0_i32_0 = arith.constant 0 : i32
    return %arg0, %c0_i32 : i32, i32
  }
}

</mosaic_0001>

<sc_bundles>
// kernel: kernel.10.cloned.1.call-start
scs
__scs_entry_jumppad:
0x0: {  	(pc) =	sbr.rel $0x88, $3  }
0x1: {  	(tag) =	ssettag $0x0;
	lr =	simm.s32 $0x1  }
0x2: {  	[smem:$0x3F99] =	sst lr;
	_ =	strace $0xD0000000  }
0x3: {  	_ = 	snop  }
0x4: {  	_ = 	snop  }
0x5: {  	_ = 	snop  }
0x6: {  	_ = 	snop  }
0x7: {  	_ = 	snop  }
__scs_overlays_trampoline_lowered:
0x8: {  	[smem:$0x3FA8] =	sst s0  }
0x9: {  	[smem:$0x3FA9] =	sst s1  }
0xa: {  	[smem:$0x3FAA] =	sst s2  }
0xb: {  	[smem:$0x3FAB] =	sst s3  }
0xc: {  	[smem:$0x3FAC] =	sst s4  }
0xd: {  	[smem:$0x3FAD] =	sst s5  }
0xe: {  	[smem:$0x3FAE] =	sst s6  }
0xf: {  	[smem:$0x3FAF] =	sst s7  }
0x10: {  	[smem:$0x3FB0] =	sst s8  }
0x11: {  	[smem:$0x3FB1] =	sst s9;
	s0 =	simm.s32 @!p0 $0x0  }
0x12: {  	s1 =	sld [smem:$0x3F97];
	s0 =	simm.s32 @p0 $0x1  }
0x13: {  	[smem:$0x3FB2] =	sst s0;
	s0 =	simm.s32 @!p1 $0x0  }
0x14: {  	s2 =	sld [smem:$0x3F96];
	s0 =	simm.s32 @p1 $0x1  }
0x15: {  	[smem:$0x3FB3] =	sst s0;
	s0 =	simm.s32 @!p2 $0x0  }
0x16: {  	s3 =	sld [smem:$0x3FDB];
	s0 =	simm.s32 @p2 $0x1  }
0x17: {  	s4 =	simm.s32 $0x1BF5;
	[smem:$0x3FB5] =	sst s0  }
0x18: {  	s0 =	sld [smem:$0x3F98];
	_ =	swait.ge [sflag:s4], $0x0  }
0x19: {  	s7 =	sld [smem:$0x3F99]  }
0x1a: {  	s8 =	sadd.s32 $0xFFFFE003, lr  }
0x1b: {  	s9 =	sadd.s32 $0xFFFFFEF7, lr;
	s5 =	simm.s32 $0xFFFFFFFF;
	p2 =	slt.u32 s8, $0xFFFFF086  }
0x1c: {  	p1 =	slt.u32 s9, $0xF7A;
	s5 =	simm.s32 @!p2 $0x0  }
0x1d: {  	s5 =	simm.s32 @p1 $0x1;
	p0 =	seq.s32 s7, s2  }
0x1e: {  	s7 =	smul.u32 @!p0 $0xF7A, s2;
	p2 =	seq.s32 @!p0 s5, $0x0  }
0x1f: {  	s9 =	smul.u32 $0xF7A, s1;
	s8 =	simm.s32 @!p0 $0x1BF5;
	p2 =	por !p2, p0  }
0x20: {  	[sflag:s8] =	ssyncset.s32 @!p0 $0xFFFFF086;
	s6 =	sadd.s32 @!p0 s3, s7;
	s7 =	simm.s32 @!p0 $0x108  }
0x21: {  	s3 =	sadd.s32 s3, s9;
	s6 =	sadd.s32 @!p0 $0x88, s6;
	s7 =	simm.s32 @p2 $0x1082  }
0x22: {  	[simem:s7], [sflag:s8] =	dma.local @!p0 [hbm:s6], $0xF7A  }
0x23: {  	s9 =	sor.u32 $0xD0000000, s2;
	s6 =	simm.s32 $0x108;
	_ =	swait.ge @!p0 [sflag:s8], $0x0  }
0x24: {  	s3 =	sadd.s32 $0x88, s3;
	s6 =	simm.s32 @!p1 $0x1082;
	[sflag:s4] =	ssyncset.s32 $0xFFFFF086  }
0x25: {  	[simem:s6], [sflag:s4] =	dma.local [hbm:s3], $0xF7A  }
0x26: {  	[smem:$0x3F99] =	sst s1;
	(tag) =	ssettag s2;
	_ =	strace s9  }
0x27: {  	s1 =	sld [smem:$0x3FA9]  }
0x28: {  	s2 =	sld [smem:$0x3FAA]  }
0x29: {  	s4 =	sld [smem:$0x3FAC]  }
0x2a: {  	p0 =	seq.s32 s5, $0x0;
	s5 =	sld [smem:$0x3FAD]  }
0x2b: {  	s6 =	sld [smem:$0x3FAE]  }
0x2c: {  	s7 =	sld [smem:$0x3FAF]  }
0x2d: {  	s3 =	simm.s32 $0x108;
	s8 =	sld [smem:$0x3FB0]  }
0x2e: {  	s3 =	simm.s32 @!p0 $0x1082;
	s9 =	sld [smem:$0x3FB1]  }
0x2f: {  	lr =	sadd.s32 s0, s3;
	s0 =	sld [smem:$0x3FA8]  }
0x30: {  	s3 =	sld [smem:$0x3FAB]  }
0x31: {  	[smem:$0x3FB4] =	sst s10  }
0x32: {  	s10 =	sld [smem:$0x3FB2];
	_ =	sdelay $0x3  }
0x33: {  	p0 =	seq.s32 s10, $0x1;
	s10 =	sld [smem:$0x3FB4];
	_ =	sdelay $0x3  }
0x34: {  	[smem:$0x3FB4] =	sst s10  }
0x35: {  	s10 =	sld [smem:$0x3FB3];
	_ =	sdelay $0x3  }
0x36: {  	p1 =	seq.s32 s10, $0x1;
	s10 =	sld [smem:$0x3FB4];
	_ =	sdelay $0x3  }
0x37: {  	[smem:$0x3FB4] =	sst s10  }
0x38: {  	s10 =	sld [smem:$0x3FB5]  }
0x39: {  	_ = 	snop;
	(pc) =	sbr.ind lr, $3  }
0x3a: {  	_ = 	snop  }
0x3b: {  	_ = 	snop  }
0x3c: {  	p2 =	seq.s32 s10, $0x1;
	s10 =	sld [smem:$0x3FB4]  }
0x3d: {  	_ =	shalt  }
0x3e: {  	_ =	shalt  }
0x3f: {  	_ =	shalt  }
0x40: {  	_ =	shalt  }
0x41: {  	_ =	shalt  }
0x42: {  	_ =	shalt  }
0x43: {  	_ =	shalt  }
0x44: {  	_ =	shalt  }
0x45: {  	_ =	shalt  }
0x46: {  	_ =	shalt  }
0x47: {  	_ =	shalt  }
0x48: {  	_ =	shalt  }
0x49: {  	_ =	shalt  }
0x4a: {  	_ =	shalt  }
0x4b: {  	_ =	shalt  }
0x4c: {  	_ =	shalt  }
0x4d: {  	_ =	shalt  }
0x4e: {  	_ =	shalt  }
0x4f: {  	_ =	shalt  }
0x50: {  	_ =	shalt  }
0x51: {  	_ =	shalt  }
0x52: {  	_ =	shalt  }
0x53: {  	_ =	shalt  }
0x54: {  	_ =	shalt  }
0x55: {  	_ =	shalt  }
0x56: {  	_ =	shalt  }
0x57: {  	_ =	shalt  }
0x58: {  	_ =	shalt  }
0x59: {  	_ =	shalt  }
0x5a: {  	_ =	shalt  }
0x5b: {  	_ =	shalt  }
0x5c: {  	_ =	shalt  }
0x5d: {  	_ =	shalt  }
0x5e: {  	_ =	shalt  }
0x5f: {  	_ =	shalt  }
0x60: {  	_ =	shalt  }
0x61: {  	_ =	shalt  }
0x62: {  	_ =	shalt  }
0x63: {  	_ =	shalt  }
0x64: {  	_ =	shalt  }
0x65: {  	_ =	shalt  }
0x66: {  	_ =	shalt  }
0x67: {  	_ =	shalt  }
0x68: {  	_ =	shalt  }
0x69: {  	_ =	shalt  }
0x6a: {  	_ =	shalt  }
0x6b: {  	_ =	shalt  }
0x6c: {  	_ =	shalt  }
0x6d: {  	_ =	shalt  }
0x6e: {  	_ =	shalt  }
0x6f: {  	_ =	shalt  }
0x70: {  	_ =	shalt  }
0x71: {  	_ =	shalt  }
0x72: {  	_ =	shalt  }
0x73: {  	_ =	shalt  }
0x74: {  	_ =	shalt  }
0x75: {  	_ =	shalt  }
0x76: {  	_ =	shalt  }
0x77: {  	_ =	shalt  }
0x78: {  	_ =	shalt  }
0x79: {  	_ =	shalt  }
0x7a: {  	_ =	shalt  }
0x7b: {  	_ =	shalt  }
0x7c: {  	_ =	shalt  }
0x7d: {  	_ =	shalt  }
0x7e: {  	_ =	shalt  }
0x7f: {  	_ =	shalt  }
0x80: {  	_ =	shalt  }
0x81: {  	_ =	shalt  }
0x82: {  	_ =	shalt  }
0x83: {  	_ =	shalt  }
0x84: {  	_ =	shalt  }
0x85: {  	_ =	shalt  }
0x86: {  	_ =	shalt  }
0x87: {  	_ =	shalt  }
.Lfunc_end0:
.L_simem_size_0:
called_computation_lowered:
.L_overlay_start_0:
0x88: {  	s2 =	sld [smem:$0x3FD9]  }
0x89: {  	s3 =	sld [smem:$0x3FFE];
	_ =	sdelay $0x1  }
0x8a: {  	s1 =	srdreg.scid  }
0x8b: {  	s0 =	sand.u32 $0x1, s1  }
0x8c: {  	s17 =	sshll.u32 s0, $0xA;
	s2 =	sadd.s32 s3, s2  }
0x8d: {  	s2 =	sadd.s32 s2, s17  }
0x8e: {  	[smem:$0x3FC0] =	sst s2  }
0x8f: {  	_ = 	snop  }
0x90: {  	(tm) =	ssettm $0x1  }
0x91: {  	s18 =	sld [smem:$0x3FFB];
	_ =	sdelay $0x3  }
0x92: {  	_ =	strace s18  }
0x93: {  	s2 =	sld [smem:$0x3FFC];
	_ =	sdelay $0x3  }
0x94: {  	_ =	strace s2  }
0x95: {  	s2 =	sld [smem:$0x3FFD];
	_ =	sdelay $0x3  }
0x96: {  	_ =	strace s2  }
0x97: {  	_ =	strace $0x8FFFFFFF  }
0x98: {  	s19 =	sld [smem:$0x3FDB];
	_ =	sdelay $0x1  }
0x99: {  	s20 =	simm.s32 $_scs_section_size  }
0x9a: {  	s4 =	simm.s32 $_size__tile_overlayer_lowered;
	s5 =	simm.s32 $_tile_overlayer_lowered  }
0x9b: {  	s6 =	simm.s32 $0x1BFF;
	s21 =	sshll.u32 s5, $0x1;
	s3 =	sadd.s32 s20, s19  }
0x9c: {  	s22 =	simm.s32 $0x0;
	s4 =	sshll.u32 s4, $0x1;
	s5 =	sadd.s32 s21, s3  }
0x9d: {  	[timem:s22], [sflag:s6] =	dma.local [hbm:s5], s4  }
0x9e: {  	_ =	swait.ge [sflag:s6], s4  }
0x9f: {  	s4 =	ssub.s32 $0x0, s4;
	[sflag:s6] =	ssyncset.done $0x0  }
0xa0: {  	[sflag:s6] =	ssyncadd.s32 s4;
	_ =	sdelay $0x1  }
0xa1: {  	s23 =	simm.s32 $0x1B8B  }
0xa2: {  	_ =	swait.ge [sflag:s23], $0x1  }
0xa3: {  	[sflag:s23] =	ssyncset.done $0x0  }
0xa4: {  	[sflag:s23] =	ssyncadd.s32 $0xFFFFFFFF  }
0xa5: {  	s4 =	sld [smem:$0x0]  }
0xa6: {  	s5 =	sand.u32 $0xFFFFFFFE, s1  }
0xa7: {  	p0 =	sne.s32 s1, s5  }
0xa8: {  	s5 =	sshll.u32 @p0 s5, $0xE  }
0xa9: {  	s5 =	sadd.s32 @p0 $0x11B8D, s5;
	s6 =	sshll.u32 @p0 s4, $0x11  }
0xaa: {  	s5 =	sor.u32 @p0 s6, s5  }
0xab: {  	[sflag:s5] =	ssyncadd.remote.s32 @p0 $0x1;
	_ =	sdelay $0x1  }
0xac: {  	s5 =	simm.s32 @p0 $0x1B8D  }
0xad: {  	_ =	swait.eq @p0 [sflag:s5], $0x1  }
0xae: {  	[sflag:s5] =	ssyncadd.s32 @p0 $0xFFFFFFFF  }
0xaf: {  	s6 =	sshll.u32 @!p0 s1, $0xE  }
0xb0: {  	s6 =	sor.u32 @!p0 $0x4000, s6;
	s5 =	simm.s32 @!p0 $0x1B8D  }
0xb1: {  	s4 =	sshll.u32 @!p0 s4, $0x11;
	s6 =	sadd.s32 @!p0 $0x11B8D, s6;
	_ =	swait.eq @!p0 [sflag:s5], $0x1  }
0xb2: {  	s4 =	sor.u32 @!p0 s4, s6;
	[sflag:s5] =	ssyncadd.s32 @!p0 $0xFFFFFFFF  }
0xb3: {  	s25 =	simm.s32 $0x1B8E;
	s24 =	sld [smem:$0x3FFE];
	[sflag:s4] =	ssyncadd.remote.s32 @!p0 $0x1  }
0xb4: {  	s26 =	simm.s32 $execute0_lowered;
	[smem:$0x3FD2] =	sst s25  }
0xb5: {  	s5 =	sshll.u32 s26, $0x1;
	_ =	strace $0x8000004F;
	[dreg:$0x1] =	wrdreg $0xFFFFFFFF  }
0xb6: {  	s28 =	simm.s32 $_size_execute0_lowered;
	s3 =	sadd.s32 s3, s5;
	[dreg:$0x0] =	wrdreg $0x0  }
0xb7: {  	s5 =	sshll.u32 s28, $0x1;
	[dreg:$0x2] =	wrdreg s3  }
0xb8: {  	[dreg:$0x3] =	wrdreg s5  }
0xb9: {  	[dreg:$0x4] =	wrdreg $0xC0  }
0xba: {  	_ =	task [dreg:s22], $0x5FFFF  }
0xbb: {  	[dreg:$0x1] =	wrdreg $0xFFFFFFFF  }
0xbc: {  	[dreg:$0x0] =	wrdreg $0x60  }
0xbd: {  	[dreg:$0x2] =	wrdreg s24  }
0xbe: {  	[dreg:$0x3] =	wrdreg $0x9  }
0xbf: {  	_ =	task.clear_ibuf [dreg:s22], $0x4FFFF;
	_ =	strace $0x9000004F  }
0xc0: {  	s29 =	simm.s32 $0x9;
	_ =	strace $0x80000051  }
0xc1: {  	_ =	swait.ge [sflag:s29], $0x1  }
0xc2: {  	[sflag:s29] =	ssyncadd.s32 $0xFFFFFFFF  }
0xc3: {  	_ =	strace $0x90000051  }
0xc4: {  	_ =	sfence  }
0xc5: {  	s30 =	sld [smem:$0x0];
	_ =	sdelay $0x2  }
0xc6: {  	s31 =	sshll.u32 s1, $0xD;
	s1 =	sshrl.u32 s1, $0x2  }
0xc7: {  	s4 =	sand.u32 $0x4000, s31;
	s1 =	sadd.s32 s1, s30  }
0xc8: {  	s0 =	sor.u32 s4, s0;
	s1 =	sshll.u32 s1, $0x11  }
0xc9: {  	s0 =	sor.u32 s1, s0  }
0xca: {  	s0 =	sadd.s32 $0x8F2B, s0  }
0xcb: {  	[sflag:s0] =	ssyncadd.remote.s32 $0x1  }
0xcc: {  	_ =	sfence.sel $0xFFFF  }
0xcd: {  	[dreg:$0x0] =	wrdreg $0xFFFFFFFF;
	(pc) =	sbr.abs _section_cstart, $3  }
0xce: {  	[dreg:$0x1] =	wrdreg $0xFFFFFFFF  }
0xcf: {  	_ =	task.clear_ibuf [dreg:s22], $0x2FFFF;
	_ =	strace $0x9FFFFFFF  }
0xd0: {  	(tm) =	ssettm $0x7FFFFFFF  }
0xd1: {  	_ =	shalt  }
tec
execute0_lowered:
.L_overlay_start_1:
0x0: {  	(tag) =	ssettag $0x1  }
0x1: {  	s1 =	srdreg.scid;
	s0 =	stileid.u32  }
0x2: {  	s21 =	sand.u32 $0x1, s1;
	s28 =	sshll.u32 s0, $0x1  }
0x3: {  	s11 =	sor.u32 s21, s28  }
0x4: {  	s20 =	smul.u32 $0x840, s11  }
0x5: {  	s14 =	rddreg [dreg:$0x0];
	s2 =	simm.s32 $0x0;
	s3 =	simm.s32 $0x2  }
0x6: {  	[smem:$0x7FF] =	sst s2;
	s19 =	sadd.s32 $0x117A00, s14;
	s5 =	sshrl.u32 s20, $0x3  }
0x7: {  	s1 =	rddreg [dreg:$0x1];
	_ =	strace $0x80000050;
	s4 =	sadd.s32 s19, s5  }
0x8: {  	[tilespmem:s2], [sflag:$0x2] =	stream.linear.gather [hbm4b:s4+s2], $0x2C0, $0x38;
	[tilespmem:$0x16580] =	vst v63  }
0x9: {  	_ =	swait.ge [sflag:s3], $0x2C0  }
0xa: {  	s22 =	sadd.s32 $0x5000, s14;
	[sflag:s3] =	ssyncset.done $0x0  }
0xb: {  	s6 =	simm.s32 $0x2C0;
	s5 =	sadd.s32 s22, s5;
	[sflag:s3] =	ssyncadd.s32 $0xFFFFFD40  }
0xc: {  	[tilespmem:s6], [sflag:$0x2] =	stream.linear.gather [hbm4b:s5+s2], $0x2C0, $0x38;
	[tilespmem:$0x16580] =	vst v63  }
0xd: {  	_ =	swait.ge [sflag:s3], $0x2C0  }
0xe: {  	[sflag:s3] =	ssyncset.done $0x0  }
0xf: {  	s8 =	simm.s32 $0x580;
	s7 =	sadd.s32 $0x192000, s14;
	[sflag:s3] =	ssyncadd.s32 $0xFFFFFD40  }
0x10: {  	[tilespmem:s8], [sflag:$0x1] =	stream.indirect.gather [hbm4b:s7+s6], $0x40, s2, s6, $0xb8;
	[tilespmem:$0x16580] =	vst v63  }
0x11: {  	s9 =	simm.s32 $0xB580;
	s10 =	simm.s32 $0x1  }
0x12: {  	[tilespmem:s9], [sflag:$0x1] =	stream.indirect.gather [hbm4b:s7+s6], $0x40, s6, s6, $0xb8;
	[tilespmem:$0x16580] =	vst v63  }
0x13: {  	_ =	swait.ge [sflag:s10], $0xB000  }
0x14: {  	[sflag:s10] =	ssyncset.done $0x0  }
0x15: {  	[sflag:s10] =	ssyncadd.s32 $0xFFFF5000  }
0x16: {  	s15 =	smul.u32 $0x8400, s11;
	_ =	swait.ge [sflag:s10], $0xB000  }
0x17: {  	s12 =	simm.s32 $0x40;
	s23 =	sadd.s32 $0x465600, s14;
	[sflag:s10] =	ssyncset.done $0x0  }
0x18: {  	s13 =	simm.s32 $0x80;
	s11 =	sadd.s32 s23, s15;
	[sflag:s10] =	ssyncadd.s32 $0xFFFF5000  }
0x19: {  	[hbm4b:s11+s12] =	stream.strided.scatter [tilespmem:s8], [sflag:$0x2], $0xB000, s13, s12, $0x38;
	[tilespmem:$0x16580] =	vst v63  }
0x1a: {  	_ =	swait.ge [sflag:s3], $0xB000  }
0x1b: {  	s24 =	sadd.s32 $0x465608, s14;
	[sflag:s3] =	ssyncset.done $0x0  }
0x1c: {  	s14 =	sadd.s32 s15, s24;
	[sflag:s3] =	ssyncadd.s32 $0xFFFF5000  }
0x1d: {  	[hbm4b:s14+s12] =	stream.strided.scatter [tilespmem:s9], [sflag:$0x2], $0xB000, s13, s12, $0x38;
	[tilespmem:$0x16580] =	vst v63  }
0x1e: {  	s17 =	sadd.s32 $0x2C0, s20;
	_ =	swait.ge [sflag:s3], $0xB000  }
0x1f: {  	s16 =	sshrl.u32 s17, $0x3;
	[sflag:s3] =	ssyncset.done $0x0  }
0x20: {  	s15 =	sadd.s32 s19, s16;
	[sflag:s3] =	ssyncadd.s32 $0xFFFF5000  }
0x21: {  	[tilespmem:s2], [sflag:$0x2] =	stream.linear.gather [hbm4b:s15+s2], $0x2C0, $0x38;
	[tilespmem:$0x16580] =	vst v63  }
0x22: {  	_ =	swait.ge [sflag:s3], $0x2C0  }
0x23: {  	[sflag:s3] =	ssyncset.done $0x0  }
0x24: {  	s16 =	sadd.s32 s22, s16;
	[sflag:s3] =	ssyncadd.s32 $0xFFFFFD40  }
0x25: {  	[tilespmem:s6], [sflag:$0x2] =	stream.linear.gather [hbm4b:s16+s2], $0x2C0, $0x38;
	[tilespmem:$0x16580] =	vst v63  }
0x26: {  	_ =	swait.ge [sflag:s3], $0x2C0  }
0x27: {  	[sflag:s3] =	ssyncset.done $0x0  }
0x28: {  	[sflag:s3] =	ssyncadd.s32 $0xFFFFFD40  }
0x29: {  	[tilespmem:s8], [sflag:$0x1] =	stream.indirect.gather [hbm4b:s7+s6], $0x40, s2, s6, $0xb8;
	[tilespmem:$0x16580] =	vst v63  }
0x2a: {  	_ = 	snop  }
0x2b: {  	[tilespmem:s9], [sflag:$0x1] =	stream.indirect.gather [hbm4b:s7+s6], $0x40, s6, s6, $0xb8;
	[tilespmem:$0x16580] =	vst v63  }
0x2c: {  	_ =	swait.ge [sflag:s10], $0xB000  }
0x2d: {  	[sflag:s10] =	ssyncset.done $0x0  }
0x2e: {  	[sflag:s10] =	ssyncadd.s32 $0xFFFF5000  }
0x2f: {  	_ =	swait.ge [sflag:s10], $0xB000  }
0x30: {  	s18 =	sshll.u32 s17, $0x4;
	[sflag:s10] =	ssyncset.done $0x0  }
0x31: {  	s17 =	sadd.s32 s23, s18;
	[sflag:s10] =	ssyncadd.s32 $0xFFFF5000  }
0x32: {  	[hbm4b:s17+s12] =	stream.strided.scatter [tilespmem:s8], [sflag:$0x2], $0xB000, s13, s12, $0x38;
	[tilespmem:$0x16580] =	vst v63  }
0x33: {  	_ =	swait.ge [sflag:s3], $0xB000  }
0x34: {  	[sflag:s3] =	ssyncset.done $0x0  }
0x35: {  	s18 =	sadd.s32 s18, s24;
	[sflag:s3] =	ssyncadd.s32 $0xFFFF5000  }
0x36: {  	[hbm4b:s18+s12] =	stream.strided.scatter [tilespmem:s9], [sflag:$0x2], $0xB000, s13, s12, $0x38;
	[tilespmem:$0x16580] =	vst v63  }
0x37: {  	s25 =	sadd.s32 $0x580, s20;
	_ =	swait.ge [sflag:s3], $0xB000  }
0x38: {  	s20 =	sshrl.u32 s25, $0x3;
	[sflag:s3] =	ssyncset.done $0x0  }
0x39: {  	s19 =	sadd.s32 s19, s20;
	[sflag:s3] =	ssyncadd.s32 $0xFFFF5000  }
0x3a: {  	[tilespmem:s2], [sflag:$0x2] =	stream.linear.gather [hbm4b:s19+s2], $0x2C0, $0x38;
	[tilespmem:$0x16580] =	vst v63  }
0x3b: {  	_ =	swait.ge [sflag:s3], $0x2C0  }
0x3c: {  	[sflag:s3] =	ssyncset.done $0x0  }
0x3d: {  	s20 =	sadd.s32 s22, s20;
	[sflag:s3] =	ssyncadd.s32 $0xFFFFFD40  }
0x3e: {  	[tilespmem:s6], [sflag:$0x2] =	stream.linear.gather [hbm4b:s20+s2], $0x2C0, $0x38;
	[tilespmem:$0x16580] =	vst v63  }
0x3f: {  	_ =	swait.ge [sflag:s3], $0x2C0  }
0x40: {  	[sflag:s3] =	ssyncset.done $0x0  }
0x41: {  	[sflag:s3] =	ssyncadd.s32 $0xFFFFFD40  }
0x42: {  	[tilespmem:s8], [sflag:$0x1] =	stream.indirect.gather [hbm4b:s7+s6], $0x40, s2, s6, $0xb8;
	[tilespmem:$0x16580] =	vst v63  }
0x43: {  	_ = 	snop  }
0x44: {  	[tilespmem:s9], [sflag:$0x1] =	stream.indirect.gather [hbm4b:s7+s6], $0x40, s6, s6, $0xb8;
	[tilespmem:$0x16580] =	vst v63  }
0x45: {  	_ =	swait.ge [sflag:s10], $0xB000  }
0x46: {  	[sflag:s10] =	ssyncset.done $0x0  }
0x47: {  	s30 =	ssub.s32 $0x2, s21;
	[sflag:s10] =	ssyncadd.s32 $0xFFFF5000  }
0x48: {  	s31 =	sshrl.u32 s30, $0x1;
	s29 =	sshll.u32 s25, $0x4;
	_ =	swait.ge [sflag:s10], $0xB000  }
0x49: {  	s21 =	sadd.s32 s23, s29;
	s23 =	ssub.s32 s30, s31;
	[sflag:s10] =	ssyncset.done $0x0  }
0x4a: {  	s23 =	smax.u32 s23, $0x1;
	[sflag:s10] =	ssyncadd.s32 $0xFFFF5000  }
0x4b: {  	[hbm4b:s21+s12] =	stream.strided.scatter [tilespmem:s8], [sflag:$0x2], $0xB000, s13, s12, $0x38;
	[tilespmem:$0x16580] =	vst v63  }
0x4c: {  	p0 =	sne.s32 s23, $0x1;
	_ =	swait.ge [sflag:s3], $0xB000  }
.Ltmp0:
0x4d: {  	[sflag:s3] =	ssyncset.done $0x0;
	(pc) =	sbr.rel @!p0 .LBB2_2-.Ltmp0, $4  }
0x4e: {  	s22 =	sadd.s32 s29, s24;
	[sflag:s3] =	ssyncadd.s32 $0xFFFF5000  }
0x4f: {  	[hbm4b:s22+s12] =	stream.strided.scatter [tilespmem:s9], [sflag:$0x2], $0xB000, s13, s12, $0x38;
	[tilespmem:$0x16580] =	vst v63  }
0x50: {  	_ =	swait.ge [sflag:s3], $0xB000  }
0x51: {  	s23 =	sadd.s32 $0xFFFFFFFF, s23;
	[sflag:s3] =	ssyncset.done $0x0  }
.LBB2_1:
0x52: {  	p0 =	sne.s32 s23, $0x1;
	s23 =	sadd.s32 $0xFFFFFFFF, s23;
	[sflag:s3] =	ssyncadd.s32 $0xFFFF5000  }
0x53: {  	[tilespmem:s2], [sflag:$0x2] =	stream.linear.gather [hbm4b:s4+s2], $0x2C0, $0x38;
	[tilespmem:$0x16580] =	vst v63  }
0x54: {  	_ =	swait.ge [sflag:s3], $0x2C0  }
0x55: {  	[sflag:s3] =	ssyncset.done $0x0  }
0x56: {  	[sflag:s3] =	ssyncadd.s32 $0xFFFFFD40  }
0x57: {  	[tilespmem:s6], [sflag:$0x2] =	stream.linear.gather [hbm4b:s5+s2], $0x2C0, $0x38;
	[tilespmem:$0x16580] =	vst v63  }
0x58: {  	_ =	swait.ge [sflag:s3], $0x2C0  }
0x59: {  	[sflag:s3] =	ssyncset.done $0x0  }
0x5a: {  	[sflag:s3] =	ssyncadd.s32 $0xFFFFFD40  }
0x5b: {  	[tilespmem:s8], [sflag:$0x1] =	stream.indirect.gather [hbm4b:s7+s6], $0x40, s2, s6, $0xb8;
	[tilespmem:$0x16580] =	vst v63  }
0x5c: {  	_ = 	snop  }
0x5d: {  	[tilespmem:s9], [sflag:$0x1] =	stream.indirect.gather [hbm4b:s7+s6], $0x40, s6, s6, $0xb8;
	[tilespmem:$0x16580] =	vst v63  }
0x5e: {  	_ =	swait.ge [sflag:s10], $0xB000  }
0x5f: {  	[sflag:s10] =	ssyncset.done $0x0  }
0x60: {  	[sflag:s10] =	ssyncadd.s32 $0xFFFF5000  }
0x61: {  	_ =	swait.ge [sflag:s10], $0xB000  }
0x62: {  	[sflag:s10] =	ssyncset.done $0x0  }
0x63: {  	[sflag:s10] =	ssyncadd.s32 $0xFFFF5000  }
0x64: {  	[hbm4b:s11+s12] =	stream.strided.scatter [tilespmem:s8], [sflag:$0x2], $0xB000, s13, s12, $0x38;
	[tilespmem:$0x16580] =	vst v63  }
0x65: {  	_ =	swait.ge [sflag:s3], $0xB000  }
0x66: {  	[sflag:s3] =	ssyncset.done $0x0  }
0x67: {  	[sflag:s3] =	ssyncadd.s32 $0xFFFF5000  }
0x68: {  	[hbm4b:s14+s12] =	stream.strided.scatter [tilespmem:s9], [sflag:$0x2], $0xB000, s13, s12, $0x38;
	[tilespmem:$0x16580] =	vst v63  }
0x69: {  	_ =	swait.ge [sflag:s3], $0xB000  }
0x6a: {  	[sflag:s3] =	ssyncset.done $0x0  }
0x6b: {  	[sflag:s3] =	ssyncadd.s32 $0xFFFF5000  }
0x6c: {  	[tilespmem:s2], [sflag:$0x2] =	stream.linear.gather [hbm4b:s15+s2], $0x2C0, $0x38;
	[tilespmem:$0x16580] =	vst v63  }
0x6d: {  	_ =	swait.ge [sflag:s3], $0x2C0  }
0x6e: {  	[sflag:s3] =	ssyncset.done $0x0  }
0x6f: {  	[sflag:s3] =	ssyncadd.s32 $0xFFFFFD40  }
0x70: {  	[tilespmem:s6], [sflag:$0x2] =	stream.linear.gather [hbm4b:s16+s2], $0x2C0, $0x38;
	[tilespmem:$0x16580] =	vst v63  }
0x71: {  	_ =	swait.ge [sflag:s3], $0x2C0  }
0x72: {  	[sflag:s3] =	ssyncset.done $0x0  }
0x73: {  	[sflag:s3] =	ssyncadd.s32 $0xFFFFFD40  }
0x74: {  	[tilespmem:s8], [sflag:$0x1] =	stream.indirect.gather [hbm4b:s7+s6], $0x40, s2, s6, $0xb8;
	[tilespmem:$0x16580] =	vst v63  }
0x75: {  	_ = 	snop  }
0x76: {  	[tilespmem:s9], [sflag:$0x1] =	stream.indirect.gather [hbm4b:s7+s6], $0x40, s6, s6, $0xb8;
	[tilespmem:$0x16580] =	vst v63  }
0x77: {  	_ =	swait.ge [sflag:s10], $0xB000  }
0x78: {  	[sflag:s10] =	ssyncset.done $0x0  }
0x79: {  	[sflag:s10] =	ssyncadd.s32 $0xFFFF5000  }
0x7a: {  	_ =	swait.ge [sflag:s10], $0xB000  }
0x7b: {  	[sflag:s10] =	ssyncset.done $0x0  }
0x7c: {  	[sflag:s10] =	ssyncadd.s32 $0xFFFF5000  }
0x7d: {  	[hbm4b:s17+s12] =	stream.strided.scatter [tilespmem:s8], [sflag:$0x2], $0xB000, s13, s12, $0x38;
	[tilespmem:$0x16580] =	vst v63  }
0x7e: {  	_ =	swait.ge [sflag:s3], $0xB000  }
0x7f: {  	[sflag:s3] =	ssyncset.done $0x0  }
0x80: {  	[sflag:s3] =	ssyncadd.s32 $0xFFFF5000  }
0x81: {  	[hbm4b:s18+s12] =	stream.strided.scatter [tilespmem:s9], [sflag:$0x2], $0xB000, s13, s12, $0x38;
	[tilespmem:$0x16580] =	vst v63  }
0x82: {  	_ =	swait.ge [sflag:s3], $0xB000  }
0x83: {  	[sflag:s3] =	ssyncset.done $0x0  }
0x84: {  	[sflag:s3] =	ssyncadd.s32 $0xFFFF5000  }
0x85: {  	[tilespmem:s2], [sflag:$0x2] =	stream.linear.gather [hbm4b:s19+s2], $0x2C0, $0x38;
	[tilespmem:$0x16580] =	vst v63  }
0x86: {  	_ =	swait.ge [sflag:s3], $0x2C0  }
0x87: {  	[sflag:s3] =	ssyncset.done $0x0  }
0x88: {  	[sflag:s3] =	ssyncadd.s32 $0xFFFFFD40  }
0x89: {  	[tilespmem:s6], [sflag:$0x2] =	stream.linear.gather [hbm4b:s20+s2], $0x2C0, $0x38;
	[tilespmem:$0x16580] =	vst v63  }
0x8a: {  	_ =	swait.ge [sflag:s3], $0x2C0  }
0x8b: {  	[sflag:s3] =	ssyncset.done $0x0  }
0x8c: {  	[sflag:s3] =	ssyncadd.s32 $0xFFFFFD40  }
0x8d: {  	[tilespmem:s8], [sflag:$0x1] =	stream.indirect.gather [hbm4b:s7+s6], $0x40, s2, s6, $0xb8;
	[tilespmem:$0x16580] =	vst v63  }
0x8e: {  	_ = 	snop  }
0x8f: {  	[tilespmem:s9], [sflag:$0x1] =	stream.indirect.gather [hbm4b:s7+s6], $0x40, s6, s6, $0xb8;
	[tilespmem:$0x16580] =	vst v63  }
0x90: {  	_ =	swait.ge [sflag:s10], $0xB000  }
0x91: {  	[sflag:s10] =	ssyncset.done $0x0  }
0x92: {  	[sflag:s10] =	ssyncadd.s32 $0xFFFF5000  }
0x93: {  	_ =	swait.ge [sflag:s10], $0xB000  }
0x94: {  	[sflag:s10] =	ssyncset.done $0x0  }
0x95: {  	[sflag:s10] =	ssyncadd.s32 $0xFFFF5000  }
0x96: {  	[hbm4b:s21+s12] =	stream.strided.scatter [tilespmem:s8], [sflag:$0x2], $0xB000, s13, s12, $0x38;
	[tilespmem:$0x16580] =	vst v63  }
0x97: {  	_ =	swait.ge [sflag:s3], $0xB000  }
.Ltmp1:
0x98: {  	[sflag:s3] =	ssyncset.done $0x0;
	(pc) =	sbr.rel @p0 .LBB2_1-.Ltmp1, $4  }
0x99: {  	[sflag:s3] =	ssyncadd.s32 $0xFFFF5000  }
0x9a: {  	[hbm4b:s22+s12] =	stream.strided.scatter [tilespmem:s9], [sflag:$0x2], $0xB000, s13, s12, $0x38;
	[tilespmem:$0x16580] =	vst v63  }
0x9b: {  	_ =	swait.ge [sflag:s3], $0xB000  }
0x9c: {  	[sflag:s3] =	ssyncset.done $0x0  }
.LBB2_2:
0x9d: {  	[sflag:s3] =	ssyncadd.s32 $0xFFFF5000  }
0x9e: {  	_ =	sfence.sel $0x180000  }
0x9f: {  	[bflag:$0x0] =	sbarrier.arrive $0xFFFF  }
0xa0: {  	p0 =	sne.s32 s0, $0x0;
	_ =	strace $0x90000050  }
0xa1: {  	s0 =	sadd.s32 @!p0 $0x100000, s1;
	[bflag:$0x2] =	sbarrier.arrive $0xFFFF  }
0xa2: {  	[sflag:s0] =	ssyncadd.tile.s32 @!p0 $0x1;
	_ =	shalt  }
.Lfunc_end2:
_tile_overlayer_lowered:
.L_overlay_start_2:
0xa3: {  	(tag) =	ssettag $0x2  }
0xa4: {  	s0 =	rddreg [dreg:$0x0];
	s2 =	stileid.u32  }
0xa5: {  	s1 =	rddreg [dreg:$0x1];
	p0 =	sne.s32 s2, $0x0  }
0xa6: {  	s3 =	rddreg [dreg:$0x2];
	[bflag:$0x3] =	sbarrier.arrive $0xFFFF;
	s2 =	simm.s32 @!p0 $0x1C02  }
0xa7: {  	[timem:s3], [sflag:s2] =	dma.local @!p0 [hbm:s0], s1  }
0xa8: {  	s0 =	simm.s32 @!p0 $0x2  }
0xa9: {  	_ =	swait.ge @!p0 [sflag:s0], s1  }
0xaa: {  	s1 =	ssub.s32 @!p0 $0x0, s1;
	[sflag:s0] =	ssyncset.done @!p0 $0x0  }
0xab: {  	[sflag:s0] =	ssyncadd.s32 @!p0 s1  }
0xac: {  	[bflag:$0x3] =	sbarrier.arrive $0xFFFF  }
0xad: {  	_ =	shalt  }

// kernel: kernel.13.cloned.1.call-start
scs
__scs_entry_jumppad:
0x0: {  	(pc) =	sbr.rel $0x88, $3  }
0x1: {  	(tag) =	ssettag $0x0;
	lr =	simm.s32 $0x1  }
0x2: {  	[smem:$0x3F99] =	sst lr;
	_ =	strace $0xD0000000  }
0x3: {  	_ = 	snop  }
0x4: {  	_ = 	snop  }
0x5: {  	_ = 	snop  }
0x6: {  	_ = 	snop  }
0x7: {  	_ = 	snop  }
__scs_overlays_trampoline_lowered:
0x8: {  	[smem:$0x3FA8] =	sst s0  }
0x9: {  	[smem:$0x3FA9] =	sst s1  }
0xa: {  	[smem:$0x3FAA] =	sst s2  }
0xb: {  	[smem:$0x3FAB] =	sst s3  }
0xc: {  	[smem:$0x3FAC] =	sst s4  }
0xd: {  	[smem:$0x3FAD] =	sst s5  }
0xe: {  	[smem:$0x3FAE] =	sst s6  }
0xf: {  	[smem:$0x3FAF] =	sst s7  }
0x10: {  	[smem:$0x3FB0] =	sst s8  }
0x11: {  	[smem:$0x3FB1] =	sst s9;
	s0 =	simm.s32 @!p0 $0x0  }
0x12: {  	s1 =	sld [smem:$0x3F97];
	s0 =	simm.s32 @p0 $0x1  }
0x13: {  	[smem:$0x3FB2] =	sst s0;
	s0 =	simm.s32 @!p1 $0x0  }
0x14: {  	s2 =	sld [smem:$0x3F96];
	s0 =	simm.s32 @p1 $0x1  }
0x15: {  	[smem:$0x3FB3] =	sst s0;
	s0 =	simm.s32 @!p2 $0x0  }
0x16: {  	s3 =	sld [smem:$0x3FDB];
	s0 =	simm.s32 @p2 $0x1  }
0x17: {  	s4 =	simm.s32 $0x1BF5;
	[smem:$0x3FB5] =	sst s0  }
0x18: {  	s0 =	sld [smem:$0x3F98];
	_ =	swait.ge [sflag:s4], $0x0  }
0x19: {  	s7 =	sld [smem:$0x3F99]  }
0x1a: {  	s8 =	sadd.s32 $0xFFFFE003, lr  }
0x1b: {  	s9 =	sadd.s32 $0xFFFFFEF7, lr;
	s5 =	simm.s32 $0xFFFFFFFF;
	p2 =	slt.u32 s8, $0xFFFFF086  }
0x1c: {  	p1 =	slt.u32 s9, $0xF7A;
	s5 =	simm.s32 @!p2 $0x0  }
0x1d: {  	s5 =	simm.s32 @p1 $0x1;
	p0 =	seq.s32 s7, s2  }
0x1e: {  	s7 =	smul.u32 @!p0 $0xF7A, s2;
	p2 =	seq.s32 @!p0 s5, $0x0  }
0x1f: {  	s9 =	smul.u32 $0xF7A, s1;
	s8 =	simm.s32 @!p0 $0x1BF5;
	p2 =	por !p2, p0  }
0x20: {  	[sflag:s8] =	ssyncset.s32 @!p0 $0xFFFFF086;
	s6 =	sadd.s32 @!p0 s3, s7;
	s7 =	simm.s32 @!p0 $0x108  }
0x21: {  	s3 =	sadd.s32 s3, s9;
	s6 =	sadd.s32 @!p0 $0x88, s6;
	s7 =	simm.s32 @p2 $0x1082  }
0x22: {  	[simem:s7], [sflag:s8] =	dma.local @!p0 [hbm:s6], $0xF7A  }
0x23: {  	s9 =	sor.u32 $0xD0000000, s2;
	s6 =	simm.s32 $0x108;
	_ =	swait.ge @!p0 [sflag:s8], $0x0  }
0x24: {  	s3 =	sadd.s32 $0x88, s3;
	s6 =	simm.s32 @!p1 $0x1082;
	[sflag:s4] =	ssyncset.s32 $0xFFFFF086  }
0x25: {  	[simem:s6], [sflag:s4] =	dma.local [hbm:s3], $0xF7A  }
0x26: {  	[smem:$0x3F99] =	sst s1;
	(tag) =	ssettag s2;
	_ =	strace s9  }
0x27: {  	s1 =	sld [smem:$0x3FA9]  }
0x28: {  	s2 =	sld [smem:$0x3FAA]  }
0x29: {  	s4 =	sld [smem:$0x3FAC]  }
0x2a: {  	p0 =	seq.s32 s5, $0x0;
	s5 =	sld [smem:$0x3FAD]  }
0x2b: {  	s6 =	sld [smem:$0x3FAE]  }
0x2c: {  	s7 =	sld [smem:$0x3FAF]  }
0x2d: {  	s3 =	simm.s32 $0x108;
	s8 =	sld [smem:$0x3FB0]  }
0x2e: {  	s3 =	simm.s32 @!p0 $0x1082;
	s9 =	sld [smem:$0x3FB1]  }
0x2f: {  	lr =	sadd.s32 s0, s3;
	s0 =	sld [smem:$0x3FA8]  }
0x30: {  	s3 =	sld [smem:$0x3FAB]  }
0x31: {  	[smem:$0x3FB4] =	sst s10  }
0x32: {  	s10 =	sld [smem:$0x3FB2];
	_ =	sdelay $0x3  }
0x33: {  	p0 =	seq.s32 s10, $0x1;
	s10 =	sld [smem:$0x3FB4];
	_ =	sdelay $0x3  }
0x34: {  	[smem:$0x3FB4] =	sst s10  }
0x35: {  	s10 =	sld [smem:$0x3FB3];
	_ =	sdelay $0x3  }
0x36: {  	p1 =	seq.s32 s10, $0x1;
	s10 =	sld [smem:$0x3FB4];
	_ =	sdelay $0x3  }
0x37: {  	[smem:$0x3FB4] =	sst s10  }
0x38: {  	s10 =	sld [smem:$0x3FB5]  }
0x39: {  	_ = 	snop;
	(pc) =	sbr.ind lr, $3  }
0x3a: {  	_ = 	snop  }
0x3b: {  	_ = 	snop  }
0x3c: {  	p2 =	seq.s32 s10, $0x1;
	s10 =	sld [smem:$0x3FB4]  }
0x3d: {  	_ =	shalt  }
0x3e: {  	_ =	shalt  }
0x3f: {  	_ =	shalt  }
0x40: {  	_ =	shalt  }
0x41: {  	_ =	shalt  }
0x42: {  	_ =	shalt  }
0x43: {  	_ =	shalt  }
0x44: {  	_ =	shalt  }
0x45: {  	_ =	shalt  }
0x46: {  	_ =	shalt  }
0x47: {  	_ =	shalt  }
0x48: {  	_ =	shalt  }
0x49: {  	_ =	shalt  }
0x4a: {  	_ =	shalt  }
0x4b: {  	_ =	shalt  }
0x4c: {  	_ =	shalt  }
0x4d: {  	_ =	shalt  }
0x4e: {  	_ =	shalt  }
0x4f: {  	_ =	shalt  }
0x50: {  	_ =	shalt  }
0x51: {  	_ =	shalt  }
0x52: {  	_ =	shalt  }
0x53: {  	_ =	shalt  }
0x54: {  	_ =	shalt  }
0x55: {  	_ =	shalt  }
0x56: {  	_ =	shalt  }
0x57: {  	_ =	shalt  }
0x58: {  	_ =	shalt  }
0x59: {  	_ =	shalt  }
0x5a: {  	_ =	shalt  }
0x5b: {  	_ =	shalt  }
0x5c: {  	_ =	shalt  }
0x5d: {  	_ =	shalt  }
0x5e: {  	_ =	shalt  }
0x5f: {  	_ =	shalt  }
0x60: {  	_ =	shalt  }
0x61: {  	_ =	shalt  }
0x62: {  	_ =	shalt  }
0x63: {  	_ =	shalt  }
0x64: {  	_ =	shalt  }
0x65: {  	_ =	shalt  }
0x66: {  	_ =	shalt  }
0x67: {  	_ =	shalt  }
0x68: {  	_ =	shalt  }
0x69: {  	_ =	shalt  }
0x6a: {  	_ =	shalt  }
0x6b: {  	_ =	shalt  }
0x6c: {  	_ =	shalt  }
0x6d: {  	_ =	shalt  }
0x6e: {  	_ =	shalt  }
0x6f: {  	_ =	shalt  }
0x70: {  	_ =	shalt  }
0x71: {  	_ =	shalt  }
0x72: {  	_ =	shalt  }
0x73: {  	_ =	shalt  }
0x74: {  	_ =	shalt  }
0x75: {  	_ =	shalt  }
0x76: {  	_ =	shalt  }
0x77: {  	_ =	shalt  }
0x78: {  	_ =	shalt  }
0x79: {  	_ =	shalt  }
0x7a: {  	_ =	shalt  }
0x7b: {  	_ =	shalt  }
0x7c: {  	_ =	shalt  }
0x7d: {  	_ =	shalt  }
0x7e: {  	_ =	shalt  }
0x7f: {  	_ =	shalt  }
0x80: {  	_ =	shalt  }
0x81: {  	_ =	shalt  }
0x82: {  	_ =	shalt  }
0x83: {  	_ =	shalt  }
0x84: {  	_ =	shalt  }
0x85: {  	_ =	shalt  }
0x86: {  	_ =	shalt  }
0x87: {  	_ =	shalt  }
.Lfunc_end0:
.L_simem_size_0:
called_computation.1_lowered:
.L_overlay_start_0:
0x88: {  	s2 =	sld [smem:$0x3FD9]  }
0x89: {  	s3 =	sld [smem:$0x3FFE];
	_ =	sdelay $0x1  }
0x8a: {  	s1 =	srdreg.scid  }
0x8b: {  	s0 =	sand.u32 $0x1, s1  }
0x8c: {  	s17 =	sshll.u32 s0, $0xA;
	s2 =	sadd.s32 s3, s2  }
0x8d: {  	s2 =	sadd.s32 s2, s17  }
0x8e: {  	[smem:$0x3FC0] =	sst s2  }
0x8f: {  	_ = 	snop  }
0x90: {  	s18 =	sld [smem:$0x3FD0];
	(tm) =	ssettm $0x1  }
0x91: {  	s19 =	sld [smem:$0x3FFB];
	_ =	sdelay $0x3  }
0x92: {  	_ =	strace s19  }
0x93: {  	s2 =	sld [smem:$0x3FFC];
	_ =	sdelay $0x3  }
0x94: {  	_ =	strace s2  }
0x95: {  	s2 =	sld [smem:$0x3FFD];
	_ =	sdelay $0x3  }
0x96: {  	_ =	strace s2  }
0x97: {  	_ =	strace $0x8FFFFFFF  }
0x98: {  	s20 =	sld [smem:$0x3FDB];
	_ =	sdelay $0x1  }
0x99: {  	s4 =	simm.s32 $_scs_section_size  }
0x9a: {  	s5 =	simm.s32 $_size__tile_overlayer_lowered;
	s6 =	simm.s32 $_tile_overlayer_lowered  }
0x9b: {  	s7 =	simm.s32 $0x1BFF;
	s21 =	sshll.u32 s6, $0x1;
	s4 =	sadd.s32 s4, s20  }
0x9c: {  	s22 =	simm.s32 $0x0;
	s5 =	sshll.u32 s5, $0x1;
	s6 =	sadd.s32 s21, s4  }
0x9d: {  	[timem:s22], [sflag:s7] =	dma.local [hbm:s6], s5  }
0x9e: {  	_ =	swait.ge [sflag:s7], s5  }
0x9f: {  	s5 =	ssub.s32 $0x0, s5;
	[sflag:s7] =	ssyncset.done $0x0  }
0xa0: {  	[sflag:s7] =	ssyncadd.s32 s5;
	_ =	sdelay $0x1  }
0xa1: {  	s23 =	simm.s32 $0x1B8B  }
0xa2: {  	_ =	swait.ge [sflag:s23], $0x1  }
0xa3: {  	[sflag:s23] =	ssyncset.done $0x0  }
0xa4: {  	[sflag:s23] =	ssyncadd.s32 $0xFFFFFFFF  }
0xa5: {  	s5 =	sld [smem:$0x0]  }
0xa6: {  	s6 =	sand.u32 $0xFFFFFFFE, s1  }
0xa7: {  	p0 =	sne.s32 s1, s6  }
0xa8: {  	s6 =	sshll.u32 @p0 s6, $0xE  }
0xa9: {  	s6 =	sadd.s32 @p0 $0x11B8D, s6;
	s7 =	sshll.u32 @p0 s5, $0x11  }
0xaa: {  	s6 =	sor.u32 @p0 s7, s6  }
0xab: {  	[sflag:s6] =	ssyncadd.remote.s32 @p0 $0x1;
	_ =	sdelay $0x1  }
0xac: {  	s6 =	simm.s32 @p0 $0x1B8D  }
0xad: {  	_ =	swait.eq @p0 [sflag:s6], $0x1  }
0xae: {  	[sflag:s6] =	ssyncadd.s32 @p0 $0xFFFFFFFF  }
0xaf: {  	s7 =	sshll.u32 @!p0 s1, $0xE  }
0xb0: {  	s7 =	sor.u32 @!p0 $0x4000, s7;
	s6 =	simm.s32 @!p0 $0x1B8D  }
0xb1: {  	s5 =	sshll.u32 @!p0 s5, $0x11;
	s7 =	sadd.s32 @!p0 $0x11B8D, s7;
	_ =	swait.eq @!p0 [sflag:s6], $0x1  }
0xb2: {  	s5 =	sor.u32 @!p0 s5, s7;
	[sflag:s6] =	ssyncadd.s32 @!p0 $0xFFFFFFFF  }
0xb3: {  	s25 =	simm.s32 $0x1B8E;
	s24 =	sld [smem:$0x3FFE];
	[sflag:s5] =	ssyncadd.remote.s32 @!p0 $0x1  }
0xb4: {  	s26 =	simm.s32 $execute0_lowered;
	[smem:$0x3FD2] =	sst s25  }
0xb5: {  	s6 =	sshll.u32 s26, $0x1;
	_ =	strace $0x8000004C;
	[dreg:$0x1] =	wrdreg $0xFFFFFFFF  }
0xb6: {  	s28 =	simm.s32 $_size_execute0_lowered;
	s4 =	sadd.s32 s4, s6;
	[dreg:$0x0] =	wrdreg $0x0  }
0xb7: {  	s6 =	sshll.u32 s28, $0x1;
	[dreg:$0x2] =	wrdreg s4  }
0xb8: {  	[dreg:$0x3] =	wrdreg s6  }
0xb9: {  	[dreg:$0x4] =	wrdreg $0xC0  }
0xba: {  	_ =	task [dreg:s22], $0x5FFFF  }
0xbb: {  	[dreg:$0x1] =	wrdreg $0xFFFFFFFF  }
0xbc: {  	[dreg:$0x0] =	wrdreg $0x60  }
0xbd: {  	[dreg:$0x2] =	wrdreg s18  }
0xbe: {  	[dreg:$0x3] =	wrdreg s24  }
0xbf: {  	[dreg:$0x4] =	wrdreg $0xA  }
0xc0: {  	_ =	task.clear_ibuf [dreg:s22], $0x5FFFF;
	_ =	strace $0x9000004C  }
0xc1: {  	s29 =	simm.s32 $0xA;
	_ =	strace $0x8000004E  }
0xc2: {  	_ =	swait.ge [sflag:s29], $0x1  }
0xc3: {  	[sflag:s29] =	ssyncadd.s32 $0xFFFFFFFF  }
0xc4: {  	_ =	strace $0x9000004E  }
0xc5: {  	_ =	sfence  }
0xc6: {  	s30 =	sld [smem:$0x0];
	_ =	sdelay $0x2  }
0xc7: {  	s31 =	sshll.u32 s1, $0xD;
	s1 =	sshrl.u32 s1, $0x2  }
0xc8: {  	s4 =	sand.u32 $0x4000, s31;
	s1 =	sadd.s32 s1, s30  }
0xc9: {  	s0 =	sor.u32 s4, s0;
	s1 =	sshll.u32 s1, $0x11  }
0xca: {  	s0 =	sor.u32 s1, s0  }
0xcb: {  	s0 =	sadd.s32 $0x8F2B, s0  }
0xcc: {  	[sflag:s0] =	ssyncadd.remote.s32 $0x1  }
0xcd: {  	_ =	sfence.sel $0xFFFF  }
0xce: {  	[dreg:$0x0] =	wrdreg $0xFFFFFFFF;
	(pc) =	sbr.abs _section_cstart, $3  }
0xcf: {  	[dreg:$0x1] =	wrdreg $0xFFFFFFFF  }
0xd0: {  	_ =	task.clear_ibuf [dreg:s22], $0x2FFFF;
	_ =	strace $0x9FFFFFFF  }
0xd1: {  	(tm) =	ssettm $0x7FFFFFFF  }
tec
execute0_lowered:
.L_overlay_start_1:
0x0: {  	(tag) =	ssettag $0x1  }
0x1: {  	s1 =	srdreg.scid;
	s0 =	stileid.u32  }
0x2: {  	s21 =	sand.u32 $0x1, s1;
	s28 =	sshll.u32 s0, $0x1  }
0x3: {  	s11 =	sor.u32 s21, s28  }
0x4: {  	s19 =	rddreg [dreg:$0x0];
	s20 =	smul.u32 $0x840, s11  }
0x5: {  	s14 =	rddreg [dreg:$0x1];
	s2 =	simm.s32 $0x0  }
0x6: {  	s3 =	simm.s32 $0x2;
	[smem:$0x7FF] =	sst s2;
	s5 =	sshrl.u32 s20, $0x3  }
0x7: {  	s1 =	rddreg [dreg:$0x2];
	_ =	strace $0x8000004D;
	s4 =	sadd.s32 s19, s5  }
0x8: {  	[tilespmem:s2], [sflag:$0x2] =	stream.linear.gather [hbm4b:s4+s2], $0x2C0, $0x38;
	[tilespmem:$0x16580] =	vst v63  }
0x9: {  	_ =	swait.ge [sflag:s3], $0x2C0  }
0xa: {  	s22 =	sadd.s32 $0x2E00, s14;
	[sflag:s3] =	ssyncset.done $0x0  }
0xb: {  	s6 =	simm.s32 $0x2C0;
	s5 =	sadd.s32 s22, s5;
	[sflag:s3] =	ssyncadd.s32 $0xFFFFFD40  }
0xc: {  	[tilespmem:s6], [sflag:$0x2] =	stream.linear.gather [hbm4b:s5+s2], $0x2C0, $0x38;
	[tilespmem:$0x16580] =	vst v63  }
0xd: {  	_ =	swait.ge [sflag:s3], $0x2C0  }
0xe: {  	[sflag:s3] =	ssyncset.done $0x0  }
0xf: {  	s8 =	simm.s32 $0x580;
	s7 =	sadd.s32 $0x192000, s14;
	[sflag:s3] =	ssyncadd.s32 $0xFFFFFD40  }
0x10: {  	[tilespmem:s8], [sflag:$0x1] =	stream.indirect.gather [hbm4b:s7+s6], $0x40, s2, s6, $0xb8;
	[tilespmem:$0x16580] =	vst v63  }
0x11: {  	s9 =	simm.s32 $0xB580;
	s10 =	simm.s32 $0x1  }
0x12: {  	[tilespmem:s9], [sflag:$0x1] =	stream.indirect.gather [hbm4b:s7+s6], $0x40, s6, s6, $0xb8;
	[tilespmem:$0x16580] =	vst v63  }
0x13: {  	_ =	swait.ge [sflag:s10], $0xB000  }
0x14: {  	[sflag:s10] =	ssyncset.done $0x0  }
0x15: {  	[sflag:s10] =	ssyncadd.s32 $0xFFFF5000  }
0x16: {  	s15 =	smul.u32 $0x8400, s11;
	_ =	swait.ge [sflag:s10], $0xB000  }
0x17: {  	s12 =	simm.s32 $0x40;
	s23 =	sadd.s32 $0x35D600, s14;
	[sflag:s10] =	ssyncset.done $0x0  }
0x18: {  	s13 =	simm.s32 $0x80;
	s11 =	sadd.s32 s23, s15;
	[sflag:s10] =	ssyncadd.s32 $0xFFFF5000  }
0x19: {  	[hbm4b:s11+s12] =	stream.strided.scatter [tilespmem:s8], [sflag:$0x2], $0xB000, s13, s12, $0x38;
	[tilespmem:$0x16580] =	vst v63  }
0x1a: {  	_ =	swait.ge [sflag:s3], $0xB000  }
0x1b: {  	s24 =	sadd.s32 $0x35D608, s14;
	[sflag:s3] =	ssyncset.done $0x0  }
0x1c: {  	s14 =	sadd.s32 s15, s24;
	[sflag:s3] =	ssyncadd.s32 $0xFFFF5000  }
0x1d: {  	[hbm4b:s14+s12] =	stream.strided.scatter [tilespmem:s9], [sflag:$0x2], $0xB000, s13, s12, $0x38;
	[tilespmem:$0x16580] =	vst v63  }
0x1e: {  	s17 =	sadd.s32 $0x2C0, s20;
	_ =	swait.ge [sflag:s3], $0xB000  }
0x1f: {  	s16 =	sshrl.u32 s17, $0x3;
	[sflag:s3] =	ssyncset.done $0x0  }
0x20: {  	s15 =	sadd.s32 s19, s16;
	[sflag:s3] =	ssyncadd.s32 $0xFFFF5000  }
0x21: {  	[tilespmem:s2], [sflag:$0x2] =	stream.linear.gather [hbm4b:s15+s2], $0x2C0, $0x38;
	[tilespmem:$0x16580] =	vst v63  }
0x22: {  	_ =	swait.ge [sflag:s3], $0x2C0  }
0x23: {  	[sflag:s3] =	ssyncset.done $0x0  }
0x24: {  	s16 =	sadd.s32 s22, s16;
	[sflag:s3] =	ssyncadd.s32 $0xFFFFFD40  }
0x25: {  	[tilespmem:s6], [sflag:$0x2] =	stream.linear.gather [hbm4b:s16+s2], $0x2C0, $0x38;
	[tilespmem:$0x16580] =	vst v63  }
0x26: {  	_ =	swait.ge [sflag:s3], $0x2C0  }
0x27: {  	[sflag:s3] =	ssyncset.done $0x0  }
0x28: {  	[sflag:s3] =	ssyncadd.s32 $0xFFFFFD40  }
0x29: {  	[tilespmem:s8], [sflag:$0x1] =	stream.indirect.gather [hbm4b:s7+s6], $0x40, s2, s6, $0xb8;
	[tilespmem:$0x16580] =	vst v63  }
0x2a: {  	_ = 	snop  }
0x2b: {  	[tilespmem:s9], [sflag:$0x1] =	stream.indirect.gather [hbm4b:s7+s6], $0x40, s6, s6, $0xb8;
	[tilespmem:$0x16580] =	vst v63  }
0x2c: {  	_ =	swait.ge [sflag:s10], $0xB000  }
0x2d: {  	[sflag:s10] =	ssyncset.done $0x0  }
0x2e: {  	[sflag:s10] =	ssyncadd.s32 $0xFFFF5000  }
0x2f: {  	_ =	swait.ge [sflag:s10], $0xB000  }
0x30: {  	s18 =	sshll.u32 s17, $0x4;
	[sflag:s10] =	ssyncset.done $0x0  }
0x31: {  	s17 =	sadd.s32 s23, s18;
	[sflag:s10] =	ssyncadd.s32 $0xFFFF5000  }
0x32: {  	[hbm4b:s17+s12] =	stream.strided.scatter [tilespmem:s8], [sflag:$0x2], $0xB000, s13, s12, $0x38;
	[tilespmem:$0x16580] =	vst v63  }
0x33: {  	_ =	swait.ge [sflag:s3], $0xB000  }
0x34: {  	[sflag:s3] =	ssyncset.done $0x0  }
0x35: {  	s18 =	sadd.s32 s18, s24;
	[sflag:s3] =	ssyncadd.s32 $0xFFFF5000  }
0x36: {  	[hbm4b:s18+s12] =	stream.strided.scatter [tilespmem:s9], [sflag:$0x2], $0xB000, s13, s12, $0x38;
	[tilespmem:$0x16580] =	vst v63  }
0x37: {  	s25 =	sadd.s32 $0x580, s20;
	_ =	swait.ge [sflag:s3], $0xB000  }
0x38: {  	s20 =	sshrl.u32 s25, $0x3;
	[sflag:s3] =	ssyncset.done $0x0  }
0x39: {  	s19 =	sadd.s32 s19, s20;
	[sflag:s3] =	ssyncadd.s32 $0xFFFF5000  }
0x3a: {  	[tilespmem:s2], [sflag:$0x2] =	stream.linear.gather [hbm4b:s19+s2], $0x2C0, $0x38;
	[tilespmem:$0x16580] =	vst v63  }
0x3b: {  	_ =	swait.ge [sflag:s3], $0x2C0  }
0x3c: {  	[sflag:s3] =	ssyncset.done $0x0  }
0x3d: {  	s20 =	sadd.s32 s22, s20;
	[sflag:s3] =	ssyncadd.s32 $0xFFFFFD40  }
0x3e: {  	[tilespmem:s6], [sflag:$0x2] =	stream.linear.gather [hbm4b:s20+s2], $0x2C0, $0x38;
	[tilespmem:$0x16580] =	vst v63  }
0x3f: {  	_ =	swait.ge [sflag:s3], $0x2C0  }
0x40: {  	[sflag:s3] =	ssyncset.done $0x0  }
0x41: {  	[sflag:s3] =	ssyncadd.s32 $0xFFFFFD40  }
0x42: {  	[tilespmem:s8], [sflag:$0x1] =	stream.indirect.gather [hbm4b:s7+s6], $0x40, s2, s6, $0xb8;
	[tilespmem:$0x16580] =	vst v63  }
0x43: {  	_ = 	snop  }
0x44: {  	[tilespmem:s9], [sflag:$0x1] =	stream.indirect.gather [hbm4b:s7+s6], $0x40, s6, s6, $0xb8;
	[tilespmem:$0x16580] =	vst v63  }
0x45: {  	_ =	swait.ge [sflag:s10], $0xB000  }
0x46: {  	[sflag:s10] =	ssyncset.done $0x0  }
0x47: {  	s30 =	ssub.s32 $0x2, s21;
	[sflag:s10] =	ssyncadd.s32 $0xFFFF5000  }
0x48: {  	s31 =	sshrl.u32 s30, $0x1;
	s29 =	sshll.u32 s25, $0x4;
	_ =	swait.ge [sflag:s10], $0xB000  }
0x49: {  	s21 =	sadd.s32 s23, s29;
	s23 =	ssub.s32 s30, s31;
	[sflag:s10] =	ssyncset.done $0x0  }
0x4a: {  	s23 =	smax.u32 s23, $0x1;
	[sflag:s10] =	ssyncadd.s32 $0xFFFF5000  }
0x4b: {  	[hbm4b:s21+s12] =	stream.strided.scatter [tilespmem:s8], [sflag:$0x2], $0xB000, s13, s12, $0x38;
	[tilespmem:$0x16580] =	vst v63  }
0x4c: {  	p0 =	sne.s32 s23, $0x1;
	_ =	swait.ge [sflag:s3], $0xB000  }
.Ltmp0:
0x4d: {  	[sflag:s3] =	ssyncset.done $0x0;
	(pc) =	sbr.rel @!p0 .LBB2_2-.Ltmp0, $4  }
0x4e: {  	s22 =	sadd.s32 s29, s24;
	[sflag:s3] =	ssyncadd.s32 $0xFFFF5000  }
0x4f: {  	[hbm4b:s22+s12] =	stream.strided.scatter [tilespmem:s9], [sflag:$0x2], $0xB000, s13, s12, $0x38;
	[tilespmem:$0x16580] =	vst v63  }
0x50: {  	_ =	swait.ge [sflag:s3], $0xB000  }
0x51: {  	s23 =	sadd.s32 $0xFFFFFFFF, s23;
	[sflag:s3] =	ssyncset.done $0x0  }
.LBB2_1:
0x52: {  	p0 =	sne.s32 s23, $0x1;
	s23 =	sadd.s32 $0xFFFFFFFF, s23;
	[sflag:s3] =	ssyncadd.s32 $0xFFFF5000  }
0x53: {  	[tilespmem:s2], [sflag:$0x2] =	stream.linear.gather [hbm4b:s4+s2], $0x2C0, $0x38;
	[tilespmem:$0x16580] =	vst v63  }
0x54: {  	_ =	swait.ge [sflag:s3], $0x2C0  }
0x55: {  	[sflag:s3] =	ssyncset.done $0x0  }
0x56: {  	[sflag:s3] =	ssyncadd.s32 $0xFFFFFD40  }
0x57: {  	[tilespmem:s6], [sflag:$0x2] =	stream.linear.gather [hbm4b:s5+s2], $0x2C0, $0x38;
	[tilespmem:$0x16580] =	vst v63  }
0x58: {  	_ =	swait.ge [sflag:s3], $0x2C0  }
0x59: {  	[sflag:s3] =	ssyncset.done $0x0  }
0x5a: {  	[sflag:s3] =	ssyncadd.s32 $0xFFFFFD40  }
0x5b: {  	[tilespmem:s8], [sflag:$0x1] =	stream.indirect.gather [hbm4b:s7+s6], $0x40, s2, s6, $0xb8;
	[tilespmem:$0x16580] =	vst v63  }
0x5c: {  	_ = 	snop  }
0x5d: {  	[tilespmem:s9], [sflag:$0x1] =	stream.indirect.gather [hbm4b:s7+s6], $0x40, s6, s6, $0xb8;
	[tilespmem:$0x16580] =	vst v63  }
0x5e: {  	_ =	swait.ge [sflag:s10], $0xB000  }
0x5f: {  	[sflag:s10] =	ssyncset.done $0x0  }
0x60: {  	[sflag:s10] =	ssyncadd.s32 $0xFFFF5000  }
0x61: {  	_ =	swait.ge [sflag:s10], $0xB000  }
0x62: {  	[sflag:s10] =	ssyncset.done $0x0  }
0x63: {  	[sflag:s10] =	ssyncadd.s32 $0xFFFF5000  }
0x64: {  	[hbm4b:s11+s12] =	stream.strided.scatter [tilespmem:s8], [sflag:$0x2], $0xB000, s13, s12, $0x38;
	[tilespmem:$0x16580] =	vst v63  }
0x65: {  	_ =	swait.ge [sflag:s3], $0xB000  }
0x66: {  	[sflag:s3] =	ssyncset.done $0x0  }
0x67: {  	[sflag:s3] =	ssyncadd.s32 $0xFFFF5000  }
0x68: {  	[hbm4b:s14+s12] =	stream.strided.scatter [tilespmem:s9], [sflag:$0x2], $0xB000, s13, s12, $0x38;
	[tilespmem:$0x16580] =	vst v63  }
0x69: {  	_ =	swait.ge [sflag:s3], $0xB000  }
0x6a: {  	[sflag:s3] =	ssyncset.done $0x0  }
0x6b: {  	[sflag:s3] =	ssyncadd.s32 $0xFFFF5000  }
0x6c: {  	[tilespmem:s2], [sflag:$0x2] =	stream.linear.gather [hbm4b:s15+s2], $0x2C0, $0x38;
	[tilespmem:$0x16580] =	vst v63  }
0x6d: {  	_ =	swait.ge [sflag:s3], $0x2C0  }
0x6e: {  	[sflag:s3] =	ssyncset.done $0x0  }
0x6f: {  	[sflag:s3] =	ssyncadd.s32 $0xFFFFFD40  }
0x70: {  	[tilespmem:s6], [sflag:$0x2] =	stream.linear.gather [hbm4b:s16+s2], $0x2C0, $0x38;
	[tilespmem:$0x16580] =	vst v63  }
0x71: {  	_ =	swait.ge [sflag:s3], $0x2C0  }
0x72: {  	[sflag:s3] =	ssyncset.done $0x0  }
0x73: {  	[sflag:s3] =	ssyncadd.s32 $0xFFFFFD40  }
0x74: {  	[tilespmem:s8], [sflag:$0x1] =	stream.indirect.gather [hbm4b:s7+s6], $0x40, s2, s6, $0xb8;
	[tilespmem:$0x16580] =	vst v63  }
0x75: {  	_ = 	snop  }
0x76: {  	[tilespmem:s9], [sflag:$0x1] =	stream.indirect.gather [hbm4b:s7+s6], $0x40, s6, s6, $0xb8;
	[tilespmem:$0x16580] =	vst v63  }
0x77: {  	_ =	swait.ge [sflag:s10], $0xB000  }
0x78: {  	[sflag:s10] =	ssyncset.done $0x0  }
0x79: {  	[sflag:s10] =	ssyncadd.s32 $0xFFFF5000  }
0x7a: {  	_ =	swait.ge [sflag:s10], $0xB000  }
0x7b: {  	[sflag:s10] =	ssyncset.done $0x0  }
0x7c: {  	[sflag:s10] =	ssyncadd.s32 $0xFFFF5000  }
0x7d: {  	[hbm4b:s17+s12] =	stream.strided.scatter [tilespmem:s8], [sflag:$0x2], $0xB000, s13, s12, $0x38;
	[tilespmem:$0x16580] =	vst v63  }
0x7e: {  	_ =	swait.ge [sflag:s3], $0xB000  }
0x7f: {  	[sflag:s3] =	ssyncset.done $0x0  }
0x80: {  	[sflag:s3] =	ssyncadd.s32 $0xFFFF5000  }
0x81: {  	[hbm4b:s18+s12] =	stream.strided.scatter [tilespmem:s9], [sflag:$0x2], $0xB000, s13, s12, $0x38;
	[tilespmem:$0x16580] =	vst v63  }
0x82: {  	_ =	swait.ge [sflag:s3], $0xB000  }
0x83: {  	[sflag:s3] =	ssyncset.done $0x0  }
0x84: {  	[sflag:s3] =	ssyncadd.s32 $0xFFFF5000  }
0x85: {  	[tilespmem:s2], [sflag:$0x2] =	stream.linear.gather [hbm4b:s19+s2], $0x2C0, $0x38;
	[tilespmem:$0x16580] =	vst v63  }
0x86: {  	_ =	swait.ge [sflag:s3], $0x2C0  }
0x87: {  	[sflag:s3] =	ssyncset.done $0x0  }
0x88: {  	[sflag:s3] =	ssyncadd.s32 $0xFFFFFD40  }
0x89: {  	[tilespmem:s6], [sflag:$0x2] =	stream.linear.gather [hbm4b:s20+s2], $0x2C0, $0x38;
	[tilespmem:$0x16580] =	vst v63  }
0x8a: {  	_ =	swait.ge [sflag:s3], $0x2C0  }
0x8b: {  	[sflag:s3] =	ssyncset.done $0x0  }
0x8c: {  	[sflag:s3] =	ssyncadd.s32 $0xFFFFFD40  }
0x8d: {  	[tilespmem:s8], [sflag:$0x1] =	stream.indirect.gather [hbm4b:s7+s6], $0x40, s2, s6, $0xb8;
	[tilespmem:$0x16580] =	vst v63  }
0x8e: {  	_ = 	snop  }
0x8f: {  	[tilespmem:s9], [sflag:$0x1] =	stream.indirect.gather [hbm4b:s7+s6], $0x40, s6, s6, $0xb8;
	[tilespmem:$0x16580] =	vst v63  }
0x90: {  	_ =	swait.ge [sflag:s10], $0xB000  }
0x91: {  	[sflag:s10] =	ssyncset.done $0x0  }
0x92: {  	[sflag:s10] =	ssyncadd.s32 $0xFFFF5000  }
0x93: {  	_ =	swait.ge [sflag:s10], $0xB000  }
0x94: {  	[sflag:s10] =	ssyncset.done $0x0  }
0x95: {  	[sflag:s10] =	ssyncadd.s32 $0xFFFF5000  }
0x96: {  	[hbm4b:s21+s12] =	stream.strided.scatter [tilespmem:s8], [sflag:$0x2], $0xB000, s13, s12, $0x38;
	[tilespmem:$0x16580] =	vst v63  }
0x97: {  	_ =	swait.ge [sflag:s3], $0xB000  }
.Ltmp1:
0x98: {  	[sflag:s3] =	ssyncset.done $0x0;
	(pc) =	sbr.rel @p0 .LBB2_1-.Ltmp1, $4  }
0x99: {  	[sflag:s3] =	ssyncadd.s32 $0xFFFF5000  }
0x9a: {  	[hbm4b:s22+s12] =	stream.strided.scatter [tilespmem:s9], [sflag:$0x2], $0xB000, s13, s12, $0x38;
	[tilespmem:$0x16580] =	vst v63  }
0x9b: {  	_ =	swait.ge [sflag:s3], $0xB000  }
0x9c: {  	[sflag:s3] =	ssyncset.done $0x0  }
.LBB2_2:
0x9d: {  	[sflag:s3] =	ssyncadd.s32 $0xFFFF5000  }
0x9e: {  	_ =	sfence.sel $0x180000  }
0x9f: {  	[bflag:$0x0] =	sbarrier.arrive $0xFFFF  }
0xa0: {  	p0 =	sne.s32 s0, $0x0;
	_ =	strace $0x9000004D  }
0xa1: {  	s0 =	sadd.s32 @!p0 $0x100000, s1;
	[bflag:$0x2] =	sbarrier.arrive $0xFFFF  }
0xa2: {  	[sflag:s0] =	ssyncadd.tile.s32 @!p0 $0x1;
	_ =	shalt  }
.Lfunc_end2:
_tile_overlayer_lowered:
.L_overlay_start_2:
0xa3: {  	(tag) =	ssettag $0x2  }
0xa4: {  	s0 =	rddreg [dreg:$0x0];
	s2 =	stileid.u32  }
0xa5: {  	s1 =	rddreg [dreg:$0x1];
	p0 =	sne.s32 s2, $0x0  }
0xa6: {  	s3 =	rddreg [dreg:$0x2];
	[bflag:$0x3] =	sbarrier.arrive $0xFFFF;
	s2 =	simm.s32 @!p0 $0x1C02  }
0xa7: {  	[timem:s3], [sflag:s2] =	dma.local @!p0 [hbm:s0], s1  }
0xa8: {  	s0 =	simm.s32 @!p0 $0x2  }
0xa9: {  	_ =	swait.ge @!p0 [sflag:s0], s1  }
0xaa: {  	s1 =	ssub.s32 @!p0 $0x0, s1;
	[sflag:s0] =	ssyncset.done @!p0 $0x0  }
0xab: {  	[sflag:s0] =	ssyncadd.s32 @!p0 s1  }
0xac: {  	[bflag:$0x3] =	sbarrier.arrive $0xFFFF  }
0xad: {  	_ =	shalt  }

// kernel: kernel.16.cloned.1.call-start
scs
__scs_entry_jumppad:
0x0: {  	(pc) =	sbr.rel $0x88, $3  }
0x1: {  	(tag) =	ssettag $0x0;
	lr =	simm.s32 $0x1  }
0x2: {  	[smem:$0x3F99] =	sst lr;
	_ =	strace $0xD0000000  }
0x3: {  	_ = 	snop  }
0x4: {  	_ = 	snop  }
0x5: {  	_ = 	snop  }
0x6: {  	_ = 	snop  }
0x7: {  	_ = 	snop  }
__scs_overlays_trampoline_lowered:
0x8: {  	[smem:$0x3FA8] =	sst s0  }
0x9: {  	[smem:$0x3FA9] =	sst s1  }
0xa: {  	[smem:$0x3FAA] =	sst s2  }
0xb: {  	[smem:$0x3FAB] =	sst s3  }
0xc: {  	[smem:$0x3FAC] =	sst s4  }
0xd: {  	[smem:$0x3FAD] =	sst s5  }
0xe: {  	[smem:$0x3FAE] =	sst s6  }
0xf: {  	[smem:$0x3FAF] =	sst s7  }
0x10: {  	[smem:$0x3FB0] =	sst s8  }
0x11: {  	[smem:$0x3FB1] =	sst s9;
	s0 =	simm.s32 @!p0 $0x0  }
0x12: {  	s1 =	sld [smem:$0x3F97];
	s0 =	simm.s32 @p0 $0x1  }
0x13: {  	[smem:$0x3FB2] =	sst s0;
	s0 =	simm.s32 @!p1 $0x0  }
0x14: {  	s2 =	sld [smem:$0x3F96];
	s0 =	simm.s32 @p1 $0x1  }
0x15: {  	[smem:$0x3FB3] =	sst s0;
	s0 =	simm.s32 @!p2 $0x0  }
0x16: {  	s3 =	sld [smem:$0x3FDB];
	s0 =	simm.s32 @p2 $0x1  }
0x17: {  	s4 =	simm.s32 $0x1BF5;
	[smem:$0x3FB5] =	sst s0  }
0x18: {  	s0 =	sld [smem:$0x3F98];
	_ =	swait.ge [sflag:s4], $0x0  }
0x19: {  	s7 =	sld [smem:$0x3F99]  }
0x1a: {  	s8 =	sadd.s32 $0xFFFFE003, lr  }
0x1b: {  	s9 =	sadd.s32 $0xFFFFFEF7, lr;
	s5 =	simm.s32 $0xFFFFFFFF;
	p2 =	slt.u32 s8, $0xFFFFF086  }
0x1c: {  	p1 =	slt.u32 s9, $0xF7A;
	s5 =	simm.s32 @!p2 $0x0  }
0x1d: {  	s5 =	simm.s32 @p1 $0x1;
	p0 =	seq.s32 s7, s2  }
0x1e: {  	s7 =	smul.u32 @!p0 $0xF7A, s2;
	p2 =	seq.s32 @!p0 s5, $0x0  }
0x1f: {  	s9 =	smul.u32 $0xF7A, s1;
	s8 =	simm.s32 @!p0 $0x1BF5;
	p2 =	por !p2, p0  }
0x20: {  	[sflag:s8] =	ssyncset.s32 @!p0 $0xFFFFF086;
	s6 =	sadd.s32 @!p0 s3, s7;
	s7 =	simm.s32 @!p0 $0x108  }
0x21: {  	s3 =	sadd.s32 s3, s9;
	s6 =	sadd.s32 @!p0 $0x88, s6;
	s7 =	simm.s32 @p2 $0x1082  }
0x22: {  	[simem:s7], [sflag:s8] =	dma.local @!p0 [hbm:s6], $0xF7A  }
0x23: {  	s9 =	sor.u32 $0xD0000000, s2;
	s6 =	simm.s32 $0x108;
	_ =	swait.ge @!p0 [sflag:s8], $0x0  }
0x24: {  	s3 =	sadd.s32 $0x88, s3;
	s6 =	simm.s32 @!p1 $0x1082;
	[sflag:s4] =	ssyncset.s32 $0xFFFFF086  }
0x25: {  	[simem:s6], [sflag:s4] =	dma.local [hbm:s3], $0xF7A  }
0x26: {  	[smem:$0x3F99] =	sst s1;
	(tag) =	ssettag s2;
	_ =	strace s9  }
0x27: {  	s1 =	sld [smem:$0x3FA9]  }
0x28: {  	s2 =	sld [smem:$0x3FAA]  }
0x29: {  	s4 =	sld [smem:$0x3FAC]  }
0x2a: {  	p0 =	seq.s32 s5, $0x0;
	s5 =	sld [smem:$0x3FAD]  }
0x2b: {  	s6 =	sld [smem:$0x3FAE]  }
0x2c: {  	s7 =	sld [smem:$0x3FAF]  }
0x2d: {  	s3 =	simm.s32 $0x108;
	s8 =	sld [smem:$0x3FB0]  }
0x2e: {  	s3 =	simm.s32 @!p0 $0x1082;
	s9 =	sld [smem:$0x3FB1]  }
0x2f: {  	lr =	sadd.s32 s0, s3;
	s0 =	sld [smem:$0x3FA8]  }
0x30: {  	s3 =	sld [smem:$0x3FAB]  }
0x31: {  	[smem:$0x3FB4] =	sst s10  }
0x32: {  	s10 =	sld [smem:$0x3FB2];
	_ =	sdelay $0x3  }
0x33: {  	p0 =	seq.s32 s10, $0x1;
	s10 =	sld [smem:$0x3FB4];
	_ =	sdelay $0x3  }
0x34: {  	[smem:$0x3FB4] =	sst s10  }
0x35: {  	s10 =	sld [smem:$0x3FB3];
	_ =	sdelay $0x3  }
0x36: {  	p1 =	seq.s32 s10, $0x1;
	s10 =	sld [smem:$0x3FB4];
	_ =	sdelay $0x3  }
0x37: {  	[smem:$0x3FB4] =	sst s10  }
0x38: {  	s10 =	sld [smem:$0x3FB5]  }
0x39: {  	_ = 	snop;
	(pc) =	sbr.ind lr, $3  }
0x3a: {  	_ = 	snop  }
0x3b: {  	_ = 	snop  }
0x3c: {  	p2 =	seq.s32 s10, $0x1;
	s10 =	sld [smem:$0x3FB4]  }
0x3d: {  	_ =	shalt  }
0x3e: {  	_ =	shalt  }
0x3f: {  	_ =	shalt  }
0x40: {  	_ =	shalt  }
0x41: {  	_ =	shalt  }
0x42: {  	_ =	shalt  }
0x43: {  	_ =	shalt  }
0x44: {  	_ =	shalt  }
0x45: {  	_ =	shalt  }
0x46: {  	_ =	shalt  }
0x47: {  	_ =	shalt  }
0x48: {  	_ =	shalt  }
0x49: {  	_ =	shalt  }
0x4a: {  	_ =	shalt  }
0x4b: {  	_ =	shalt  }
0x4c: {  	_ =	shalt  }
0x4d: {  	_ =	shalt  }
0x4e: {  	_ =	shalt  }
0x4f: {  	_ =	shalt  }
0x50: {  	_ =	shalt  }
0x51: {  	_ =	shalt  }
0x52: {  	_ =	shalt  }
0x53: {  	_ =	shalt  }
0x54: {  	_ =	shalt  }
0x55: {  	_ =	shalt  }
0x56: {  	_ =	shalt  }
0x57: {  	_ =	shalt  }
0x58: {  	_ =	shalt  }
0x59: {  	_ =	shalt  }
0x5a: {  	_ =	shalt  }
0x5b: {  	_ =	shalt  }
0x5c: {  	_ =	shalt  }
0x5d: {  	_ =	shalt  }
0x5e: {  	_ =	shalt  }
0x5f: {  	_ =	shalt  }
0x60: {  	_ =	shalt  }
0x61: {  	_ =	shalt  }
0x62: {  	_ =	shalt  }
0x63: {  	_ =	shalt  }
0x64: {  	_ =	shalt  }
0x65: {  	_ =	shalt  }
0x66: {  	_ =	shalt  }
0x67: {  	_ =	shalt  }
0x68: {  	_ =	shalt  }
0x69: {  	_ =	shalt  }
0x6a: {  	_ =	shalt  }
0x6b: {  	_ =	shalt  }
0x6c: {  	_ =	shalt  }
0x6d: {  	_ =	shalt  }
0x6e: {  	_ =	shalt  }
0x6f: {  	_ =	shalt  }
0x70: {  	_ =	shalt  }
0x71: {  	_ =	shalt  }
0x72: {  	_ =	shalt  }
0x73: {  	_ =	shalt  }
0x74: {  	_ =	shalt  }
0x75: {  	_ =	shalt  }
0x76: {  	_ =	shalt  }
0x77: {  	_ =	shalt  }
0x78: {  	_ =	shalt  }
0x79: {  	_ =	shalt  }
0x7a: {  	_ =	shalt  }
0x7b: {  	_ =	shalt  }
0x7c: {  	_ =	shalt  }
0x7d: {  	_ =	shalt  }
0x7e: {  	_ =	shalt  }
0x7f: {  	_ =	shalt  }
0x80: {  	_ =	shalt  }
0x81: {  	_ =	shalt  }
0x82: {  	_ =	shalt  }
0x83: {  	_ =	shalt  }
0x84: {  	_ =	shalt  }
0x85: {  	_ =	shalt  }
0x86: {  	_ =	shalt  }
0x87: {  	_ =	shalt  }
.Lfunc_end0:
.L_simem_size_0:
called_computation.2_lowered:
.L_overlay_start_0:
0x88: {  	s2 =	sld [smem:$0x3FD9]  }
0x89: {  	s3 =	sld [smem:$0x3FFE];
	_ =	sdelay $0x1  }
0x8a: {  	s1 =	srdreg.scid  }
0x8b: {  	s0 =	sand.u32 $0x1, s1  }
0x8c: {  	s17 =	sshll.u32 s0, $0xA;
	s2 =	sadd.s32 s3, s2  }
0x8d: {  	s2 =	sadd.s32 s2, s17  }
0x8e: {  	[smem:$0x3FC0] =	sst s2  }
0x8f: {  	_ = 	snop  }
0x90: {  	(tm) =	ssettm $0x1  }
0x91: {  	s18 =	sld [smem:$0x3FFB];
	_ =	sdelay $0x3  }
0x92: {  	_ =	strace s18  }
0x93: {  	s2 =	sld [smem:$0x3FFC];
	_ =	sdelay $0x3  }
0x94: {  	_ =	strace s2  }
0x95: {  	s2 =	sld [smem:$0x3FFD];
	_ =	sdelay $0x3  }
0x96: {  	_ =	strace s2  }
0x97: {  	_ =	strace $0x8FFFFFFF  }
0x98: {  	s19 =	sld [smem:$0x3FDB];
	_ =	sdelay $0x1  }
0x99: {  	s20 =	simm.s32 $_scs_section_size  }
0x9a: {  	s4 =	simm.s32 $_size__tile_overlayer_lowered;
	s5 =	simm.s32 $_tile_overlayer_lowered  }
0x9b: {  	s6 =	simm.s32 $0x1BFF;
	s21 =	sshll.u32 s5, $0x1;
	s3 =	sadd.s32 s20, s19  }
0x9c: {  	s22 =	simm.s32 $0x0;
	s4 =	sshll.u32 s4, $0x1;
	s5 =	sadd.s32 s21, s3  }
0x9d: {  	[timem:s22], [sflag:s6] =	dma.local [hbm:s5], s4  }
0x9e: {  	_ =	swait.ge [sflag:s6], s4  }
0x9f: {  	s4 =	ssub.s32 $0x0, s4;
	[sflag:s6] =	ssyncset.done $0x0  }
0xa0: {  	[sflag:s6] =	ssyncadd.s32 s4;
	_ =	sdelay $0x1  }
0xa1: {  	s23 =	simm.s32 $0x1B8B  }
0xa2: {  	_ =	swait.ge [sflag:s23], $0x1  }
0xa3: {  	[sflag:s23] =	ssyncset.done $0x0  }
0xa4: {  	[sflag:s23] =	ssyncadd.s32 $0xFFFFFFFF  }
0xa5: {  	s4 =	sld [smem:$0x0]  }
0xa6: {  	s5 =	sand.u32 $0xFFFFFFFE, s1  }
0xa7: {  	p0 =	sne.s32 s1, s5  }
0xa8: {  	s5 =	sshll.u32 @p0 s5, $0xE  }
0xa9: {  	s5 =	sadd.s32 @p0 $0x11B8D, s5;
	s6 =	sshll.u32 @p0 s4, $0x11  }
0xaa: {  	s5 =	sor.u32 @p0 s6, s5  }
0xab: {  	[sflag:s5] =	ssyncadd.remote.s32 @p0 $0x1;
	_ =	sdelay $0x1  }
0xac: {  	s5 =	simm.s32 @p0 $0x1B8D  }
0xad: {  	_ =	swait.eq @p0 [sflag:s5], $0x1  }
0xae: {  	[sflag:s5] =	ssyncadd.s32 @p0 $0xFFFFFFFF  }
0xaf: {  	s6 =	sshll.u32 @!p0 s1, $0xE  }
0xb0: {  	s6 =	sor.u32 @!p0 $0x4000, s6;
	s5 =	simm.s32 @!p0 $0x1B8D  }
0xb1: {  	s4 =	sshll.u32 @!p0 s4, $0x11;
	s6 =	sadd.s32 @!p0 $0x11B8D, s6;
	_ =	swait.eq @!p0 [sflag:s5], $0x1  }
0xb2: {  	s4 =	sor.u32 @!p0 s4, s6;
	[sflag:s5] =	ssyncadd.s32 @!p0 $0xFFFFFFFF  }
0xb3: {  	s25 =	simm.s32 $0x1B8E;
	s24 =	sld [smem:$0x3FFE];
	[sflag:s4] =	ssyncadd.remote.s32 @!p0 $0x1  }
0xb4: {  	s26 =	simm.s32 $execute0_lowered;
	[smem:$0x3FD2] =	sst s25  }
0xb5: {  	s5 =	sshll.u32 s26, $0x1;
	_ =	strace $0x80000049;
	[dreg:$0x1] =	wrdreg $0xFFFFFFFF  }
0xb6: {  	s28 =	simm.s32 $_size_execute0_lowered;
	s3 =	sadd.s32 s3, s5;
	[dreg:$0x0] =	wrdreg $0x0  }
0xb7: {  	s5 =	sshll.u32 s28, $0x1;
	[dreg:$0x2] =	wrdreg s3  }
0xb8: {  	[dreg:$0x3] =	wrdreg s5  }
0xb9: {  	[dreg:$0x4] =	wrdreg $0xC0  }
0xba: {  	_ =	task [dreg:s22], $0x5FFFF  }
0xbb: {  	[dreg:$0x1] =	wrdreg $0xFFFFFFFF  }
0xbc: {  	[dreg:$0x0] =	wrdreg $0x60  }
0xbd: {  	[dreg:$0x2] =	wrdreg s24  }
0xbe: {  	[dreg:$0x3] =	wrdreg $0xB  }
0xbf: {  	_ =	task.clear_ibuf [dreg:s22], $0x4FFFF;
	_ =	strace $0x90000049  }
0xc0: {  	s29 =	simm.s32 $0xB;
	_ =	strace $0x8000004B  }
0xc1: {  	_ =	swait.ge [sflag:s29], $0x1  }
0xc2: {  	[sflag:s29] =	ssyncadd.s32 $0xFFFFFFFF  }
0xc3: {  	_ =	strace $0x9000004B  }
0xc4: {  	_ =	sfence  }
0xc5: {  	s30 =	sld [smem:$0x0];
	_ =	sdelay $0x2  }
0xc6: {  	s31 =	sshll.u32 s1, $0xD;
	s1 =	sshrl.u32 s1, $0x2  }
0xc7: {  	s4 =	sand.u32 $0x4000, s31;
	s1 =	sadd.s32 s1, s30  }
0xc8: {  	s0 =	sor.u32 s4, s0;
	s1 =	sshll.u32 s1, $0x11  }
0xc9: {  	s0 =	sor.u32 s1, s0  }
0xca: {  	s0 =	sadd.s32 $0x8F2B, s0  }
0xcb: {  	[sflag:s0] =	ssyncadd.remote.s32 $0x1  }
0xcc: {  	_ =	sfence.sel $0xFFFF  }
0xcd: {  	[dreg:$0x0] =	wrdreg $0xFFFFFFFF;
	(pc) =	sbr.abs _section_cstart, $3  }
0xce: {  	[dreg:$0x1] =	wrdreg $0xFFFFFFFF  }
0xcf: {  	_ =	task.clear_ibuf [dreg:s22], $0x2FFFF;
	_ =	strace $0x9FFFFFFF  }
0xd0: {  	(tm) =	ssettm $0x7FFFFFFF  }
0xd1: {  	_ =	shalt  }
tec
execute0_lowered:
.L_overlay_start_1:
0x0: {  	(tag) =	ssettag $0x1  }
0x1: {  	s1 =	srdreg.scid;
	s0 =	stileid.u32  }
0x2: {  	s21 =	sand.u32 $0x1, s1;
	s28 =	sshll.u32 s0, $0x1  }
0x3: {  	s11 =	sor.u32 s21, s28  }
0x4: {  	s20 =	smul.u32 $0x840, s11  }
0x5: {  	s14 =	rddreg [dreg:$0x0];
	s2 =	simm.s32 $0x0;
	s3 =	simm.s32 $0x2  }
0x6: {  	[smem:$0x7FF] =	sst s2;
	s19 =	sadd.s32 $0x115800, s14;
	s5 =	sshrl.u32 s20, $0x3  }
0x7: {  	s1 =	rddreg [dreg:$0x1];
	_ =	strace $0x8000004A;
	s4 =	sadd.s32 s19, s5  }
0x8: {  	[tilespmem:s2], [sflag:$0x2] =	stream.linear.gather [hbm4b:s4+s2], $0x2C0, $0x38;
	[tilespmem:$0x16580] =	vst v63  }
0x9: {  	_ =	swait.ge [sflag:s3], $0x2C0  }
0xa: {  	s22 =	sadd.s32 $0x113600, s14;
	[sflag:s3] =	ssyncset.done $0x0  }
0xb: {  	s6 =	simm.s32 $0x2C0;
	s5 =	sadd.s32 s22, s5;
	[sflag:s3] =	ssyncadd.s32 $0xFFFFFD40  }
0xc: {  	[tilespmem:s6], [sflag:$0x2] =	stream.linear.gather [hbm4b:s5+s2], $0x2C0, $0x38;
	[tilespmem:$0x16580] =	vst v63  }
0xd: {  	_ =	swait.ge [sflag:s3], $0x2C0  }
0xe: {  	[sflag:s3] =	ssyncset.done $0x0  }
0xf: {  	s8 =	simm.s32 $0x580;
	s7 =	sadd.s32 $0x192000, s14;
	[sflag:s3] =	ssyncadd.s32 $0xFFFFFD40  }
0x10: {  	[tilespmem:s8], [sflag:$0x1] =	stream.indirect.gather [hbm4b:s7+s6], $0x40, s2, s6, $0xb8;
	[tilespmem:$0x16580] =	vst v63  }
0x11: {  	s9 =	simm.s32 $0xB580;
	s10 =	simm.s32 $0x1  }
0x12: {  	[tilespmem:s9], [sflag:$0x1] =	stream.indirect.gather [hbm4b:s7+s6], $0x40, s6, s6, $0xb8;
	[tilespmem:$0x16580] =	vst v63  }
0x13: {  	_ =	swait.ge [sflag:s10], $0xB000  }
0x14: {  	[sflag:s10] =	ssyncset.done $0x0  }
0x15: {  	[sflag:s10] =	ssyncadd.s32 $0xFFFF5000  }
0x16: {  	s15 =	smul.u32 $0x8400, s11;
	_ =	swait.ge [sflag:s10], $0xB000  }
0x17: {  	s12 =	simm.s32 $0x40;
	s23 =	sadd.s32 $0x255600, s14;
	[sflag:s10] =	ssyncset.done $0x0  }
0x18: {  	s13 =	simm.s32 $0x80;
	s11 =	sadd.s32 s23, s15;
	[sflag:s10] =	ssyncadd.s32 $0xFFFF5000  }
0x19: {  	[hbm4b:s11+s12] =	stream.strided.scatter [tilespmem:s8], [sflag:$0x2], $0xB000, s13, s12, $0x38;
	[tilespmem:$0x16580] =	vst v63  }
0x1a: {  	_ =	swait.ge [sflag:s3], $0xB000  }
0x1b: {  	s24 =	sadd.s32 $0x255608, s14;
	[sflag:s3] =	ssyncset.done $0x0  }
0x1c: {  	s14 =	sadd.s32 s15, s24;
	[sflag:s3] =	ssyncadd.s32 $0xFFFF5000  }
0x1d: {  	[hbm4b:s14+s12] =	stream.strided.scatter [tilespmem:s9], [sflag:$0x2], $0xB000, s13, s12, $0x38;
	[tilespmem:$0x16580] =	vst v63  }
0x1e: {  	s17 =	sadd.s32 $0x2C0, s20;
	_ =	swait.ge [sflag:s3], $0xB000  }
0x1f: {  	s16 =	sshrl.u32 s17, $0x3;
	[sflag:s3] =	ssyncset.done $0x0  }
0x20: {  	s15 =	sadd.s32 s19, s16;
	[sflag:s3] =	ssyncadd.s32 $0xFFFF5000  }
0x21: {  	[tilespmem:s2], [sflag:$0x2] =	stream.linear.gather [hbm4b:s15+s2], $0x2C0, $0x38;
	[tilespmem:$0x16580] =	vst v63  }
0x22: {  	_ =	swait.ge [sflag:s3], $0x2C0  }
0x23: {  	[sflag:s3] =	ssyncset.done $0x0  }
0x24: {  	s16 =	sadd.s32 s22, s16;
	[sflag:s3] =	ssyncadd.s32 $0xFFFFFD40  }
0x25: {  	[tilespmem:s6], [sflag:$0x2] =	stream.linear.gather [hbm4b:s16+s2], $0x2C0, $0x38;
	[tilespmem:$0x16580] =	vst v63  }
0x26: {  	_ =	swait.ge [sflag:s3], $0x2C0  }
0x27: {  	[sflag:s3] =	ssyncset.done $0x0  }
0x28: {  	[sflag:s3] =	ssyncadd.s32 $0xFFFFFD40  }
0x29: {  	[tilespmem:s8], [sflag:$0x1] =	stream.indirect.gather [hbm4b:s7+s6], $0x40, s2, s6, $0xb8;
	[tilespmem:$0x16580] =	vst v63  }
0x2a: {  	_ = 	snop  }
0x2b: {  	[tilespmem:s9], [sflag:$0x1] =	stream.indirect.gather [hbm4b:s7+s6], $0x40, s6, s6, $0xb8;
	[tilespmem:$0x16580] =	vst v63  }
0x2c: {  	_ =	swait.ge [sflag:s10], $0xB000  }
0x2d: {  	[sflag:s10] =	ssyncset.done $0x0  }
0x2e: {  	[sflag:s10] =	ssyncadd.s32 $0xFFFF5000  }
0x2f: {  	_ =	swait.ge [sflag:s10], $0xB000  }
0x30: {  	s18 =	sshll.u32 s17, $0x4;
	[sflag:s10] =	ssyncset.done $0x0  }
0x31: {  	s17 =	sadd.s32 s23, s18;
	[sflag:s10] =	ssyncadd.s32 $0xFFFF5000  }
0x32: {  	[hbm4b:s17+s12] =	stream.strided.scatter [tilespmem:s8], [sflag:$0x2], $0xB000, s13, s12, $0x38;
	[tilespmem:$0x16580] =	vst v63  }
0x33: {  	_ =	swait.ge [sflag:s3], $0xB000  }
0x34: {  	[sflag:s3] =	ssyncset.done $0x0  }
0x35: {  	s18 =	sadd.s32 s18, s24;
	[sflag:s3] =	ssyncadd.s32 $0xFFFF5000  }
0x36: {  	[hbm4b:s18+s12] =	stream.strided.scatter [tilespmem:s9], [sflag:$0x2], $0xB000, s13, s12, $0x38;
	[tilespmem:$0x16580] =	vst v63  }
0x37: {  	s25 =	sadd.s32 $0x580, s20;
	_ =	swait.ge [sflag:s3], $0xB000  }
0x38: {  	s20 =	sshrl.u32 s25, $0x3;
	[sflag:s3] =	ssyncset.done $0x0  }
0x39: {  	s19 =	sadd.s32 s19, s20;
	[sflag:s3] =	ssyncadd.s32 $0xFFFF5000  }
0x3a: {  	[tilespmem:s2], [sflag:$0x2] =	stream.linear.gather [hbm4b:s19+s2], $0x2C0, $0x38;
	[tilespmem:$0x16580] =	vst v63  }
0x3b: {  	_ =	swait.ge [sflag:s3], $0x2C0  }
0x3c: {  	[sflag:s3] =	ssyncset.done $0x0  }
0x3d: {  	s20 =	sadd.s32 s22, s20;
	[sflag:s3] =	ssyncadd.s32 $0xFFFFFD40  }
0x3e: {  	[tilespmem:s6], [sflag:$0x2] =	stream.linear.gather [hbm4b:s20+s2], $0x2C0, $0x38;
	[tilespmem:$0x16580] =	vst v63  }
0x3f: {  	_ =	swait.ge [sflag:s3], $0x2C0  }
0x40: {  	[sflag:s3] =	ssyncset.done $0x0  }
0x41: {  	[sflag:s3] =	ssyncadd.s32 $0xFFFFFD40  }
0x42: {  	[tilespmem:s8], [sflag:$0x1] =	stream.indirect.gather [hbm4b:s7+s6], $0x40, s2, s6, $0xb8;
	[tilespmem:$0x16580] =	vst v63  }
0x43: {  	_ = 	snop  }
0x44: {  	[tilespmem:s9], [sflag:$0x1] =	stream.indirect.gather [hbm4b:s7+s6], $0x40, s6, s6, $0xb8;
	[tilespmem:$0x16580] =	vst v63  }
0x45: {  	_ =	swait.ge [sflag:s10], $0xB000  }
0x46: {  	[sflag:s10] =	ssyncset.done $0x0  }
0x47: {  	s30 =	ssub.s32 $0x2, s21;
	[sflag:s10] =	ssyncadd.s32 $0xFFFF5000  }
0x48: {  	s31 =	sshrl.u32 s30, $0x1;
	s29 =	sshll.u32 s25, $0x4;
	_ =	swait.ge [sflag:s10], $0xB000  }
0x49: {  	s21 =	sadd.s32 s23, s29;
	s23 =	ssub.s32 s30, s31;
	[sflag:s10] =	ssyncset.done $0x0  }
0x4a: {  	s23 =	smax.u32 s23, $0x1;
	[sflag:s10] =	ssyncadd.s32 $0xFFFF5000  }
0x4b: {  	[hbm4b:s21+s12] =	stream.strided.scatter [tilespmem:s8], [sflag:$0x2], $0xB000, s13, s12, $0x38;
	[tilespmem:$0x16580] =	vst v63  }
0x4c: {  	p0 =	sne.s32 s23, $0x1;
	_ =	swait.ge [sflag:s3], $0xB000  }
.Ltmp0:
0x4d: {  	[sflag:s3] =	ssyncset.done $0x0;
	(pc) =	sbr.rel @!p0 .LBB2_2-.Ltmp0, $4  }
0x4e: {  	s22 =	sadd.s32 s29, s24;
	[sflag:s3] =	ssyncadd.s32 $0xFFFF5000  }
0x4f: {  	[hbm4b:s22+s12] =	stream.strided.scatter [tilespmem:s9], [sflag:$0x2], $0xB000, s13, s12, $0x38;
	[tilespmem:$0x16580] =	vst v63  }
0x50: {  	_ =	swait.ge [sflag:s3], $0xB000  }
0x51: {  	s23 =	sadd.s32 $0xFFFFFFFF, s23;
	[sflag:s3] =	ssyncset.done $0x0  }
.LBB2_1:
0x52: {  	p0 =	sne.s32 s23, $0x1;
	s23 =	sadd.s32 $0xFFFFFFFF, s23;
	[sflag:s3] =	ssyncadd.s32 $0xFFFF5000  }
0x53: {  	[tilespmem:s2], [sflag:$0x2] =	stream.linear.gather [hbm4b:s4+s2], $0x2C0, $0x38;
	[tilespmem:$0x16580] =	vst v63  }
0x54: {  	_ =	swait.ge [sflag:s3], $0x2C0  }
0x55: {  	[sflag:s3] =	ssyncset.done $0x0  }
0x56: {  	[sflag:s3] =	ssyncadd.s32 $0xFFFFFD40  }
0x57: {  	[tilespmem:s6], [sflag:$0x2] =	stream.linear.gather [hbm4b:s5+s2], $0x2C0, $0x38;
	[tilespmem:$0x16580] =	vst v63  }
0x58: {  	_ =	swait.ge [sflag:s3], $0x2C0  }
0x59: {  	[sflag:s3] =	ssyncset.done $0x0  }
0x5a: {  	[sflag:s3] =	ssyncadd.s32 $0xFFFFFD40  }
0x5b: {  	[tilespmem:s8], [sflag:$0x1] =	stream.indirect.gather [hbm4b:s7+s6], $0x40, s2, s6, $0xb8;
	[tilespmem:$0x16580] =	vst v63  }
0x5c: {  	_ = 	snop  }
0x5d: {  	[tilespmem:s9], [sflag:$0x1] =	stream.indirect.gather [hbm4b:s7+s6], $0x40, s6, s6, $0xb8;
	[tilespmem:$0x16580] =	vst v63  }
0x5e: {  	_ =	swait.ge [sflag:s10], $0xB000  }
0x5f: {  	[sflag:s10] =	ssyncset.done $0x0  }
0x60: {  	[sflag:s10] =	ssyncadd.s32 $0xFFFF5000  }
0x61: {  	_ =	swait.ge [sflag:s10], $0xB000  }
0x62: {  	[sflag:s10] =	ssyncset.done $0x0  }
0x63: {  	[sflag:s10] =	ssyncadd.s32 $0xFFFF5000  }
0x64: {  	[hbm4b:s11+s12] =	stream.strided.scatter [tilespmem:s8], [sflag:$0x2], $0xB000, s13, s12, $0x38;
	[tilespmem:$0x16580] =	vst v63  }
0x65: {  	_ =	swait.ge [sflag:s3], $0xB000  }
0x66: {  	[sflag:s3] =	ssyncset.done $0x0  }
0x67: {  	[sflag:s3] =	ssyncadd.s32 $0xFFFF5000  }
0x68: {  	[hbm4b:s14+s12] =	stream.strided.scatter [tilespmem:s9], [sflag:$0x2], $0xB000, s13, s12, $0x38;
	[tilespmem:$0x16580] =	vst v63  }
0x69: {  	_ =	swait.ge [sflag:s3], $0xB000  }
0x6a: {  	[sflag:s3] =	ssyncset.done $0x0  }
0x6b: {  	[sflag:s3] =	ssyncadd.s32 $0xFFFF5000  }
0x6c: {  	[tilespmem:s2], [sflag:$0x2] =	stream.linear.gather [hbm4b:s15+s2], $0x2C0, $0x38;
	[tilespmem:$0x16580] =	vst v63  }
0x6d: {  	_ =	swait.ge [sflag:s3], $0x2C0  }
0x6e: {  	[sflag:s3] =	ssyncset.done $0x0  }
0x6f: {  	[sflag:s3] =	ssyncadd.s32 $0xFFFFFD40  }
0x70: {  	[tilespmem:s6], [sflag:$0x2] =	stream.linear.gather [hbm4b:s16+s2], $0x2C0, $0x38;
	[tilespmem:$0x16580] =	vst v63  }
0x71: {  	_ =	swait.ge [sflag:s3], $0x2C0  }
0x72: {  	[sflag:s3] =	ssyncset.done $0x0  }
0x73: {  	[sflag:s3] =	ssyncadd.s32 $0xFFFFFD40  }
0x74: {  	[tilespmem:s8], [sflag:$0x1] =	stream.indirect.gather [hbm4b:s7+s6], $0x40, s2, s6, $0xb8;
	[tilespmem:$0x16580] =	vst v63  }
0x75: {  	_ = 	snop  }
0x76: {  	[tilespmem:s9], [sflag:$0x1] =	stream.indirect.gather [hbm4b:s7+s6], $0x40, s6, s6, $0xb8;
	[tilespmem:$0x16580] =	vst v63  }
0x77: {  	_ =	swait.ge [sflag:s10], $0xB000  }
0x78: {  	[sflag:s10] =	ssyncset.done $0x0  }
0x79: {  	[sflag:s10] =	ssyncadd.s32 $0xFFFF5000  }
0x7a: {  	_ =	swait.ge [sflag:s10], $0xB000  }
0x7b: {  	[sflag:s10] =	ssyncset.done $0x0  }
0x7c: {  	[sflag:s10] =	ssyncadd.s32 $0xFFFF5000  }
0x7d: {  	[hbm4b:s17+s12] =	stream.strided.scatter [tilespmem:s8], [sflag:$0x2], $0xB000, s13, s12, $0x38;
	[tilespmem:$0x16580] =	vst v63  }
0x7e: {  	_ =	swait.ge [sflag:s3], $0xB000  }
0x7f: {  	[sflag:s3] =	ssyncset.done $0x0  }
0x80: {  	[sflag:s3] =	ssyncadd.s32 $0xFFFF5000  }
0x81: {  	[hbm4b:s18+s12] =	stream.strided.scatter [tilespmem:s9], [sflag:$0x2], $0xB000, s13, s12, $0x38;
	[tilespmem:$0x16580] =	vst v63  }
0x82: {  	_ =	swait.ge [sflag:s3], $0xB000  }
0x83: {  	[sflag:s3] =	ssyncset.done $0x0  }
0x84: {  	[sflag:s3] =	ssyncadd.s32 $0xFFFF5000  }
0x85: {  	[tilespmem:s2], [sflag:$0x2] =	stream.linear.gather [hbm4b:s19+s2], $0x2C0, $0x38;
	[tilespmem:$0x16580] =	vst v63  }
0x86: {  	_ =	swait.ge [sflag:s3], $0x2C0  }
0x87: {  	[sflag:s3] =	ssyncset.done $0x0  }
0x88: {  	[sflag:s3] =	ssyncadd.s32 $0xFFFFFD40  }
0x89: {  	[tilespmem:s6], [sflag:$0x2] =	stream.linear.gather [hbm4b:s20+s2], $0x2C0, $0x38;
	[tilespmem:$0x16580] =	vst v63  }
0x8a: {  	_ =	swait.ge [sflag:s3], $0x2C0  }
0x8b: {  	[sflag:s3] =	ssyncset.done $0x0  }
0x8c: {  	[sflag:s3] =	ssyncadd.s32 $0xFFFFFD40  }
0x8d: {  	[tilespmem:s8], [sflag:$0x1] =	stream.indirect.gather [hbm4b:s7+s6], $0x40, s2, s6, $0xb8;
	[tilespmem:$0x16580] =	vst v63  }
0x8e: {  	_ = 	snop  }
0x8f: {  	[tilespmem:s9], [sflag:$0x1] =	stream.indirect.gather [hbm4b:s7+s6], $0x40, s6, s6, $0xb8;
	[tilespmem:$0x16580] =	vst v63  }
0x90: {  	_ =	swait.ge [sflag:s10], $0xB000  }
0x91: {  	[sflag:s10] =	ssyncset.done $0x0  }
0x92: {  	[sflag:s10] =	ssyncadd.s32 $0xFFFF5000  }
0x93: {  	_ =	swait.ge [sflag:s10], $0xB000  }
0x94: {  	[sflag:s10] =	ssyncset.done $0x0  }
0x95: {  	[sflag:s10] =	ssyncadd.s32 $0xFFFF5000  }
0x96: {  	[hbm4b:s21+s12] =	stream.strided.scatter [tilespmem:s8], [sflag:$0x2], $0xB000, s13, s12, $0x38;
	[tilespmem:$0x16580] =	vst v63  }
0x97: {  	_ =	swait.ge [sflag:s3], $0xB000  }
.Ltmp1:
0x98: {  	[sflag:s3] =	ssyncset.done $0x0;
	(pc) =	sbr.rel @p0 .LBB2_1-.Ltmp1, $4  }
0x99: {  	[sflag:s3] =	ssyncadd.s32 $0xFFFF5000  }
0x9a: {  	[hbm4b:s22+s12] =	stream.strided.scatter [tilespmem:s9], [sflag:$0x2], $0xB000, s13, s12, $0x38;
	[tilespmem:$0x16580] =	vst v63  }
0x9b: {  	_ =	swait.ge [sflag:s3], $0xB000  }
0x9c: {  	[sflag:s3] =	ssyncset.done $0x0  }
.LBB2_2:
0x9d: {  	[sflag:s3] =	ssyncadd.s32 $0xFFFF5000  }
0x9e: {  	_ =	sfence.sel $0x180000  }
0x9f: {  	[bflag:$0x0] =	sbarrier.arrive $0xFFFF  }
0xa0: {  	p0 =	sne.s32 s0, $0x0;
	_ =	strace $0x9000004A  }
0xa1: {  	s0 =	sadd.s32 @!p0 $0x100000, s1;
	[bflag:$0x2] =	sbarrier.arrive $0xFFFF  }
0xa2: {  	[sflag:s0] =	ssyncadd.tile.s32 @!p0 $0x1;
	_ =	shalt  }
.Lfunc_end2:
_tile_overlayer_lowered:
.L_overlay_start_2:
0xa3: {  	(tag) =	ssettag $0x2  }
0xa4: {  	s0 =	rddreg [dreg:$0x0];
	s2 =	stileid.u32  }
0xa5: {  	s1 =	rddreg [dreg:$0x1];
	p0 =	sne.s32 s2, $0x0  }
0xa6: {  	s3 =	rddreg [dreg:$0x2];
	[bflag:$0x3] =	sbarrier.arrive $0xFFFF;
	s2 =	simm.s32 @!p0 $0x1C02  }
0xa7: {  	[timem:s3], [sflag:s2] =	dma.local @!p0 [hbm:s0], s1  }
0xa8: {  	s0 =	simm.s32 @!p0 $0x2  }
0xa9: {  	_ =	swait.ge @!p0 [sflag:s0], s1  }
0xaa: {  	s1 =	ssub.s32 @!p0 $0x0, s1;
	[sflag:s0] =	ssyncset.done @!p0 $0x0  }
0xab: {  	[sflag:s0] =	ssyncadd.s32 @!p0 s1  }
0xac: {  	[bflag:$0x3] =	sbarrier.arrive $0xFFFF  }
0xad: {  	_ =	shalt  }

// kernel: kernel.19.cloned.1.call-start
scs
__scs_entry_jumppad:
0x0: {  	(pc) =	sbr.rel $0x88, $3  }
0x1: {  	(tag) =	ssettag $0x0;
	lr =	simm.s32 $0x1  }
0x2: {  	[smem:$0x3F99] =	sst lr;
	_ =	strace $0xD0000000  }
0x3: {  	_ = 	snop  }
0x4: {  	_ = 	snop  }
0x5: {  	_ = 	snop  }
0x6: {  	_ = 	snop  }
0x7: {  	_ = 	snop  }
__scs_overlays_trampoline_lowered:
0x8: {  	[smem:$0x3FA8] =	sst s0  }
0x9: {  	[smem:$0x3FA9] =	sst s1  }
0xa: {  	[smem:$0x3FAA] =	sst s2  }
0xb: {  	[smem:$0x3FAB] =	sst s3  }
0xc: {  	[smem:$0x3FAC] =	sst s4  }
0xd: {  	[smem:$0x3FAD] =	sst s5  }
0xe: {  	[smem:$0x3FAE] =	sst s6  }
0xf: {  	[smem:$0x3FAF] =	sst s7  }
0x10: {  	[smem:$0x3FB0] =	sst s8  }
0x11: {  	[smem:$0x3FB1] =	sst s9;
	s0 =	simm.s32 @!p0 $0x0  }
0x12: {  	s1 =	sld [smem:$0x3F97];
	s0 =	simm.s32 @p0 $0x1  }
0x13: {  	[smem:$0x3FB2] =	sst s0;
	s0 =	simm.s32 @!p1 $0x0  }
0x14: {  	s2 =	sld [smem:$0x3F96];
	s0 =	simm.s32 @p1 $0x1  }
0x15: {  	[smem:$0x3FB3] =	sst s0;
	s0 =	simm.s32 @!p2 $0x0  }
0x16: {  	s3 =	sld [smem:$0x3FDB];
	s0 =	simm.s32 @p2 $0x1  }
0x17: {  	s4 =	simm.s32 $0x1BF5;
	[smem:$0x3FB5] =	sst s0  }
0x18: {  	s0 =	sld [smem:$0x3F98];
	_ =	swait.ge [sflag:s4], $0x0  }
0x19: {  	s7 =	sld [smem:$0x3F99]  }
0x1a: {  	s8 =	sadd.s32 $0xFFFFE003, lr  }
0x1b: {  	s9 =	sadd.s32 $0xFFFFFEF7, lr;
	s5 =	simm.s32 $0xFFFFFFFF;
	p2 =	slt.u32 s8, $0xFFFFF086  }
0x1c: {  	p1 =	slt.u32 s9, $0xF7A;
	s5 =	simm.s32 @!p2 $0x0  }
0x1d: {  	s5 =	simm.s32 @p1 $0x1;
	p0 =	seq.s32 s7, s2  }
0x1e: {  	s7 =	smul.u32 @!p0 $0xF7A, s2;
	p2 =	seq.s32 @!p0 s5, $0x0  }
0x1f: {  	s9 =	smul.u32 $0xF7A, s1;
	s8 =	simm.s32 @!p0 $0x1BF5;
	p2 =	por !p2, p0  }
0x20: {  	[sflag:s8] =	ssyncset.s32 @!p0 $0xFFFFF086;
	s6 =	sadd.s32 @!p0 s3, s7;
	s7 =	simm.s32 @!p0 $0x108  }
0x21: {  	s3 =	sadd.s32 s3, s9;
	s6 =	sadd.s32 @!p0 $0x88, s6;
	s7 =	simm.s32 @p2 $0x1082  }
0x22: {  	[simem:s7], [sflag:s8] =	dma.local @!p0 [hbm:s6], $0xF7A  }
0x23: {  	s9 =	sor.u32 $0xD0000000, s2;
	s6 =	simm.s32 $0x108;
	_ =	swait.ge @!p0 [sflag:s8], $0x0  }
0x24: {  	s3 =	sadd.s32 $0x88, s3;
	s6 =	simm.s32 @!p1 $0x1082;
	[sflag:s4] =	ssyncset.s32 $0xFFFFF086  }
0x25: {  	[simem:s6], [sflag:s4] =	dma.local [hbm:s3], $0xF7A  }
0x26: {  	[smem:$0x3F99] =	sst s1;
	(tag) =	ssettag s2;
	_ =	strace s9  }
0x27: {  	s1 =	sld [smem:$0x3FA9]  }
0x28: {  	s2 =	sld [smem:$0x3FAA]  }
0x29: {  	s4 =	sld [smem:$0x3FAC]  }
0x2a: {  	p0 =	seq.s32 s5, $0x0;
	s5 =	sld [smem:$0x3FAD]  }
0x2b: {  	s6 =	sld [smem:$0x3FAE]  }
0x2c: {  	s7 =	sld [smem:$0x3FAF]  }
0x2d: {  	s3 =	simm.s32 $0x108;
	s8 =	sld [smem:$0x3FB0]  }
0x2e: {  	s3 =	simm.s32 @!p0 $0x1082;
	s9 =	sld [smem:$0x3FB1]  }
0x2f: {  	lr =	sadd.s32 s0, s3;
	s0 =	sld [smem:$0x3FA8]  }
0x30: {  	s3 =	sld [smem:$0x3FAB]  }
0x31: {  	[smem:$0x3FB4] =	sst s10  }
0x32: {  	s10 =	sld [smem:$0x3FB2];
	_ =	sdelay $0x3  }
0x33: {  	p0 =	seq.s32 s10, $0x1;
	s10 =	sld [smem:$0x3FB4];
	_ =	sdelay $0x3  }
0x34: {  	[smem:$0x3FB4] =	sst s10  }
0x35: {  	s10 =	sld [smem:$0x3FB3];
	_ =	sdelay $0x3  }
0x36: {  	p1 =	seq.s32 s10, $0x1;
	s10 =	sld [smem:$0x3FB4];
	_ =	sdelay $0x3  }
0x37: {  	[smem:$0x3FB4] =	sst s10  }
0x38: {  	s10 =	sld [smem:$0x3FB5]  }
0x39: {  	_ = 	snop;
	(pc) =	sbr.ind lr, $3  }
0x3a: {  	_ = 	snop  }
0x3b: {  	_ = 	snop  }
0x3c: {  	p2 =	seq.s32 s10, $0x1;
	s10 =	sld [smem:$0x3FB4]  }
0x3d: {  	_ =	shalt  }
0x3e: {  	_ =	shalt  }
0x3f: {  	_ =	shalt  }
0x40: {  	_ =	shalt  }
0x41: {  	_ =	shalt  }
0x42: {  	_ =	shalt  }
0x43: {  	_ =	shalt  }
0x44: {  	_ =	shalt  }
0x45: {  	_ =	shalt  }
0x46: {  	_ =	shalt  }
0x47: {  	_ =	shalt  }
0x48: {  	_ =	shalt  }
0x49: {  	_ =	shalt  }
0x4a: {  	_ =	shalt  }
0x4b: {  	_ =	shalt  }
0x4c: {  	_ =	shalt  }
0x4d: {  	_ =	shalt  }
0x4e: {  	_ =	shalt  }
0x4f: {  	_ =	shalt  }
0x50: {  	_ =	shalt  }
0x51: {  	_ =	shalt  }
0x52: {  	_ =	shalt  }
0x53: {  	_ =	shalt  }
0x54: {  	_ =	shalt  }
0x55: {  	_ =	shalt  }
0x56: {  	_ =	shalt  }
0x57: {  	_ =	shalt  }
0x58: {  	_ =	shalt  }
0x59: {  	_ =	shalt  }
0x5a: {  	_ =	shalt  }
0x5b: {  	_ =	shalt  }
0x5c: {  	_ =	shalt  }
0x5d: {  	_ =	shalt  }
0x5e: {  	_ =	shalt  }
0x5f: {  	_ =	shalt  }
0x60: {  	_ =	shalt  }
0x61: {  	_ =	shalt  }
0x62: {  	_ =	shalt  }
0x63: {  	_ =	shalt  }
0x64: {  	_ =	shalt  }
0x65: {  	_ =	shalt  }
0x66: {  	_ =	shalt  }
0x67: {  	_ =	shalt  }
0x68: {  	_ =	shalt  }
0x69: {  	_ =	shalt  }
0x6a: {  	_ =	shalt  }
0x6b: {  	_ =	shalt  }
0x6c: {  	_ =	shalt  }
0x6d: {  	_ =	shalt  }
0x6e: {  	_ =	shalt  }
0x6f: {  	_ =	shalt  }
0x70: {  	_ =	shalt  }
0x71: {  	_ =	shalt  }
0x72: {  	_ =	shalt  }
0x73: {  	_ =	shalt  }
0x74: {  	_ =	shalt  }
0x75: {  	_ =	shalt  }
0x76: {  	_ =	shalt  }
0x77: {  	_ =	shalt  }
0x78: {  	_ =	shalt  }
0x79: {  	_ =	shalt  }
0x7a: {  	_ =	shalt  }
0x7b: {  	_ =	shalt  }
0x7c: {  	_ =	shalt  }
0x7d: {  	_ =	shalt  }
0x7e: {  	_ =	shalt  }
0x7f: {  	_ =	shalt  }
0x80: {  	_ =	shalt  }
0x81: {  	_ =	shalt  }
0x82: {  	_ =	shalt  }
0x83: {  	_ =	shalt  }
0x84: {  	_ =	shalt  }
0x85: {  	_ =	shalt  }
0x86: {  	_ =	shalt  }
0x87: {  	_ =	shalt  }
.Lfunc_end0:
.L_simem_size_0:
called_computation.3_lowered:
.L_overlay_start_0:
0x88: {  	s2 =	sld [smem:$0x3FD9]  }
0x89: {  	s3 =	sld [smem:$0x3FFE];
	_ =	sdelay $0x1  }
0x8a: {  	s1 =	srdreg.scid  }
0x8b: {  	s0 =	sand.u32 $0x1, s1  }
0x8c: {  	s16 =	sshll.u32 s0, $0xA;
	s2 =	sadd.s32 s3, s2  }
0x8d: {  	s2 =	sadd.s32 s2, s16  }
0x8e: {  	[smem:$0x3FC0] =	sst s2  }
0x8f: {  	_ = 	snop  }
0x90: {  	(tm) =	ssettm $0x1  }
0x91: {  	s17 =	sld [smem:$0x3FFB];
	_ =	sdelay $0x3  }
0x92: {  	_ =	strace s17  }
0x93: {  	s2 =	sld [smem:$0x3FFC];
	_ =	sdelay $0x3  }
0x94: {  	_ =	strace s2  }
0x95: {  	s2 =	sld [smem:$0x3FFD];
	_ =	sdelay $0x3  }
0x96: {  	_ =	strace s2  }
0x97: {  	_ =	strace $0x8FFFFFFF  }
0x98: {  	s18 =	sld [smem:$0x3FDB];
	_ =	sdelay $0x1  }
0x99: {  	s19 =	simm.s32 $_scs_section_size  }
0x9a: {  	s4 =	simm.s32 $_size__tile_overlayer_lowered;
	s5 =	simm.s32 $_tile_overlayer_lowered  }
0x9b: {  	s22 =	simm.s32 $0x1BFF;
	s21 =	sshll.u32 s5, $0x1;
	s2 =	sadd.s32 s19, s18  }
0x9c: {  	s6 =	simm.s32 $0x0;
	s20 =	sshll.u32 s4, $0x1;
	s4 =	sadd.s32 s21, s2  }
0x9d: {  	[timem:s6], [sflag:s22] =	dma.local [hbm:s4], s20  }
0x9e: {  	_ =	swait.ge [sflag:s22], s20  }
0x9f: {  	s3 =	ssub.s32 $0x0, s20;
	[sflag:s22] =	ssyncset.done $0x0  }
0xa0: {  	[sflag:s22] =	ssyncadd.s32 s3;
	_ =	sdelay $0x1  }
0xa1: {  	s23 =	simm.s32 $0x1B8B  }
0xa2: {  	_ =	swait.ge [sflag:s23], $0x1  }
0xa3: {  	[sflag:s23] =	ssyncset.done $0x0  }
0xa4: {  	s25 =	simm.s32 $0x1B8E;
	s24 =	sld [smem:$0x3FFE];
	[sflag:s23] =	ssyncadd.s32 $0xFFFFFFFF  }
0xa5: {  	s26 =	simm.s32 $execute0_lowered;
	[smem:$0x3FD2] =	sst s25  }
0xa6: {  	s4 =	sshll.u32 s26, $0x1;
	_ =	strace $0x80000046;
	[dreg:$0x1] =	wrdreg $0xFFFFFFFF  }
0xa7: {  	s28 =	simm.s32 $_size_execute0_lowered;
	s2 =	sadd.s32 s2, s4;
	[dreg:$0x0] =	wrdreg $0x0  }
0xa8: {  	s4 =	sshll.u32 s28, $0x1;
	[dreg:$0x2] =	wrdreg s2  }
0xa9: {  	[dreg:$0x3] =	wrdreg s4  }
0xaa: {  	[dreg:$0x4] =	wrdreg $0xC0  }
0xab: {  	_ =	task [dreg:s6], $0x5FFFF  }
0xac: {  	[dreg:$0x1] =	wrdreg $0xFFFFFFFF  }
0xad: {  	[dreg:$0x0] =	wrdreg $0x60  }
0xae: {  	[dreg:$0x2] =	wrdreg s24  }
0xaf: {  	[dreg:$0x3] =	wrdreg $0xC  }
0xb0: {  	_ =	task.clear_ibuf [dreg:s6], $0x4FFFF;
	_ =	strace $0x90000046  }
0xb1: {  	s29 =	simm.s32 $0xC;
	_ =	strace $0x80000048  }
0xb2: {  	_ =	swait.ge [sflag:s29], $0x1  }
0xb3: {  	[sflag:s29] =	ssyncadd.s32 $0xFFFFFFFF  }
0xb4: {  	_ =	strace $0x90000048  }
0xb5: {  	_ =	sfence  }
0xb6: {  	s30 =	sld [smem:$0x0];
	_ =	sdelay $0x2  }
0xb7: {  	s31 =	sshll.u32 s1, $0xD;
	s1 =	sshrl.u32 s1, $0x2  }
0xb8: {  	s3 =	sand.u32 $0x4000, s31;
	s1 =	sadd.s32 s1, s30  }
0xb9: {  	s0 =	sor.u32 s3, s0;
	s1 =	sshll.u32 s1, $0x11  }
0xba: {  	s0 =	sor.u32 s1, s0  }
0xbb: {  	s0 =	sadd.s32 $0x8F2B, s0  }
0xbc: {  	[sflag:s0] =	ssyncadd.remote.s32 $0x1  }
0xbd: {  	_ =	sfence.sel $0xFFFF  }
0xbe: {  	[dreg:$0x0] =	wrdreg $0xFFFFFFFF;
	(pc) =	sbr.abs _section_cstart, $3  }
0xbf: {  	[dreg:$0x1] =	wrdreg $0xFFFFFFFF  }
0xc0: {  	_ =	task.clear_ibuf [dreg:s6], $0x2FFFF;
	_ =	strace $0x9FFFFFFF  }
0xc1: {  	(tm) =	ssettm $0x7FFFFFFF  }
tec
execute0_lowered:
.L_overlay_start_1:
0x0: {  	(tag) =	ssettag $0x1  }
0x1: {  	s1 =	srdreg.scid;
	s0 =	stileid.u32  }
0x2: {  	s21 =	sand.u32 $0x1, s1;
	s28 =	sshll.u32 s0, $0x1  }
0x3: {  	s11 =	sor.u32 s21, s28  }
0x4: {  	s20 =	smul.u32 $0x840, s11  }
0x5: {  	s14 =	rddreg [dreg:$0x0];
	s2 =	simm.s32 $0x0;
	s3 =	simm.s32 $0x2  }
0x6: {  	[smem:$0x7FF] =	sst s2;
	s19 =	sadd.s32 $0x9400, s14;
	s5 =	sshrl.u32 s20, $0x3  }
0x7: {  	s1 =	rddreg [dreg:$0x1];
	_ =	strace $0x80000047;
	s4 =	sadd.s32 s19, s5  }
0x8: {  	[tilespmem:s2], [sflag:$0x2] =	stream.linear.gather [hbm4b:s4+s2], $0x2C0, $0x38;
	[tilespmem:$0x16580] =	vst v63  }
0x9: {  	_ =	swait.ge [sflag:s3], $0x2C0  }
0xa: {  	s22 =	sadd.s32 $0x7200, s14;
	[sflag:s3] =	ssyncset.done $0x0  }
0xb: {  	s6 =	simm.s32 $0x2C0;
	s5 =	sadd.s32 s22, s5;
	[sflag:s3] =	ssyncadd.s32 $0xFFFFFD40  }
0xc: {  	[tilespmem:s6], [sflag:$0x2] =	stream.linear.gather [hbm4b:s5+s2], $0x2C0, $0x38;
	[tilespmem:$0x16580] =	vst v63  }
0xd: {  	_ =	swait.ge [sflag:s3], $0x2C0  }
0xe: {  	[sflag:s3] =	ssyncset.done $0x0  }
0xf: {  	s8 =	simm.s32 $0x580;
	s7 =	sadd.s32 $0x192000, s14;
	[sflag:s3] =	ssyncadd.s32 $0xFFFFFD40  }
0x10: {  	[tilespmem:s8], [sflag:$0x1] =	stream.indirect.gather [hbm4b:s7+s6], $0x40, s2, s6, $0xb8;
	[tilespmem:$0x16580] =	vst v63  }
0x11: {  	s9 =	simm.s32 $0xB580;
	s10 =	simm.s32 $0x1  }
0x12: {  	[tilespmem:s9], [sflag:$0x1] =	stream.indirect.gather [hbm4b:s7+s6], $0x40, s6, s6, $0xb8;
	[tilespmem:$0x16580] =	vst v63  }
0x13: {  	_ =	swait.ge [sflag:s10], $0xB000  }
0x14: {  	[sflag:s10] =	ssyncset.done $0x0  }
0x15: {  	[sflag:s10] =	ssyncadd.s32 $0xFFFF5000  }
0x16: {  	s15 =	smul.u32 $0x8400, s11;
	_ =	swait.ge [sflag:s10], $0xB000  }
0x17: {  	s12 =	simm.s32 $0x40;
	s23 =	sadd.s32 $0xB600, s14;
	[sflag:s10] =	ssyncset.done $0x0  }
0x18: {  	s13 =	simm.s32 $0x80;
	s11 =	sadd.s32 s23, s15;
	[sflag:s10] =	ssyncadd.s32 $0xFFFF5000  }
0x19: {  	[hbm4b:s11+s12] =	stream.strided.scatter [tilespmem:s8], [sflag:$0x2], $0xB000, s13, s12, $0x38;
	[tilespmem:$0x16580] =	vst v63  }
0x1a: {  	_ =	swait.ge [sflag:s3], $0xB000  }
0x1b: {  	s24 =	sadd.s32 $0xB608, s14;
	[sflag:s3] =	ssyncset.done $0x0  }
0x1c: {  	s14 =	sadd.s32 s15, s24;
	[sflag:s3] =	ssyncadd.s32 $0xFFFF5000  }
0x1d: {  	[hbm4b:s14+s12] =	stream.strided.scatter [tilespmem:s9], [sflag:$0x2], $0xB000, s13, s12, $0x38;
	[tilespmem:$0x16580] =	vst v63  }
0x1e: {  	s17 =	sadd.s32 $0x2C0, s20;
	_ =	swait.ge [sflag:s3], $0xB000  }
0x1f: {  	s16 =	sshrl.u32 s17, $0x3;
	[sflag:s3] =	ssyncset.done $0x0  }
0x20: {  	s15 =	sadd.s32 s19, s16;
	[sflag:s3] =	ssyncadd.s32 $0xFFFF5000  }
0x21: {  	[tilespmem:s2], [sflag:$0x2] =	stream.linear.gather [hbm4b:s15+s2], $0x2C0, $0x38;
	[tilespmem:$0x16580] =	vst v63  }
0x22: {  	_ =	swait.ge [sflag:s3], $0x2C0  }
0x23: {  	[sflag:s3] =	ssyncset.done $0x0  }
0x24: {  	s16 =	sadd.s32 s22, s16;
	[sflag:s3] =	ssyncadd.s32 $0xFFFFFD40  }
0x25: {  	[tilespmem:s6], [sflag:$0x2] =	stream.linear.gather [hbm4b:s16+s2], $0x2C0, $0x38;
	[tilespmem:$0x16580] =	vst v63  }
0x26: {  	_ =	swait.ge [sflag:s3], $0x2C0  }
0x27: {  	[sflag:s3] =	ssyncset.done $0x0  }
0x28: {  	[sflag:s3] =	ssyncadd.s32 $0xFFFFFD40  }
0x29: {  	[tilespmem:s8], [sflag:$0x1] =	stream.indirect.gather [hbm4b:s7+s6], $0x40, s2, s6, $0xb8;
	[tilespmem:$0x16580] =	vst v63  }
0x2a: {  	_ = 	snop  }
0x2b: {  	[tilespmem:s9], [sflag:$0x1] =	stream.indirect.gather [hbm4b:s7+s6], $0x40, s6, s6, $0xb8;
	[tilespmem:$0x16580] =	vst v63  }
0x2c: {  	_ =	swait.ge [sflag:s10], $0xB000  }
0x2d: {  	[sflag:s10] =	ssyncset.done $0x0  }
0x2e: {  	[sflag:s10] =	ssyncadd.s32 $0xFFFF5000  }
0x2f: {  	_ =	swait.ge [sflag:s10], $0xB000  }
0x30: {  	s18 =	sshll.u32 s17, $0x4;
	[sflag:s10] =	ssyncset.done $0x0  }
0x31: {  	s17 =	sadd.s32 s23, s18;
	[sflag:s10] =	ssyncadd.s32 $0xFFFF5000  }
0x32: {  	[hbm4b:s17+s12] =	stream.strided.scatter [tilespmem:s8], [sflag:$0x2], $0xB000, s13, s12, $0x38;
	[tilespmem:$0x16580] =	vst v63  }
0x33: {  	_ =	swait.ge [sflag:s3], $0xB000  }
0x34: {  	[sflag:s3] =	ssyncset.done $0x0  }
0x35: {  	s18 =	sadd.s32 s18, s24;
	[sflag:s3] =	ssyncadd.s32 $0xFFFF5000  }
0x36: {  	[hbm4b:s18+s12] =	stream.strided.scatter [tilespmem:s9], [sflag:$0x2], $0xB000, s13, s12, $0x38;
	[tilespmem:$0x16580] =	vst v63  }
0x37: {  	s25 =	sadd.s32 $0x580, s20;
	_ =	swait.ge [sflag:s3], $0xB000  }
0x38: {  	s20 =	sshrl.u32 s25, $0x3;
	[sflag:s3] =	ssyncset.done $0x0  }
0x39: {  	s19 =	sadd.s32 s19, s20;
	[sflag:s3] =	ssyncadd.s32 $0xFFFF5000  }
0x3a: {  	[tilespmem:s2], [sflag:$0x2] =	stream.linear.gather [hbm4b:s19+s2], $0x2C0, $0x38;
	[tilespmem:$0x16580] =	vst v63  }
0x3b: {  	_ =	swait.ge [sflag:s3], $0x2C0  }
0x3c: {  	[sflag:s3] =	ssyncset.done $0x0  }
0x3d: {  	s20 =	sadd.s32 s22, s20;
	[sflag:s3] =	ssyncadd.s32 $0xFFFFFD40  }
0x3e: {  	[tilespmem:s6], [sflag:$0x2] =	stream.linear.gather [hbm4b:s20+s2], $0x2C0, $0x38;
	[tilespmem:$0x16580] =	vst v63  }
0x3f: {  	_ =	swait.ge [sflag:s3], $0x2C0  }
0x40: {  	[sflag:s3] =	ssyncset.done $0x0  }
0x41: {  	[sflag:s3] =	ssyncadd.s32 $0xFFFFFD40  }
0x42: {  	[tilespmem:s8], [sflag:$0x1] =	stream.indirect.gather [hbm4b:s7+s6], $0x40, s2, s6, $0xb8;
	[tilespmem:$0x16580] =	vst v63  }
0x43: {  	_ = 	snop  }
0x44: {  	[tilespmem:s9], [sflag:$0x1] =	stream.indirect.gather [hbm4b:s7+s6], $0x40, s6, s6, $0xb8;
	[tilespmem:$0x16580] =	vst v63  }
0x45: {  	_ =	swait.ge [sflag:s10], $0xB000  }
0x46: {  	[sflag:s10] =	ssyncset.done $0x0  }
0x47: {  	s30 =	ssub.s32 $0x2, s21;
	[sflag:s10] =	ssyncadd.s32 $0xFFFF5000  }
0x48: {  	s31 =	sshrl.u32 s30, $0x1;
	s29 =	sshll.u32 s25, $0x4;
	_ =	swait.ge [sflag:s10], $0xB000  }
0x49: {  	s21 =	sadd.s32 s23, s29;
	s23 =	ssub.s32 s30, s31;
	[sflag:s10] =	ssyncset.done $0x0  }
0x4a: {  	s23 =	smax.u32 s23, $0x1;
	[sflag:s10] =	ssyncadd.s32 $0xFFFF5000  }
0x4b: {  	[hbm4b:s21+s12] =	stream.strided.scatter [tilespmem:s8], [sflag:$0x2], $0xB000, s13, s12, $0x38;
	[tilespmem:$0x16580] =	vst v63  }
0x4c: {  	p0 =	sne.s32 s23, $0x1;
	_ =	swait.ge [sflag:s3], $0xB000  }
.Ltmp0:
0x4d: {  	[sflag:s3] =	ssyncset.done $0x0;
	(pc) =	sbr.rel @!p0 .LBB2_2-.Ltmp0, $4  }
0x4e: {  	s22 =	sadd.s32 s29, s24;
	[sflag:s3] =	ssyncadd.s32 $0xFFFF5000  }
0x4f: {  	[hbm4b:s22+s12] =	stream.strided.scatter [tilespmem:s9], [sflag:$0x2], $0xB000, s13, s12, $0x38;
	[tilespmem:$0x16580] =	vst v63  }
0x50: {  	_ =	swait.ge [sflag:s3], $0xB000  }
0x51: {  	s23 =	sadd.s32 $0xFFFFFFFF, s23;
	[sflag:s3] =	ssyncset.done $0x0  }
.LBB2_1:
0x52: {  	p0 =	sne.s32 s23, $0x1;
	s23 =	sadd.s32 $0xFFFFFFFF, s23;
	[sflag:s3] =	ssyncadd.s32 $0xFFFF5000  }
0x53: {  	[tilespmem:s2], [sflag:$0x2] =	stream.linear.gather [hbm4b:s4+s2], $0x2C0, $0x38;
	[tilespmem:$0x16580] =	vst v63  }
0x54: {  	_ =	swait.ge [sflag:s3], $0x2C0  }
0x55: {  	[sflag:s3] =	ssyncset.done $0x0  }
0x56: {  	[sflag:s3] =	ssyncadd.s32 $0xFFFFFD40  }
0x57: {  	[tilespmem:s6], [sflag:$0x2] =	stream.linear.gather [hbm4b:s5+s2], $0x2C0, $0x38;
	[tilespmem:$0x16580] =	vst v63  }
0x58: {  	_ =	swait.ge [sflag:s3], $0x2C0  }
0x59: {  	[sflag:s3] =	ssyncset.done $0x0  }
0x5a: {  	[sflag:s3] =	ssyncadd.s32 $0xFFFFFD40  }
0x5b: {  	[tilespmem:s8], [sflag:$0x1] =	stream.indirect.gather [hbm4b:s7+s6], $0x40, s2, s6, $0xb8;
	[tilespmem:$0x16580] =	vst v63  }
0x5c: {  	_ = 	snop  }
0x5d: {  	[tilespmem:s9], [sflag:$0x1] =	stream.indirect.gather [hbm4b:s7+s6], $0x40, s6, s6, $0xb8;
	[tilespmem:$0x16580] =	vst v63  }
0x5e: {  	_ =	swait.ge [sflag:s10], $0xB000  }
0x5f: {  	[sflag:s10] =	ssyncset.done $0x0  }
0x60: {  	[sflag:s10] =	ssyncadd.s32 $0xFFFF5000  }
0x61: {  	_ =	swait.ge [sflag:s10], $0xB000  }
0x62: {  	[sflag:s10] =	ssyncset.done $0x0  }
0x63: {  	[sflag:s10] =	ssyncadd.s32 $0xFFFF5000  }
0x64: {  	[hbm4b:s11+s12] =	stream.strided.scatter [tilespmem:s8], [sflag:$0x2], $0xB000, s13, s12, $0x38;
	[tilespmem:$0x16580] =	vst v63  }
0x65: {  	_ =	swait.ge [sflag:s3], $0xB000  }
0x66: {  	[sflag:s3] =	ssyncset.done $0x0  }
0x67: {  	[sflag:s3] =	ssyncadd.s32 $0xFFFF5000  }
0x68: {  	[hbm4b:s14+s12] =	stream.strided.scatter [tilespmem:s9], [sflag:$0x2], $0xB000, s13, s12, $0x38;
	[tilespmem:$0x16580] =	vst v63  }
0x69: {  	_ =	swait.ge [sflag:s3], $0xB000  }
0x6a: {  	[sflag:s3] =	ssyncset.done $0x0  }
0x6b: {  	[sflag:s3] =	ssyncadd.s32 $0xFFFF5000  }
0x6c: {  	[tilespmem:s2], [sflag:$0x2] =	stream.linear.gather [hbm4b:s15+s2], $0x2C0, $0x38;
	[tilespmem:$0x16580] =	vst v63  }
0x6d: {  	_ =	swait.ge [sflag:s3], $0x2C0  }
0x6e: {  	[sflag:s3] =	ssyncset.done $0x0  }
0x6f: {  	[sflag:s3] =	ssyncadd.s32 $0xFFFFFD40  }
0x70: {  	[tilespmem:s6], [sflag:$0x2] =	stream.linear.gather [hbm4b:s16+s2], $0x2C0, $0x38;
	[tilespmem:$0x16580] =	vst v63  }
0x71: {  	_ =	swait.ge [sflag:s3], $0x2C0  }
0x72: {  	[sflag:s3] =	ssyncset.done $0x0  }
0x73: {  	[sflag:s3] =	ssyncadd.s32 $0xFFFFFD40  }
0x74: {  	[tilespmem:s8], [sflag:$0x1] =	stream.indirect.gather [hbm4b:s7+s6], $0x40, s2, s6, $0xb8;
	[tilespmem:$0x16580] =	vst v63  }
0x75: {  	_ = 	snop  }
0x76: {  	[tilespmem:s9], [sflag:$0x1] =	stream.indirect.gather [hbm4b:s7+s6], $0x40, s6, s6, $0xb8;
	[tilespmem:$0x16580] =	vst v63  }
0x77: {  	_ =	swait.ge [sflag:s10], $0xB000  }
0x78: {  	[sflag:s10] =	ssyncset.done $0x0  }
0x79: {  	[sflag:s10] =	ssyncadd.s32 $0xFFFF5000  }
0x7a: {  	_ =	swait.ge [sflag:s10], $0xB000  }
0x7b: {  	[sflag:s10] =	ssyncset.done $0x0  }
0x7c: {  	[sflag:s10] =	ssyncadd.s32 $0xFFFF5000  }
0x7d: {  	[hbm4b:s17+s12] =	stream.strided.scatter [tilespmem:s8], [sflag:$0x2], $0xB000, s13, s12, $0x38;
	[tilespmem:$0x16580] =	vst v63  }
0x7e: {  	_ =	swait.ge [sflag:s3], $0xB000  }
0x7f: {  	[sflag:s3] =	ssyncset.done $0x0  }
0x80: {  	[sflag:s3] =	ssyncadd.s32 $0xFFFF5000  }
0x81: {  	[hbm4b:s18+s12] =	stream.strided.scatter [tilespmem:s9], [sflag:$0x2], $0xB000, s13, s12, $0x38;
	[tilespmem:$0x16580] =	vst v63  }
0x82: {  	_ =	swait.ge [sflag:s3], $0xB000  }
0x83: {  	[sflag:s3] =	ssyncset.done $0x0  }
0x84: {  	[sflag:s3] =	ssyncadd.s32 $0xFFFF5000  }
0x85: {  	[tilespmem:s2], [sflag:$0x2] =	stream.linear.gather [hbm4b:s19+s2], $0x2C0, $0x38;
	[tilespmem:$0x16580] =	vst v63  }
0x86: {  	_ =	swait.ge [sflag:s3], $0x2C0  }
0x87: {  	[sflag:s3] =	ssyncset.done $0x0  }
0x88: {  	[sflag:s3] =	ssyncadd.s32 $0xFFFFFD40  }
0x89: {  	[tilespmem:s6], [sflag:$0x2] =	stream.linear.gather [hbm4b:s20+s2], $0x2C0, $0x38;
	[tilespmem:$0x16580] =	vst v63  }
0x8a: {  	_ =	swait.ge [sflag:s3], $0x2C0  }
0x8b: {  	[sflag:s3] =	ssyncset.done $0x0  }
0x8c: {  	[sflag:s3] =	ssyncadd.s32 $0xFFFFFD40  }
0x8d: {  	[tilespmem:s8], [sflag:$0x1] =	stream.indirect.gather [hbm4b:s7+s6], $0x40, s2, s6, $0xb8;
	[tilespmem:$0x16580] =	vst v63  }
0x8e: {  	_ = 	snop  }
0x8f: {  	[tilespmem:s9], [sflag:$0x1] =	stream.indirect.gather [hbm4b:s7+s6], $0x40, s6, s6, $0xb8;
	[tilespmem:$0x16580] =	vst v63  }
0x90: {  	_ =	swait.ge [sflag:s10], $0xB000  }
0x91: {  	[sflag:s10] =	ssyncset.done $0x0  }
0x92: {  	[sflag:s10] =	ssyncadd.s32 $0xFFFF5000  }
0x93: {  	_ =	swait.ge [sflag:s10], $0xB000  }
0x94: {  	[sflag:s10] =	ssyncset.done $0x0  }
0x95: {  	[sflag:s10] =	ssyncadd.s32 $0xFFFF5000  }
0x96: {  	[hbm4b:s21+s12] =	stream.strided.scatter [tilespmem:s8], [sflag:$0x2], $0xB000, s13, s12, $0x38;
	[tilespmem:$0x16580] =	vst v63  }
0x97: {  	_ =	swait.ge [sflag:s3], $0xB000  }
.Ltmp1:
0x98: {  	[sflag:s3] =	ssyncset.done $0x0;
	(pc) =	sbr.rel @p0 .LBB2_1-.Ltmp1, $4  }
0x99: {  	[sflag:s3] =	ssyncadd.s32 $0xFFFF5000  }
0x9a: {  	[hbm4b:s22+s12] =	stream.strided.scatter [tilespmem:s9], [sflag:$0x2], $0xB000, s13, s12, $0x38;
	[tilespmem:$0x16580] =	vst v63  }
0x9b: {  	_ =	swait.ge [sflag:s3], $0xB000  }
0x9c: {  	[sflag:s3] =	ssyncset.done $0x0  }
.LBB2_2:
0x9d: {  	[sflag:s3] =	ssyncadd.s32 $0xFFFF5000  }
0x9e: {  	_ =	sfence.sel $0x180000  }
0x9f: {  	[bflag:$0x0] =	sbarrier.arrive $0xFFFF  }
0xa0: {  	p0 =	sne.s32 s0, $0x0;
	_ =	strace $0x90000047  }
0xa1: {  	s0 =	sadd.s32 @!p0 $0x100000, s1;
	[bflag:$0x2] =	sbarrier.arrive $0xFFFF  }
0xa2: {  	[sflag:s0] =	ssyncadd.tile.s32 @!p0 $0x1;
	_ =	shalt  }
.Lfunc_end2:
_tile_overlayer_lowered:
.L_overlay_start_2:
0xa3: {  	(tag) =	ssettag $0x2  }
0xa4: {  	s0 =	rddreg [dreg:$0x0];
	s2 =	stileid.u32  }
0xa5: {  	s1 =	rddreg [dreg:$0x1];
	p0 =	sne.s32 s2, $0x0  }
0xa6: {  	s3 =	rddreg [dreg:$0x2];
	[bflag:$0x3] =	sbarrier.arrive $0xFFFF;
	s2 =	simm.s32 @!p0 $0x1C02  }
0xa7: {  	[timem:s3], [sflag:s2] =	dma.local @!p0 [hbm:s0], s1  }
0xa8: {  	s0 =	simm.s32 @!p0 $0x2  }
0xa9: {  	_ =	swait.ge @!p0 [sflag:s0], s1  }
0xaa: {  	s1 =	ssub.s32 @!p0 $0x0, s1;
	[sflag:s0] =	ssyncset.done @!p0 $0x0  }
0xab: {  	[sflag:s0] =	ssyncadd.s32 @!p0 s1  }
0xac: {  	[bflag:$0x3] =	sbarrier.arrive $0xFFFF  }
0xad: {  	_ =	shalt  }

</sc_bundles>
